<compile_context>
chip_gen: v7x
topology: tpu7x:2x2x1
jax: 0.10.2.dev20260603
libtpu: 0.0.44.dev20260713+nightly
codegen_flags: <defaults>
</compile_context>

<pallas_src>
import functools

import jax
import jax.numpy as jnp
from jax import lax
from jax.experimental import pallas as pl
from jax.experimental.pallas import tpu as pltpu
from jax.experimental.pallas import tpu_sc as plsc

N = 10000
E = 320000
D = 128

NC = 2
NS = 16
NW = NC * NS
EPW = E // NW
K = 128
PADE = 240
EPWP = EPW + PADE
CH = EPWP // K
NPAD = 128
NA = N + NPAD
ZPW = NA // NS
HALF = CH // 2 * K


def _seg_sum_body(with_deg, feat, ei3, *rest):
    if with_deg:
        (zeros1d, out_p0, out_p1, deg_out0, deg_out1, acc,
         ib0, ib1, ib2, ib3, rows0, rows1,
         semi0, semi1, semi2, semi3, semg0, semg1, sems0, sems1,
         dega, ones) = rest
    else:
        (out_p0, out_p1, acc, ib0, ib1, ib2, ib3, rows0, rows1,
         semi0, semi1, semi2, semi3, semg0, semg1, sems0, sems1) = rest
    c = lax.axis_index("c")
    s = lax.axis_index("s")
    w = c * NS + s
    cb = w * CH

    def idx(chunk, ib, sem):
        pltpu.async_copy(ei3.at[:, pl.ds(chunk * K, K)], ib, sem)

    def iwait(ib, sem):
        pltpu.make_async_copy(ei3.at[:, pl.ds(0, K)], ib, sem).wait()

    def gather(ib, rbuf, sem):
        pltpu.async_copy(feat.at[ib.at[0]], rbuf, sem)

    def gwait(rbuf, sem):
        pltpu.make_async_copy(feat.at[ib0.at[0]], rbuf, sem).wait()

    def scat(ib, rbuf, sem):
        pltpu.async_copy(rbuf, acc.at[ib.at[1]], sem, add=True)

    def swait(rbuf, sem):
        pltpu.make_async_copy(rbuf, acc.at[ib0.at[1]], sem).wait()

    def dscat(ib):
        pltpu.sync_copy(ones, dega.at[ib.at[1]], add=True)

    idx(cb + 0, ib0, semi0)
    idx(cb + 1, ib1, semi1)
    idx(cb + 2, ib2, semi2)
    idx(cb + 3, ib3, semi3)

    @pl.loop(0, K)
    def _(j):
        for q in range(D // 16):
            rows0[j, pl.ds(q * 16, 16)] = jnp.zeros((16,), jnp.float32)

    for j in range(ZPW // K):
        pltpu.sync_copy(rows0, acc.at[pl.ds(s * ZPW + j * K, K)])
    rem = ZPW - (ZPW // K) * K
    if rem:
        pltpu.sync_copy(rows0.at[pl.ds(0, rem)],
                        acc.at[pl.ds(s * ZPW + ZPW - rem, rem)])

    if with_deg:
        @pl.loop(0, K // 16)
        def _(i):
            ones[pl.ds(i * 16, 16)] = jnp.full((16,), 1.0, jnp.float32)

        @pl.when(s == 0)
        def _():
            pltpu.sync_copy(zeros1d, dega)

    plsc.subcore_barrier()
    iwait(ib0, semi0)
    gather(ib0, rows0, semg0)
    HI = CH // 4

    @pl.loop(0, HI)
    def _(i):
        c4 = cb + 4 * i + 4
        gwait(rows0, semg0)

        @pl.when(i > 0)
        def _():
            swait(rows1, sems1)
            idx(c4 - 1, ib3, semi3)

        iwait(ib1, semi1)
        gather(ib1, rows1, semg1)
        scat(ib0, rows0, sems0)
        if with_deg:
            dscat(ib0)
        gwait(rows1, semg1)
        swait(rows0, sems0)

        @pl.when(i < HI - 1)
        def _():
            idx(c4, ib0, semi0)

        iwait(ib2, semi2)
        gather(ib2, rows0, semg0)
        scat(ib1, rows1, sems1)
        if with_deg:
            dscat(ib1)
        gwait(rows0, semg0)
        swait(rows1, sems1)

        @pl.when(i < HI - 1)
        def _():
            idx(c4 + 1, ib1, semi1)

        iwait(ib3, semi3)
        gather(ib3, rows1, semg1)
        scat(ib2, rows0, sems0)
        if with_deg:
            dscat(ib2)
        gwait(rows1, semg1)
        swait(rows0, sems0)

        @pl.when(i < HI - 1)
        def _():
            idx(c4 + 2, ib2, semi2)
            iwait(ib0, semi0)
            gather(ib0, rows0, semg0)

        scat(ib3, rows1, sems1)
        if with_deg:
            dscat(ib3)

    swait(rows1, sems1)
    plsc.subcore_barrier()
    wb = 624
    tail = N - (NS - 1) * wb
    for cc, out_p in ((0, out_p0), (1, out_p1)):
        @pl.when(c == cc)
        def _():
            @pl.when(s < NS - 1)
            def _():
                pltpu.sync_copy(acc.at[pl.ds(s * wb, wb)],
                                out_p.at[pl.ds(s * wb, wb)])

            @pl.when(s == NS - 1)
            def _():
                pltpu.sync_copy(acc.at[pl.ds((NS - 1) * wb, tail)],
                                out_p.at[pl.ds((NS - 1) * wb, tail)])

    if with_deg:
        for cc, deg_out in ((0, deg_out0), (1, deg_out1)):
            @pl.when(jnp.logical_and(s == 0, c == cc))
            def _():
                pltpu.sync_copy(dega, deg_out)


def _make_seg_sum(with_deg):
    mesh = plsc.VectorSubcoreMesh(core_axis_name="c", subcore_axis_name="s")
    outs = [jax.ShapeDtypeStruct((N, D), jnp.float32),
            jax.ShapeDtypeStruct((N, D), jnp.float32)]
    scratch = [
        pltpu.VMEM_SHARED((NA, D), jnp.float32),
        pltpu.VMEM((2, K), jnp.int32),
        pltpu.VMEM((2, K), jnp.int32),
        pltpu.VMEM((2, K), jnp.int32),
        pltpu.VMEM((2, K), jnp.int32),
        pltpu.VMEM((K, D), jnp.float32),
        pltpu.VMEM((K, D), jnp.float32),
        pltpu.SemaphoreType.DMA,
        pltpu.SemaphoreType.DMA,
        pltpu.SemaphoreType.DMA,
        pltpu.SemaphoreType.DMA,
        pltpu.SemaphoreType.DMA,
        pltpu.SemaphoreType.DMA,
        pltpu.SemaphoreType.DMA,
        pltpu.SemaphoreType.DMA,
    ]
    if with_deg:
        outs += [jax.ShapeDtypeStruct((NA,), jnp.float32),
                 jax.ShapeDtypeStruct((NA,), jnp.float32)]
        scratch += [
            pltpu.VMEM_SHARED((NA,), jnp.float32),
            pltpu.VMEM((K,), jnp.float32),
        ]
    return pl.kernel(
        functools.partial(_seg_sum_body, with_deg),
        out_type=tuple(outs),
        mesh=mesh,
        scratch_types=scratch,
    )


def _dinv_body(d0, d1, o):
    d = d0[...] + d1[...]
    v = 1.0 / jnp.maximum(d, 1.0)
    o[...] = v[:N].reshape(N, 1)


def _dinv(deg0, deg1):
    return pl.pallas_call(
        _dinv_body,
        in_specs=[pl.BlockSpec((NA,), lambda: (0,)),
                  pl.BlockSpec((NA,), lambda: (0,))],
        out_specs=pl.BlockSpec((N, 1), lambda: (0, 0)),
        out_shape=jax.ShapeDtypeStruct((N, 1), jnp.float32),
    )(deg0, deg1)


def _combine_body(relu, p0, p1, x, dinv, wl, wr, b, o):
    mean = (p0[...] + p1[...]) * dinv[...]
    acc = lax.dot_general(mean, wl[...], (((1,), (1,)), ((), ())),
                          preferred_element_type=jnp.float32)
    acc = acc + lax.dot_general(x[...], wr[...], (((1,), (1,)), ((), ())),
                                preferred_element_type=jnp.float32)
    acc = acc + b[...]
    o[...] = jnp.maximum(acc, 0.0) if relu else acc


def _combine(p0, p1, x, dinv, wl, wr, b, relu):
    bn = 2000
    nb = N // bn
    return pl.pallas_call(
        functools.partial(_combine_body, relu),
        grid=(nb,),
        in_specs=[
            pl.BlockSpec((bn, D), lambda i: (i, 0)),
            pl.BlockSpec((bn, D), lambda i: (i, 0)),
            pl.BlockSpec((bn, D), lambda i: (i, 0)),
            pl.BlockSpec((bn, 1), lambda i: (i, 0)),
            pl.BlockSpec((D, D), lambda i: (0, 0)),
            pl.BlockSpec((D, D), lambda i: (0, 0)),
            pl.BlockSpec((1, D), lambda i: (0, 0)),
        ],
        out_specs=pl.BlockSpec((bn, D), lambda i: (i, 0)),
        out_shape=jax.ShapeDtypeStruct((N, D), jnp.float32),
    )(p0, p1, x, dinv, wl, wr, b)


def kernel(x, edge_index, W1l, W1r, b1, W2l, W2r, b2):
    ii = jnp.arange(NW * PADE, dtype=jnp.int32).reshape(1, NW * PADE)
    pad = jnp.concatenate([(ii * 131) % N, N + (ii % NPAD)], axis=0)
    ei3 = jnp.concatenate([edge_index.astype(jnp.int32), pad], axis=1)
    b1r = b1.reshape(1, D)
    b2r = b2.reshape(1, D)

    p10, p11, deg0, deg1 = _make_seg_sum(True)(
        x, ei3, jnp.zeros((NA,), jnp.float32))
    dinv = _dinv(deg0, deg1)

    h = _combine(p10, p11, x, dinv, W1l, W1r, b1r, relu=True)
    p20, p21 = _make_seg_sum(False)(h, ei3)
    out = _combine(p20, p21, h, dinv, W2l, W2r, b2r, relu=False)
    return out

# --- scband reference (transcript-rebuilt; emitter-appended) ---
"""Pipeline reference for scband-gnnstack-49675591746180 (READ-ONLY COPY).

The authoritative reference and input builder live on the scoring server;
editing this copy changes nothing except your own understanding.
"""

import jax, jax.numpy as jnp
import numpy as np

N = 10000
E = 320000
D = 128


def setup_inputs(seed: int = 0) -> dict:
    key = jax.random.key(seed)
    ks = jax.random.split(key, 8)
    x = jax.random.normal(ks[0], (N, D), dtype=jnp.float32)
    edge_index = jax.random.randint(ks[1], (2, E), 0, N, dtype=jnp.int64)
    s = 1.0 / np.sqrt(D)
    W1l = jax.random.uniform(ks[2], (D, D), jnp.float32, -s, s)
    W1r = jax.random.uniform(ks[3], (D, D), jnp.float32, -s, s)
    b1 = jnp.zeros((D,), jnp.float32)
    W2l = jax.random.uniform(ks[4], (D, D), jnp.float32, -s, s)
    W2r = jax.random.uniform(ks[5], (D, D), jnp.float32, -s, s)
    b2 = jnp.zeros((D,), jnp.float32)
    return {"x": x, "edge_index": edge_index, "W1l": W1l, "W1r": W1r, "b1": b1,
            "W2l": W2l, "W2r": W2r, "b2": b2}


def _sage_conv(x, edge_index, Wl, Wr, b):
    # PyG SAGEConv (aggr='mean'): out = lin_l(mean_{j in N(i)} x_j) + lin_r(x_i) + bias
    src = edge_index[0]
    dst = edge_index[1]
    msg = jnp.take(x, src, axis=0)                      # gather  [E, D]
    summed = jax.ops.segment_sum(msg, dst, num_segments=x.shape[0])
    deg = jax.ops.segment_sum(jnp.ones((msg.shape[0],), x.dtype), dst,
                              num_segments=x.shape[0])
    mean = summed / jnp.clip(deg, 1.0)[:, None]
    return mean @ Wl.T + x @ Wr.T + b


def reference(x, edge_index, W1l, W1r, b1, W2l, W2r, b2):
    # GNNStack of 2 GraphSAGE layers with ReLU between (dropout=0 -> identity)
    h = _sage_conv(x, edge_index, W1l, W1r, b1)
    h = jax.nn.relu(h)
    out = _sage_conv(h, edge_index, W2l, W2r, b2)
    return out

if __name__ == "__main__":
    import jax
    _d = setup_inputs()
    print(jax.jit(kernel)(*tuple(_d.values())))

</pallas_src>

<mosaic_0001>
#map = affine_map<(d0, d1) -> (0, 0)>
#map1 = affine_map<(d0, d1) -> (0)>
module attributes {stable_mosaic.version = 14 : i64} {
  func.func @_seg_sum_body(%arg0: i32, %arg1: i32, %arg2: memref<10000x128xf32, #tpu.memory_space<hbm>>, %arg3: memref<2x327680xi32, #tpu.memory_space<hbm>>, %arg4: memref<10128xf32, #tpu.memory_space<hbm>>, %arg5: memref<10000x128xf32, #tpu.memory_space<hbm>>, %arg6: memref<10000x128xf32, #tpu.memory_space<hbm>>, %arg7: memref<10128xf32, #tpu.memory_space<hbm>>, %arg8: memref<10128xf32, #tpu.memory_space<hbm>>, %arg9: memref<10128x128xf32, #tpu.memory_space<vmem_shared>>, %arg10: memref<2x128xi32, #tpu.memory_space<vmem>>, %arg11: memref<2x128xi32, #tpu.memory_space<vmem>>, %arg12: memref<2x128xi32, #tpu.memory_space<vmem>>, %arg13: memref<2x128xi32, #tpu.memory_space<vmem>>, %arg14: memref<128x128xf32, #tpu.memory_space<vmem>>, %arg15: memref<128x128xf32, #tpu.memory_space<vmem>>, %arg16: memref<!tpu.dma_semaphore, #tpu.memory_space<semaphore_mem>>, %arg17: memref<!tpu.dma_semaphore, #tpu.memory_space<semaphore_mem>>, %arg18: memref<!tpu.dma_semaphore, #tpu.memory_space<semaphore_mem>>, %arg19: memref<!tpu.dma_semaphore, #tpu.memory_space<semaphore_mem>>, %arg20: memref<!tpu.dma_semaphore, #tpu.memory_space<semaphore_mem>>, %arg21: memref<!tpu.dma_semaphore, #tpu.memory_space<semaphore_mem>>, %arg22: memref<!tpu.dma_semaphore, #tpu.memory_space<semaphore_mem>>, %arg23: memref<!tpu.dma_semaphore, #tpu.memory_space<semaphore_mem>>, %arg24: memref<10128xf32, #tpu.memory_space<vmem_shared>>, %arg25: memref<128xf32, #tpu.memory_space<vmem>>) attributes {dimension_semantics = [#tpu.dimension_semantics<core_parallel>, #tpu.dimension_semantics<subcore_parallel>], iteration_bounds = array<i64: 2, 16>, scalar_prefetch = 0 : i64, scratch_operands = 17 : i64, tpu.core_type = #tpu.core_type<sc_vector_subcore>, window_params = [{transform_indices = #map}, {transform_indices = #map}, {transform_indices = #map1}, {transform_indices = #map}, {transform_indices = #map}, {transform_indices = #map1}, {transform_indices = #map1}]} {
    %mul3A = arith.constant 16 : i32
    %mul3A_0 = arith.muli %arg0, %mul3A : i32
    %add3A = arith.addi %mul3A_0, %arg1 : i32
    %mul3A_1 = arith.constant 80 : i32
    %mul3A_2 = arith.muli %add3A, %mul3A_1 : i32
    %add3A_3 = arith.constant 0 : i32
    %add3A_4 = arith.addi %mul3A_2, %add3A_3 : i32
    %mul3A_5 = arith.constant 128 : i32
    %mul3A_6 = arith.muli %add3A_4, %mul3A_5 : i32
    %dma_start3A = arith.constant 0 : i32
    %dma_start3A_7 = tpu.memref_slice %arg3[%dma_start3A, %mul3A_6] : memref<2x327680xi32, #tpu.memory_space<hbm>> -> memref<2x128xi32, #tpu.memory_space<hbm>>
    %dma_start3A_8 = arith.constant 0 : i32
    %dma_start3A_9 = tpu.memref_slice %arg3[%dma_start3A_8, %mul3A_6] : memref<2x327680xi32, #tpu.memory_space<hbm>> -> memref<2x128xi32, #tpu.memory_space<hbm>>
    tpu.enqueue_dma source(%dma_start3A_9 : memref<2x128xi32, #tpu.memory_space<hbm>>) target(%arg10 : memref<2x128xi32, #tpu.memory_space<vmem>>) target_semaphore(%arg16 : memref<!tpu.dma_semaphore, #tpu.memory_space<semaphore_mem>>)
    %add3A_10 = arith.constant 1 : i32
    %add3A_11 = arith.addi %mul3A_2, %add3A_10 : i32
    %mul3A_12 = arith.constant 128 : i32
    %mul3A_13 = arith.muli %add3A_11, %mul3A_12 : i32
    %dma_start3A_14 = arith.constant 0 : i32
    %dma_start3A_15 = tpu.memref_slice %arg3[%dma_start3A_14, %mul3A_13] : memref<2x327680xi32, #tpu.memory_space<hbm>> -> memref<2x128xi32, #tpu.memory_space<hbm>>
    %dma_start3A_16 = arith.constant 0 : i32
    %dma_start3A_17 = tpu.memref_slice %arg3[%dma_start3A_16, %mul3A_13] : memref<2x327680xi32, #tpu.memory_space<hbm>> -> memref<2x128xi32, #tpu.memory_space<hbm>>
    tpu.enqueue_dma source(%dma_start3A_17 : memref<2x128xi32, #tpu.memory_space<hbm>>) target(%arg11 : memref<2x128xi32, #tpu.memory_space<vmem>>) target_semaphore(%arg17 : memref<!tpu.dma_semaphore, #tpu.memory_space<semaphore_mem>>)
    %add3A_18 = arith.constant 2 : i32
    %add3A_19 = arith.addi %mul3A_2, %add3A_18 : i32
    %mul3A_20 = arith.constant 128 : i32
    %mul3A_21 = arith.muli %add3A_19, %mul3A_20 : i32
    %dma_start3A_22 = arith.constant 0 : i32
    %dma_start3A_23 = tpu.memref_slice %arg3[%dma_start3A_22, %mul3A_21] : memref<2x327680xi32, #tpu.memory_space<hbm>> -> memref<2x128xi32, #tpu.memory_space<hbm>>
    %dma_start3A_24 = arith.constant 0 : i32
    %dma_start3A_25 = tpu.memref_slice %arg3[%dma_start3A_24, %mul3A_21] : memref<2x327680xi32, #tpu.memory_space<hbm>> -> memref<2x128xi32, #tpu.memory_space<hbm>>
    tpu.enqueue_dma source(%dma_start3A_25 : memref<2x128xi32, #tpu.memory_space<hbm>>) target(%arg12 : memref<2x128xi32, #tpu.memory_space<vmem>>) target_semaphore(%arg18 : memref<!tpu.dma_semaphore, #tpu.memory_space<semaphore_mem>>)
    %add3A_26 = arith.constant 3 : i32
    %add3A_27 = arith.addi %mul3A_2, %add3A_26 : i32
    %mul3A_28 = arith.constant 128 : i32
    %mul3A_29 = arith.muli %add3A_27, %mul3A_28 : i32
    %dma_start3A_30 = arith.constant 0 : i32
    %dma_start3A_31 = tpu.memref_slice %arg3[%dma_start3A_30, %mul3A_29] : memref<2x327680xi32, #tpu.memory_space<hbm>> -> memref<2x128xi32, #tpu.memory_space<hbm>>
    %dma_start3A_32 = arith.constant 0 : i32
    %dma_start3A_33 = tpu.memref_slice %arg3[%dma_start3A_32, %mul3A_29] : memref<2x327680xi32, #tpu.memory_space<hbm>> -> memref<2x128xi32, #tpu.memory_space<hbm>>
    tpu.enqueue_dma source(%dma_start3A_33 : memref<2x128xi32, #tpu.memory_space<hbm>>) target(%arg13 : memref<2x128xi32, #tpu.memory_space<vmem>>) target_semaphore(%arg19 : memref<!tpu.dma_semaphore, #tpu.memory_space<semaphore_mem>>)
    %scan3A = arith.constant 0 : i32
    %scan3A_34 = arith.constant 128 : i32
    %scan3A_35 = arith.addi %scan3A, %scan3A_34 : i32
    %scan3A_36 = arith.constant 1 : i32
    scf.for %scan3A_116 = %scan3A to %scan3A_35 step %scan3A_36  : i32 {
      %mul3A_117 = arith.constant 1 : i32
      %mul3A_118 = arith.muli %scan3A_116, %mul3A_117 : i32
      %add3A_119 = arith.constant 0 : i32
      %add3A_120 = arith.addi %add3A_119, %mul3A_118 : i32
      %broadcast_in_dim3A = arith.constant 0.000000e+00 : f32
      %broadcast_in_dim3A_121 = vector.broadcast %broadcast_in_dim3A : f32 to vector<16xf32>
      %swap3A = arith.index_cast %add3A_120 : i32 to index
      %swap3A_122 = arith.constant 0 : index
      %swap3A_123 = tpu.vector_load %arg14[%swap3A, %swap3A_122] {strides = array<i32>} : memref<128x128xf32, #tpu.memory_space<vmem>>, vector<1x16xf32>,
      %swap3A_124 = vector.shape_cast %swap3A_123 : vector<1x16xf32> to vector<16xf32>
      %swap3A_125 = vector.shape_cast %broadcast_in_dim3A_121 : vector<16xf32> to vector<1x16xf32>
      tpu.vector_store %arg14[%swap3A, %swap3A_122], %swap3A_125 {strides = array<i32>} : memref<128x128xf32, #tpu.memory_space<vmem>>, vector<1x16xf32>,
      %broadcast_in_dim3A_126 = arith.constant 0.000000e+00 : f32
      %broadcast_in_dim3A_127 = vector.broadcast %broadcast_in_dim3A_126 : f32 to vector<16xf32>
      %swap3A_128 = arith.index_cast %add3A_120 : i32 to index
      %swap3A_129 = arith.constant 16 : index
      %swap3A_130 = tpu.vector_load %arg14[%swap3A_128, %swap3A_129] {strides = array<i32>} : memref<128x128xf32, #tpu.memory_space<vmem>>, vector<1x16xf32>,
      %swap3A_131 = vector.shape_cast %swap3A_130 : vector<1x16xf32> to vector<16xf32>
      %swap3A_132 = vector.shape_cast %broadcast_in_dim3A_127 : vector<16xf32> to vector<1x16xf32>
      tpu.vector_store %arg14[%swap3A_128, %swap3A_129], %swap3A_132 {strides = array<i32>} : memref<128x128xf32, #tpu.memory_space<vmem>>, vector<1x16xf32>,
      %broadcast_in_dim3A_133 = arith.constant 0.000000e+00 : f32
      %broadcast_in_dim3A_134 = vector.broadcast %broadcast_in_dim3A_133 : f32 to vector<16xf32>
      %swap3A_135 = arith.index_cast %add3A_120 : i32 to index
      %swap3A_136 = arith.constant 32 : index
      %swap3A_137 = tpu.vector_load %arg14[%swap3A_135, %swap3A_136] {strides = array<i32>} : memref<128x128xf32, #tpu.memory_space<vmem>>, vector<1x16xf32>,
      %swap3A_138 = vector.shape_cast %swap3A_137 : vector<1x16xf32> to vector<16xf32>
      %swap3A_139 = vector.shape_cast %broadcast_in_dim3A_134 : vector<16xf32> to vector<1x16xf32>
      tpu.vector_store %arg14[%swap3A_135, %swap3A_136], %swap3A_139 {strides = array<i32>} : memref<128x128xf32, #tpu.memory_space<vmem>>, vector<1x16xf32>,
      %broadcast_in_dim3A_140 = arith.constant 0.000000e+00 : f32
      %broadcast_in_dim3A_141 = vector.broadcast %broadcast_in_dim3A_140 : f32 to vector<16xf32>
      %swap3A_142 = arith.index_cast %add3A_120 : i32 to index
      %swap3A_143 = arith.constant 48 : index
      %swap3A_144 = tpu.vector_load %arg14[%swap3A_142, %swap3A_143] {strides = array<i32>} : memref<128x128xf32, #tpu.memory_space<vmem>>, vector<1x16xf32>,
      %swap3A_145 = vector.shape_cast %swap3A_144 : vector<1x16xf32> to vector<16xf32>
      %swap3A_146 = vector.shape_cast %broadcast_in_dim3A_141 : vector<16xf32> to vector<1x16xf32>
      tpu.vector_store %arg14[%swap3A_142, %swap3A_143], %swap3A_146 {strides = array<i32>} : memref<128x128xf32, #tpu.memory_space<vmem>>, vector<1x16xf32>,
      %broadcast_in_dim3A_147 = arith.constant 0.000000e+00 : f32
      %broadcast_in_dim3A_148 = vector.broadcast %broadcast_in_dim3A_147 : f32 to vector<16xf32>
      %swap3A_149 = arith.index_cast %add3A_120 : i32 to index
      %swap3A_150 = arith.constant 64 : index
      %swap3A_151 = tpu.vector_load %arg14[%swap3A_149, %swap3A_150] {strides = array<i32>} : memref<128x128xf32, #tpu.memory_space<vmem>>, vector<1x16xf32>,
      %swap3A_152 = vector.shape_cast %swap3A_151 : vector<1x16xf32> to vector<16xf32>
      %swap3A_153 = vector.shape_cast %broadcast_in_dim3A_148 : vector<16xf32> to vector<1x16xf32>
      tpu.vector_store %arg14[%swap3A_149, %swap3A_150], %swap3A_153 {strides = array<i32>} : memref<128x128xf32, #tpu.memory_space<vmem>>, vector<1x16xf32>,
      %broadcast_in_dim3A_154 = arith.constant 0.000000e+00 : f32
      %broadcast_in_dim3A_155 = vector.broadcast %broadcast_in_dim3A_154 : f32 to vector<16xf32>
      %swap3A_156 = arith.index_cast %add3A_120 : i32 to index
      %swap3A_157 = arith.constant 80 : index
      %swap3A_158 = tpu.vector_load %arg14[%swap3A_156, %swap3A_157] {strides = array<i32>} : memref<128x128xf32, #tpu.memory_space<vmem>>, vector<1x16xf32>,
      %swap3A_159 = vector.shape_cast %swap3A_158 : vector<1x16xf32> to vector<16xf32>
      %swap3A_160 = vector.shape_cast %broadcast_in_dim3A_155 : vector<16xf32> to vector<1x16xf32>
      tpu.vector_store %arg14[%swap3A_156, %swap3A_157], %swap3A_160 {strides = array<i32>} : memref<128x128xf32, #tpu.memory_space<vmem>>, vector<1x16xf32>,
      %broadcast_in_dim3A_161 = arith.constant 0.000000e+00 : f32
      %broadcast_in_dim3A_162 = vector.broadcast %broadcast_in_dim3A_161 : f32 to vector<16xf32>
      %swap3A_163 = arith.index_cast %add3A_120 : i32 to index
      %swap3A_164 = arith.constant 96 : index
      %swap3A_165 = tpu.vector_load %arg14[%swap3A_163, %swap3A_164] {strides = array<i32>} : memref<128x128xf32, #tpu.memory_space<vmem>>, vector<1x16xf32>,
      %swap3A_166 = vector.shape_cast %swap3A_165 : vector<1x16xf32> to vector<16xf32>
      %swap3A_167 = vector.shape_cast %broadcast_in_dim3A_162 : vector<16xf32> to vector<1x16xf32>
      tpu.vector_store %arg14[%swap3A_163, %swap3A_164], %swap3A_167 {strides = array<i32>} : memref<128x128xf32, #tpu.memory_space<vmem>>, vector<1x16xf32>,
      %broadcast_in_dim3A_168 = arith.constant 0.000000e+00 : f32
      %broadcast_in_dim3A_169 = vector.broadcast %broadcast_in_dim3A_168 : f32 to vector<16xf32>
      %swap3A_170 = arith.index_cast %add3A_120 : i32 to index
      %swap3A_171 = arith.constant 112 : index
      %swap3A_172 = tpu.vector_load %arg14[%swap3A_170, %swap3A_171] {strides = array<i32>} : memref<128x128xf32, #tpu.memory_space<vmem>>, vector<1x16xf32>,
      %swap3A_173 = vector.shape_cast %swap3A_172 : vector<1x16xf32> to vector<16xf32>
      %swap3A_174 = vector.shape_cast %broadcast_in_dim3A_169 : vector<16xf32> to vector<1x16xf32>
      tpu.vector_store %arg14[%swap3A_170, %swap3A_171], %swap3A_174 {strides = array<i32>} : memref<128x128xf32, #tpu.memory_space<vmem>>, vector<1x16xf32>,
    }
    %scan3A_37 = arith.constant 128 : i32
    %mul3A_38 = arith.constant 633 : i32
    %mul3A_39 = arith.muli %arg1, %mul3A_38 : i32
    %add3A_40 = arith.constant 0 : i32
    %add3A_41 = arith.addi %mul3A_39, %add3A_40 : i32
    "tpu.region"() ({
      %run_scoped3A = tpu.sem_alloc : memref<!tpu.dma_semaphore, #tpu.memory_space<semaphore_mem>>
      %dma_start3A_116 = arith.constant 0 : i32
      %dma_start3A_117 = tpu.memref_slice %arg9[%add3A_41, %dma_start3A_116] : memref<10128x128xf32, #tpu.memory_space<vmem_shared>> -> memref<128x128xf32, #tpu.memory_space<vmem_shared>>
      %dma_start3A_118 = arith.constant 0 : i32
      %dma_start3A_119 = tpu.memref_slice %arg9[%add3A_41, %dma_start3A_118] : memref<10128x128xf32, #tpu.memory_space<vmem_shared>> -> memref<128x128xf32, #tpu.memory_space<vmem_shared>>
      tpu.enqueue_dma source(%arg14 : memref<128x128xf32, #tpu.memory_space<vmem>>) target(%dma_start3A_119 : memref<128x128xf32, #tpu.memory_space<vmem_shared>>) target_semaphore(%run_scoped3A : memref<!tpu.dma_semaphore, #tpu.memory_space<semaphore_mem>>)
      %dma_wait3A_120 = arith.constant 0 : i32
      %dma_wait3A_121 = tpu.memref_slice %arg9[%add3A_41, %dma_wait3A_120] : memref<10128x128xf32, #tpu.memory_space<vmem_shared>> -> memref<128x128xf32, #tpu.memory_space<vmem_shared>>
      %dma_wait3A_122 = arith.constant 0 : i32
      %dma_wait3A_123 = tpu.memref_slice %arg9[%add3A_41, %dma_wait3A_122] : memref<10128x128xf32, #tpu.memory_space<vmem_shared>> -> memref<128x128xf32, #tpu.memory_space<vmem_shared>>
      tpu.wait_dma2 semaphore(%run_scoped3A : memref<!tpu.dma_semaphore, #tpu.memory_space<semaphore_mem>>) src(%arg14 : memref<128x128xf32, #tpu.memory_space<vmem>>) dst(%dma_wait3A_123 : memref<128x128xf32, #tpu.memory_space<vmem_shared>>)
      tpu.yield
    }) : () -> ()
    %mul3A_42 = arith.constant 633 : i32
    %mul3A_43 = arith.muli %arg1, %mul3A_42 : i32
    %add3A_44 = arith.constant 128 : i32
    %add3A_45 = arith.addi %mul3A_43, %add3A_44 : i32
    "tpu.region"() ({
      %run_scoped3A = tpu.sem_alloc : memref<!tpu.dma_semaphore, #tpu.memory_space<semaphore_mem>>
      %dma_start3A_116 = arith.constant 0 : i32
      %dma_start3A_117 = tpu.memref_slice %arg9[%add3A_45, %dma_start3A_116] : memref<10128x128xf32, #tpu.memory_space<vmem_shared>> -> memref<128x128xf32, #tpu.memory_space<vmem_shared>>
      %dma_start3A_118 = arith.constant 0 : i32
      %dma_start3A_119 = tpu.memref_slice %arg9[%add3A_45, %dma_start3A_118] : memref<10128x128xf32, #tpu.memory_space<vmem_shared>> -> memref<128x128xf32, #tpu.memory_space<vmem_shared>>
      tpu.enqueue_dma source(%arg14 : memref<128x128xf32, #tpu.memory_space<vmem>>) target(%dma_start3A_119 : memref<128x128xf32, #tpu.memory_space<vmem_shared>>) target_semaphore(%run_scoped3A : memref<!tpu.dma_semaphore, #tpu.memory_space<semaphore_mem>>)
      %dma_wait3A_120 = arith.constant 0 : i32
      %dma_wait3A_121 = tpu.memref_slice %arg9[%add3A_45, %dma_wait3A_120] : memref<10128x128xf32, #tpu.memory_space<vmem_shared>> -> memref<128x128xf32, #tpu.memory_space<vmem_shared>>
      %dma_wait3A_122 = arith.constant 0 : i32
      %dma_wait3A_123 = tpu.memref_slice %arg9[%add3A_45, %dma_wait3A_122] : memref<10128x128xf32, #tpu.memory_space<vmem_shared>> -> memref<128x128xf32, #tpu.memory_space<vmem_shared>>
      tpu.wait_dma2 semaphore(%run_scoped3A : memref<!tpu.dma_semaphore, #tpu.memory_space<semaphore_mem>>) src(%arg14 : memref<128x128xf32, #tpu.memory_space<vmem>>) dst(%dma_wait3A_123 : memref<128x128xf32, #tpu.memory_space<vmem_shared>>)
      tpu.yield
    }) : () -> ()
    %mul3A_46 = arith.constant 633 : i32
    %mul3A_47 = arith.muli %arg1, %mul3A_46 : i32
    %add3A_48 = arith.constant 256 : i32
    %add3A_49 = arith.addi %mul3A_47, %add3A_48 : i32
    "tpu.region"() ({
      %run_scoped3A = tpu.sem_alloc : memref<!tpu.dma_semaphore, #tpu.memory_space<semaphore_mem>>
      %dma_start3A_116 = arith.constant 0 : i32
      %dma_start3A_117 = tpu.memref_slice %arg9[%add3A_49, %dma_start3A_116] : memref<10128x128xf32, #tpu.memory_space<vmem_shared>> -> memref<128x128xf32, #tpu.memory_space<vmem_shared>>
      %dma_start3A_118 = arith.constant 0 : i32
      %dma_start3A_119 = tpu.memref_slice %arg9[%add3A_49, %dma_start3A_118] : memref<10128x128xf32, #tpu.memory_space<vmem_shared>> -> memref<128x128xf32, #tpu.memory_space<vmem_shared>>
      tpu.enqueue_dma source(%arg14 : memref<128x128xf32, #tpu.memory_space<vmem>>) target(%dma_start3A_119 : memref<128x128xf32, #tpu.memory_space<vmem_shared>>) target_semaphore(%run_scoped3A : memref<!tpu.dma_semaphore, #tpu.memory_space<semaphore_mem>>)
      %dma_wait3A_120 = arith.constant 0 : i32
      %dma_wait3A_121 = tpu.memref_slice %arg9[%add3A_49, %dma_wait3A_120] : memref<10128x128xf32, #tpu.memory_space<vmem_shared>> -> memref<128x128xf32, #tpu.memory_space<vmem_shared>>
      %dma_wait3A_122 = arith.constant 0 : i32
      %dma_wait3A_123 = tpu.memref_slice %arg9[%add3A_49, %dma_wait3A_122] : memref<10128x128xf32, #tpu.memory_space<vmem_shared>> -> memref<128x128xf32, #tpu.memory_space<vmem_shared>>
      tpu.wait_dma2 semaphore(%run_scoped3A : memref<!tpu.dma_semaphore, #tpu.memory_space<semaphore_mem>>) src(%arg14 : memref<128x128xf32, #tpu.memory_space<vmem>>) dst(%dma_wait3A_123 : memref<128x128xf32, #tpu.memory_space<vmem_shared>>)
      tpu.yield
    }) : () -> ()
    %mul3A_50 = arith.constant 633 : i32
    %mul3A_51 = arith.muli %arg1, %mul3A_50 : i32
    %add3A_52 = arith.constant 384 : i32
    %add3A_53 = arith.addi %mul3A_51, %add3A_52 : i32
    "tpu.region"() ({
      %run_scoped3A = tpu.sem_alloc : memref<!tpu.dma_semaphore, #tpu.memory_space<semaphore_mem>>
      %dma_start3A_116 = arith.constant 0 : i32
      %dma_start3A_117 = tpu.memref_slice %arg9[%add3A_53, %dma_start3A_116] : memref<10128x128xf32, #tpu.memory_space<vmem_shared>> -> memref<128x128xf32, #tpu.memory_space<vmem_shared>>
      %dma_start3A_118 = arith.constant 0 : i32
      %dma_start3A_119 = tpu.memref_slice %arg9[%add3A_53, %dma_start3A_118] : memref<10128x128xf32, #tpu.memory_space<vmem_shared>> -> memref<128x128xf32, #tpu.memory_space<vmem_shared>>
      tpu.enqueue_dma source(%arg14 : memref<128x128xf32, #tpu.memory_space<vmem>>) target(%dma_start3A_119 : memref<128x128xf32, #tpu.memory_space<vmem_shared>>) target_semaphore(%run_scoped3A : memref<!tpu.dma_semaphore, #tpu.memory_space<semaphore_mem>>)
      %dma_wait3A_120 = arith.constant 0 : i32
      %dma_wait3A_121 = tpu.memref_slice %arg9[%add3A_53, %dma_wait3A_120] : memref<10128x128xf32, #tpu.memory_space<vmem_shared>> -> memref<128x128xf32, #tpu.memory_space<vmem_shared>>
      %dma_wait3A_122 = arith.constant 0 : i32
      %dma_wait3A_123 = tpu.memref_slice %arg9[%add3A_53, %dma_wait3A_122] : memref<10128x128xf32, #tpu.memory_space<vmem_shared>> -> memref<128x128xf32, #tpu.memory_space<vmem_shared>>
      tpu.wait_dma2 semaphore(%run_scoped3A : memref<!tpu.dma_semaphore, #tpu.memory_space<semaphore_mem>>) src(%arg14 : memref<128x128xf32, #tpu.memory_space<vmem>>) dst(%dma_wait3A_123 : memref<128x128xf32, #tpu.memory_space<vmem_shared>>)
      tpu.yield
    }) : () -> ()
    %mul3A_54 = arith.constant 633 : i32
    %mul3A_55 = arith.muli %arg1, %mul3A_54 : i32
    %add3A_56 = arith.constant 633 : i32
    %add3A_57 = arith.addi %mul3A_55, %add3A_56 : i32
    %sub3A = arith.constant 121 : i32
    %sub3A_58 = arith.subi %add3A_57, %sub3A : i32
    "tpu.region"() ({
      %run_scoped3A = tpu.sem_alloc : memref<!tpu.dma_semaphore, #tpu.memory_space<semaphore_mem>>
      %dma_start3A_116 = arith.constant 0 : i32
      %dma_start3A_117 = arith.constant 0 : i32
      %dma_start3A_118 = tpu.memref_slice %arg14[%dma_start3A_116, %dma_start3A_117] : memref<128x128xf32, #tpu.memory_space<vmem>> -> memref<121x128xf32, #tpu.memory_space<vmem>>
      %dma_start3A_119 = arith.constant 0 : i32
      %dma_start3A_120 = tpu.memref_slice %arg9[%sub3A_58, %dma_start3A_119] : memref<10128x128xf32, #tpu.memory_space<vmem_shared>> -> memref<121x128xf32, #tpu.memory_space<vmem_shared>>
      %dma_start3A_121 = arith.constant 0 : i32
      %dma_start3A_122 = tpu.memref_slice %arg9[%sub3A_58, %dma_start3A_121] : memref<10128x128xf32, #tpu.memory_space<vmem_shared>> -> memref<121x128xf32, #tpu.memory_space<vmem_shared>>
      %dma_start3A_123 = arith.constant 0 : i32
      %dma_start3A_124 = arith.constant 0 : i32
      %dma_start3A_125 = tpu.memref_slice %arg14[%dma_start3A_123, %dma_start3A_124] : memref<128x128xf32, #tpu.memory_space<vmem>> -> memref<121x128xf32, #tpu.memory_space<vmem>>
      tpu.enqueue_dma source(%dma_start3A_125 : memref<121x128xf32, #tpu.memory_space<vmem>>) target(%dma_start3A_122 : memref<121x128xf32, #tpu.memory_space<vmem_shared>>) target_semaphore(%run_scoped3A : memref<!tpu.dma_semaphore, #tpu.memory_space<semaphore_mem>>)
      %dma_wait3A_126 = arith.constant 0 : i32
      %dma_wait3A_127 = arith.constant 0 : i32
      %dma_wait3A_128 = tpu.memref_slice %arg14[%dma_wait3A_126, %dma_wait3A_127] : memref<128x128xf32, #tpu.memory_space<vmem>> -> memref<121x128xf32, #tpu.memory_space<vmem>>
      %dma_wait3A_129 = arith.constant 0 : i32
      %dma_wait3A_130 = tpu.memref_slice %arg9[%sub3A_58, %dma_wait3A_129] : memref<10128x128xf32, #tpu.memory_space<vmem_shared>> -> memref<121x128xf32, #tpu.memory_space<vmem_shared>>
      %dma_wait3A_131 = arith.constant 0 : i32
      %dma_wait3A_132 = tpu.memref_slice %arg9[%sub3A_58, %dma_wait3A_131] : memref<10128x128xf32, #tpu.memory_space<vmem_shared>> -> memref<121x128xf32, #tpu.memory_space<vmem_shared>>
      %dma_wait3A_133 = arith.constant 0 : i32
      %dma_wait3A_134 = arith.constant 0 : i32
      %dma_wait3A_135 = tpu.memref_slice %arg14[%dma_wait3A_133, %dma_wait3A_134] : memref<128x128xf32, #tpu.memory_space<vmem>> -> memref<121x128xf32, #tpu.memory_space<vmem>>
      tpu.wait_dma2 semaphore(%run_scoped3A : memref<!tpu.dma_semaphore, #tpu.memory_space<semaphore_mem>>) src(%dma_wait3A_135 : memref<121x128xf32, #tpu.memory_space<vmem>>) dst(%dma_wait3A_132 : memref<121x128xf32, #tpu.memory_space<vmem_shared>>)
      tpu.yield
    }) : () -> ()
    %scan3A_59 = arith.constant 0 : i32
    %scan3A_60 = arith.constant 8 : i32
    %scan3A_61 = arith.addi %scan3A_59, %scan3A_60 : i32
    %scan3A_62 = arith.constant 1 : i32
    scf.for %scan3A_116 = %scan3A_59 to %scan3A_61 step %scan3A_62  : i32 {
      %mul3A_117 = arith.constant 1 : i32
      %mul3A_118 = arith.muli %scan3A_116, %mul3A_117 : i32
      %add3A_119 = arith.constant 0 : i32
      %add3A_120 = arith.addi %add3A_119, %mul3A_118 : i32
      %broadcast_in_dim3A = arith.constant 1.000000e+00 : f32
      %broadcast_in_dim3A_121 = vector.broadcast %broadcast_in_dim3A : f32 to vector<16xf32>
      %mul3A_122 = arith.constant 16 : i32
      %mul3A_123 = arith.muli %add3A_120, %mul3A_122 : i32
      %swap3A = arith.index_cast %mul3A_123 : i32 to index
      %swap3A_124 = tpu.vector_load %arg25[%swap3A] {strides = array<i32>} : memref<128xf32, #tpu.memory_space<vmem>>, vector<16xf32>,
      %swap3A_125 = vector.shape_cast %swap3A_124 : vector<16xf32> to vector<16xf32>
      %swap3A_126 = vector.shape_cast %broadcast_in_dim3A_121 : vector<16xf32> to vector<16xf32>
      tpu.vector_store %arg25[%swap3A], %swap3A_126 {strides = array<i32>} : memref<128xf32, #tpu.memory_space<vmem>>, vector<16xf32>,
    }
    %scan3A_63 = arith.constant 8 : i32
    %eq3A = arith.constant 0 : i32
    %eq3A_64 = arith.cmpi eq, %arg1, %eq3A : i32
    %convert_element_type3A = arith.extui %eq3A_64 : i1 to i32
    %cond3A = arith.constant 0 : i32
    %cond3A_65 = arith.cmpi ne, %convert_element_type3A, %cond3A : i32
    scf.if %cond3A_65 {
      "tpu.region"() ({
        %run_scoped3A = tpu.sem_alloc : memref<!tpu.dma_semaphore, #tpu.memory_space<semaphore_mem>>
        tpu.enqueue_dma source(%arg4 : memref<10128xf32, #tpu.memory_space<hbm>>) target(%arg24 : memref<10128xf32, #tpu.memory_space<vmem_shared>>) target_semaphore(%run_scoped3A : memref<!tpu.dma_semaphore, #tpu.memory_space<semaphore_mem>>)
        tpu.wait_dma2 semaphore(%run_scoped3A : memref<!tpu.dma_semaphore, #tpu.memory_space<semaphore_mem>>) src(%arg4 : memref<10128xf32, #tpu.memory_space<hbm>>) dst(%arg24 : memref<10128xf32, #tpu.memory_space<vmem_shared>>)
        tpu.yield
      }) : () -> ()
    } else {
    }
    %barrier3A = arith.constant 0 : index
    tpu.barrier barrier_id(%barrier3A)
    %dma_wait3A = arith.constant 0 : i32
    %dma_wait3A_66 = arith.constant 0 : i32
    %dma_wait3A_67 = tpu.memref_slice %arg3[%dma_wait3A, %dma_wait3A_66] : memref<2x327680xi32, #tpu.memory_space<hbm>> -> memref<2x128xi32, #tpu.memory_space<hbm>>
    %dma_wait3A_68 = arith.constant 0 : i32
    %dma_wait3A_69 = arith.constant 0 : i32
    %dma_wait3A_70 = tpu.memref_slice %arg3[%dma_wait3A_68, %dma_wait3A_69] : memref<2x327680xi32, #tpu.memory_space<hbm>> -> memref<2x128xi32, #tpu.memory_space<hbm>>
    tpu.wait_dma2 semaphore(%arg16 : memref<!tpu.dma_semaphore, #tpu.memory_space<semaphore_mem>>) src(%dma_wait3A_70 : memref<2x128xi32, #tpu.memory_space<hbm>>) dst(%arg10 : memref<2x128xi32, #tpu.memory_space<vmem>>)
    %dma_start3A_71 = arith.constant 0 : i32
    %dma_start3A_72 = arith.constant 0 : i32
    %dma_start3A_73 = tpu.memref_slice %arg10[%dma_start3A_71, %dma_start3A_72] : memref<2x128xi32, #tpu.memory_space<vmem>> -> memref<1x128xi32, #tpu.memory_space<vmem>>
    %dma_start3A_74 = tpu.memref_squeeze %dma_start3A_73 : memref<1x128xi32, #tpu.memory_space<vmem>> -> memref<128xi32, #tpu.memory_space<vmem>>
    %dma_start3A_75 = arith.constant 0 : i32
    %dma_start3A_76 = arith.constant 0 : i32
    %dma_start3A_77 = tpu.memref_slice %arg2[%dma_start3A_75, %dma_start3A_76] : memref<10000x128xf32, #tpu.memory_space<hbm>> -> memref<10000x128xf32, #tpu.memory_space<hbm>>
    tpu.enqueue_indirect_dma source(%dma_start3A_77 : memref<10000x128xf32, #tpu.memory_space<hbm>>) target(%arg14 : memref<128x128xf32, #tpu.memory_space<vmem>>) offsets(%dma_start3A_74 : memref<128xi32, #tpu.memory_space<vmem>>) semaphore(%arg20 : memref<!tpu.dma_semaphore, #tpu.memory_space<semaphore_mem>>)
    %scan3A_78 = arith.constant 0 : i32
    %scan3A_79 = arith.constant 20 : i32
    %scan3A_80 = arith.addi %scan3A_78, %scan3A_79 : i32
    %scan3A_81 = arith.constant 1 : i32
    scf.for %scan3A_116 = %scan3A_78 to %scan3A_80 step %scan3A_81  : i32 {
      %mul3A_117 = arith.constant 1 : i32
      %mul3A_118 = arith.muli %scan3A_116, %mul3A_117 : i32
      %add3A_119 = arith.constant 0 : i32
      %add3A_120 = arith.addi %add3A_119, %mul3A_118 : i32
      %mul3A_121 = arith.constant 4 : i32
      %mul3A_122 = arith.muli %mul3A_121, %add3A_120 : i32
      %add3A_123 = arith.addi %mul3A_2, %mul3A_122 : i32
      %add3A_124 = arith.constant 4 : i32
      %add3A_125 = arith.addi %add3A_123, %add3A_124 : i32
      %dma_wait3A_126 = arith.constant 0 : i32
      %dma_wait3A_127 = arith.constant 0 : i32
      %dma_wait3A_128 = tpu.memref_slice %arg10[%dma_wait3A_126, %dma_wait3A_127] : memref<2x128xi32, #tpu.memory_space<vmem>> -> memref<1x128xi32, #tpu.memory_space<vmem>>
      %dma_wait3A_129 = tpu.memref_squeeze %dma_wait3A_128 : memref<1x128xi32, #tpu.memory_space<vmem>> -> memref<128xi32, #tpu.memory_space<vmem>>
      %dma_wait3A_130 = arith.constant 0 : i32
      %dma_wait3A_131 = arith.constant 0 : i32
      %dma_wait3A_132 = tpu.memref_slice %arg2[%dma_wait3A_130, %dma_wait3A_131] : memref<10000x128xf32, #tpu.memory_space<hbm>> -> memref<10000x128xf32, #tpu.memory_space<hbm>>
      tpu.wait_indirect_dma semaphore(%arg20 : memref<!tpu.dma_semaphore, #tpu.memory_space<semaphore_mem>>) src(%dma_wait3A_132 : memref<10000x128xf32, #tpu.memory_space<hbm>>) dst(%arg14 : memref<128x128xf32, #tpu.memory_space<vmem>>)
      %gt3A = arith.constant 0 : i32
      %gt3A_133 = arith.cmpi sgt, %add3A_120, %gt3A : i32
      %convert_element_type3A_134 = arith.extui %gt3A_133 : i1 to i32
      %cond3A_135 = arith.constant 0 : i32
      %cond3A_136 = arith.cmpi ne, %convert_element_type3A_134, %cond3A_135 : i32
      scf.if %cond3A_136 {
        %dma_wait3A_263 = arith.constant 1 : i32
        %dma_wait3A_264 = arith.constant 0 : i32
        %dma_wait3A_265 = tpu.memref_slice %arg10[%dma_wait3A_263, %dma_wait3A_264] : memref<2x128xi32, #tpu.memory_space<vmem>> -> memref<1x128xi32, #tpu.memory_space<vmem>>
        %dma_wait3A_266 = tpu.memref_squeeze %dma_wait3A_265 : memref<1x128xi32, #tpu.memory_space<vmem>> -> memref<128xi32, #tpu.memory_space<vmem>>
        %dma_wait3A_267 = arith.constant 0 : i32
        %dma_wait3A_268 = arith.constant 0 : i32
        %dma_wait3A_269 = tpu.memref_slice %arg9[%dma_wait3A_267, %dma_wait3A_268] : memref<10128x128xf32, #tpu.memory_space<vmem_shared>> -> memref<10128x128xf32, #tpu.memory_space<vmem_shared>>
        tpu.wait_indirect_dma semaphore(%arg23 : memref<!tpu.dma_semaphore, #tpu.memory_space<semaphore_mem>>) src(%arg15 : memref<128x128xf32, #tpu.memory_space<vmem>>) dst(%dma_wait3A_269 : memref<10128x128xf32, #tpu.memory_space<vmem_shared>>)
        %sub3A_270 = arith.constant 1 : i32
        %sub3A_271 = arith.subi %add3A_125, %sub3A_270 : i32
        %mul3A_272 = arith.constant 128 : i32
        %mul3A_273 = arith.muli %sub3A_271, %mul3A_272 : i32
        %dma_start3A_274 = arith.constant 0 : i32
        %dma_start3A_275 = tpu.memref_slice %arg3[%dma_start3A_274, %mul3A_273] : memref<2x327680xi32, #tpu.memory_space<hbm>> -> memref<2x128xi32, #tpu.memory_space<hbm>>
        %dma_start3A_276 = arith.constant 0 : i32
        %dma_start3A_277 = tpu.memref_slice %arg3[%dma_start3A_276, %mul3A_273] : memref<2x327680xi32, #tpu.memory_space<hbm>> -> memref<2x128xi32, #tpu.memory_space<hbm>>
        tpu.enqueue_dma source(%dma_start3A_277 : memref<2x128xi32, #tpu.memory_space<hbm>>) target(%arg13 : memref<2x128xi32, #tpu.memory_space<vmem>>) target_semaphore(%arg19 : memref<!tpu.dma_semaphore, #tpu.memory_space<semaphore_mem>>)
      } else {
      }
      %dma_wait3A_137 = arith.constant 0 : i32
      %dma_wait3A_138 = arith.constant 0 : i32
      %dma_wait3A_139 = tpu.memref_slice %arg3[%dma_wait3A_137, %dma_wait3A_138] : memref<2x327680xi32, #tpu.memory_space<hbm>> -> memref<2x128xi32, #tpu.memory_space<hbm>>
      %dma_wait3A_140 = arith.constant 0 : i32
      %dma_wait3A_141 = arith.constant 0 : i32
      %dma_wait3A_142 = tpu.memref_slice %arg3[%dma_wait3A_140, %dma_wait3A_141] : memref<2x327680xi32, #tpu.memory_space<hbm>> -> memref<2x128xi32, #tpu.memory_space<hbm>>
      tpu.wait_dma2 semaphore(%arg17 : memref<!tpu.dma_semaphore, #tpu.memory_space<semaphore_mem>>) src(%dma_wait3A_142 : memref<2x128xi32, #tpu.memory_space<hbm>>) dst(%arg11 : memref<2x128xi32, #tpu.memory_space<vmem>>)
      %dma_start3A_143 = arith.constant 0 : i32
      %dma_start3A_144 = arith.constant 0 : i32
      %dma_start3A_145 = tpu.memref_slice %arg11[%dma_start3A_143, %dma_start3A_144] : memref<2x128xi32, #tpu.memory_space<vmem>> -> memref<1x128xi32, #tpu.memory_space<vmem>>
      %dma_start3A_146 = tpu.memref_squeeze %dma_start3A_145 : memref<1x128xi32, #tpu.memory_space<vmem>> -> memref<128xi32, #tpu.memory_space<vmem>>
      %dma_start3A_147 = arith.constant 0 : i32
      %dma_start3A_148 = arith.constant 0 : i32
      %dma_start3A_149 = tpu.memref_slice %arg2[%dma_start3A_147, %dma_start3A_148] : memref<10000x128xf32, #tpu.memory_space<hbm>> -> memref<10000x128xf32, #tpu.memory_space<hbm>>
      tpu.enqueue_indirect_dma source(%dma_start3A_149 : memref<10000x128xf32, #tpu.memory_space<hbm>>) target(%arg15 : memref<128x128xf32, #tpu.memory_space<vmem>>) offsets(%dma_start3A_146 : memref<128xi32, #tpu.memory_space<vmem>>) semaphore(%arg21 : memref<!tpu.dma_semaphore, #tpu.memory_space<semaphore_mem>>)
      %dma_start3A_150 = arith.constant 1 : i32
      %dma_start3A_151 = arith.constant 0 : i32
      %dma_start3A_152 = tpu.memref_slice %arg10[%dma_start3A_150, %dma_start3A_151] : memref<2x128xi32, #tpu.memory_space<vmem>> -> memref<1x128xi32, #tpu.memory_space<vmem>>
      %dma_start3A_153 = tpu.memref_squeeze %dma_start3A_152 : memref<1x128xi32, #tpu.memory_space<vmem>> -> memref<128xi32, #tpu.memory_space<vmem>>
      %dma_start3A_154 = arith.constant 0 : i32
      %dma_start3A_155 = arith.constant 0 : i32
      %dma_start3A_156 = tpu.memref_slice %arg9[%dma_start3A_154, %dma_start3A_155] : memref<10128x128xf32, #tpu.memory_space<vmem_shared>> -> memref<10128x128xf32, #tpu.memory_space<vmem_shared>>
      tpu.enqueue_indirect_dma source(%arg14 : memref<128x128xf32, #tpu.memory_space<vmem>>) target(%dma_start3A_156 : memref<10128x128xf32, #tpu.memory_space<vmem_shared>>) offsets(%dma_start3A_153 : memref<128xi32, #tpu.memory_space<vmem>>) semaphore(%arg22 : memref<!tpu.dma_semaphore, #tpu.memory_space<semaphore_mem>>) {add = true}
      %run_scoped3A = arith.constant 1 : i32
      "tpu.region"() ({
        %run_scoped3A_263 = tpu.sem_alloc : memref<!tpu.dma_semaphore, #tpu.memory_space<semaphore_mem>>
        %dma_start3A_264 = arith.constant 0 : i32
        %dma_start3A_265 = tpu.memref_slice %arg10[%run_scoped3A, %dma_start3A_264] : memref<2x128xi32, #tpu.memory_space<vmem>> -> memref<1x128xi32, #tpu.memory_space<vmem>>
        %dma_start3A_266 = tpu.memref_squeeze %dma_start3A_265 : memref<1x128xi32, #tpu.memory_space<vmem>> -> memref<128xi32, #tpu.memory_space<vmem>>
        %dma_start3A_267 = arith.constant 0 : i32
        %dma_start3A_268 = tpu.memref_slice %arg24[%dma_start3A_267] : memref<10128xf32, #tpu.memory_space<vmem_shared>> -> memref<10128xf32, #tpu.memory_space<vmem_shared>>
        tpu.enqueue_indirect_dma source(%arg25 : memref<128xf32, #tpu.memory_space<vmem>>) target(%dma_start3A_268 : memref<10128xf32, #tpu.memory_space<vmem_shared>>) offsets(%dma_start3A_266 : memref<128xi32, #tpu.memory_space<vmem>>) semaphore(%run_scoped3A_263 : memref<!tpu.dma_semaphore, #tpu.memory_space<semaphore_mem>>) {add = true}
        %dma_wait3A_269 = arith.constant 0 : i32
        %dma_wait3A_270 = tpu.memref_slice %arg10[%run_scoped3A, %dma_wait3A_269] : memref<2x128xi32, #tpu.memory_space<vmem>> -> memref<1x128xi32, #tpu.memory_space<vmem>>
        %dma_wait3A_271 = tpu.memref_squeeze %dma_wait3A_270 : memref<1x128xi32, #tpu.memory_space<vmem>> -> memref<128xi32, #tpu.memory_space<vmem>>
        %dma_wait3A_272 = arith.constant 0 : i32
        %dma_wait3A_273 = tpu.memref_slice %arg24[%dma_wait3A_272] : memref<10128xf32, #tpu.memory_space<vmem_shared>> -> memref<10128xf32, #tpu.memory_space<vmem_shared>>
        tpu.wait_indirect_dma semaphore(%run_scoped3A_263 : memref<!tpu.dma_semaphore, #tpu.memory_space<semaphore_mem>>) src(%arg25 : memref<128xf32, #tpu.memory_space<vmem>>) dst(%dma_wait3A_273 : memref<10128xf32, #tpu.memory_space<vmem_shared>>)
        tpu.yield
      }) : () -> ()
      %dma_wait3A_157 = arith.constant 0 : i32
      %dma_wait3A_158 = arith.constant 0 : i32
      %dma_wait3A_159 = tpu.memref_slice %arg10[%dma_wait3A_157, %dma_wait3A_158] : memref<2x128xi32, #tpu.memory_space<vmem>> -> memref<1x128xi32, #tpu.memory_space<vmem>>
      %dma_wait3A_160 = tpu.memref_squeeze %dma_wait3A_159 : memref<1x128xi32, #tpu.memory_space<vmem>> -> memref<128xi32, #tpu.memory_space<vmem>>
      %dma_wait3A_161 = arith.constant 0 : i32
      %dma_wait3A_162 = arith.constant 0 : i32
      %dma_wait3A_163 = tpu.memref_slice %arg2[%dma_wait3A_161, %dma_wait3A_162] : memref<10000x128xf32, #tpu.memory_space<hbm>> -> memref<10000x128xf32, #tpu.memory_space<hbm>>
      tpu.wait_indirect_dma semaphore(%arg21 : memref<!tpu.dma_semaphore, #tpu.memory_space<semaphore_mem>>) src(%dma_wait3A_163 : memref<10000x128xf32, #tpu.memory_space<hbm>>) dst(%arg15 : memref<128x128xf32, #tpu.memory_space<vmem>>)
      %dma_wait3A_164 = arith.constant 1 : i32
      %dma_wait3A_165 = arith.constant 0 : i32
      %dma_wait3A_166 = tpu.memref_slice %arg10[%dma_wait3A_164, %dma_wait3A_165] : memref<2x128xi32, #tpu.memory_space<vmem>> -> memref<1x128xi32, #tpu.memory_space<vmem>>
      %dma_wait3A_167 = tpu.memref_squeeze %dma_wait3A_166 : memref<1x128xi32, #tpu.memory_space<vmem>> -> memref<128xi32, #tpu.memory_space<vmem>>
      %dma_wait3A_168 = arith.constant 0 : i32
      %dma_wait3A_169 = arith.constant 0 : i32
      %dma_wait3A_170 = tpu.memref_slice %arg9[%dma_wait3A_168, %dma_wait3A_169] : memref<10128x128xf32, #tpu.memory_space<vmem_shared>> -> memref<10128x128xf32, #tpu.memory_space<vmem_shared>>
      tpu.wait_indirect_dma semaphore(%arg22 : memref<!tpu.dma_semaphore, #tpu.memory_space<semaphore_mem>>) src(%arg14 : memref<128x128xf32, #tpu.memory_space<vmem>>) dst(%dma_wait3A_170 : memref<10128x128xf32, #tpu.memory_space<vmem_shared>>)
      %lt3A = arith.constant 19 : i32
      %lt3A_171 = arith.cmpi slt, %add3A_120, %lt3A : i32
      %convert_element_type3A_172 = arith.extui %lt3A_171 : i1 to i32
      %cond3A_173 = arith.constant 0 : i32
      %cond3A_174 = arith.cmpi ne, %convert_element_type3A_172, %cond3A_173 : i32
      scf.if %cond3A_174 {
        %mul3A_263 = arith.constant 128 : i32
        %mul3A_264 = arith.muli %add3A_125, %mul3A_263 : i32
        %dma_start3A_265 = arith.constant 0 : i32
        %dma_start3A_266 = tpu.memref_slice %arg3[%dma_start3A_265, %mul3A_264] : memref<2x327680xi32, #tpu.memory_space<hbm>> -> memref<2x128xi32, #tpu.memory_space<hbm>>
        %dma_start3A_267 = arith.constant 0 : i32
        %dma_start3A_268 = tpu.memref_slice %arg3[%dma_start3A_267, %mul3A_264] : memref<2x327680xi32, #tpu.memory_space<hbm>> -> memref<2x128xi32, #tpu.memory_space<hbm>>
        tpu.enqueue_dma source(%dma_start3A_268 : memref<2x128xi32, #tpu.memory_space<hbm>>) target(%arg10 : memref<2x128xi32, #tpu.memory_space<vmem>>) target_semaphore(%arg16 : memref<!tpu.dma_semaphore, #tpu.memory_space<semaphore_mem>>)
      } else {
      }
      %dma_wait3A_175 = arith.constant 0 : i32
      %dma_wait3A_176 = arith.constant 0 : i32
      %dma_wait3A_177 = tpu.memref_slice %arg3[%dma_wait3A_175, %dma_wait3A_176] : memref<2x327680xi32, #tpu.memory_space<hbm>> -> memref<2x128xi32, #tpu.memory_space<hbm>>
      %dma_wait3A_178 = arith.constant 0 : i32
      %dma_wait3A_179 = arith.constant 0 : i32
      %dma_wait3A_180 = tpu.memref_slice %arg3[%dma_wait3A_178, %dma_wait3A_179] : memref<2x327680xi32, #tpu.memory_space<hbm>> -> memref<2x128xi32, #tpu.memory_space<hbm>>
      tpu.wait_dma2 semaphore(%arg18 : memref<!tpu.dma_semaphore, #tpu.memory_space<semaphore_mem>>) src(%dma_wait3A_180 : memref<2x128xi32, #tpu.memory_space<hbm>>) dst(%arg12 : memref<2x128xi32, #tpu.memory_space<vmem>>)
      %dma_start3A_181 = arith.constant 0 : i32
      %dma_start3A_182 = arith.constant 0 : i32
      %dma_start3A_183 = tpu.memref_slice %arg12[%dma_start3A_181, %dma_start3A_182] : memref<2x128xi32, #tpu.memory_space<vmem>> -> memref<1x128xi32, #tpu.memory_space<vmem>>
      %dma_start3A_184 = tpu.memref_squeeze %dma_start3A_183 : memref<1x128xi32, #tpu.memory_space<vmem>> -> memref<128xi32, #tpu.memory_space<vmem>>
      %dma_start3A_185 = arith.constant 0 : i32
      %dma_start3A_186 = arith.constant 0 : i32
      %dma_start3A_187 = tpu.memref_slice %arg2[%dma_start3A_185, %dma_start3A_186] : memref<10000x128xf32, #tpu.memory_space<hbm>> -> memref<10000x128xf32, #tpu.memory_space<hbm>>
      tpu.enqueue_indirect_dma source(%dma_start3A_187 : memref<10000x128xf32, #tpu.memory_space<hbm>>) target(%arg14 : memref<128x128xf32, #tpu.memory_space<vmem>>) offsets(%dma_start3A_184 : memref<128xi32, #tpu.memory_space<vmem>>) semaphore(%arg20 : memref<!tpu.dma_semaphore, #tpu.memory_space<semaphore_mem>>)
      %dma_start3A_188 = arith.constant 1 : i32
      %dma_start3A_189 = arith.constant 0 : i32
      %dma_start3A_190 = tpu.memref_slice %arg11[%dma_start3A_188, %dma_start3A_189] : memref<2x128xi32, #tpu.memory_space<vmem>> -> memref<1x128xi32, #tpu.memory_space<vmem>>
      %dma_start3A_191 = tpu.memref_squeeze %dma_start3A_190 : memref<1x128xi32, #tpu.memory_space<vmem>> -> memref<128xi32, #tpu.memory_space<vmem>>
      %dma_start3A_192 = arith.constant 0 : i32
      %dma_start3A_193 = arith.constant 0 : i32
      %dma_start3A_194 = tpu.memref_slice %arg9[%dma_start3A_192, %dma_start3A_193] : memref<10128x128xf32, #tpu.memory_space<vmem_shared>> -> memref<10128x128xf32, #tpu.memory_space<vmem_shared>>
      tpu.enqueue_indirect_dma source(%arg15 : memref<128x128xf32, #tpu.memory_space<vmem>>) target(%dma_start3A_194 : memref<10128x128xf32, #tpu.memory_space<vmem_shared>>) offsets(%dma_start3A_191 : memref<128xi32, #tpu.memory_space<vmem>>) semaphore(%arg23 : memref<!tpu.dma_semaphore, #tpu.memory_space<semaphore_mem>>) {add = true}
      %run_scoped3A_195 = arith.constant 1 : i32
      "tpu.region"() ({
        %run_scoped3A_263 = tpu.sem_alloc : memref<!tpu.dma_semaphore, #tpu.memory_space<semaphore_mem>>
        %dma_start3A_264 = arith.constant 0 : i32
        %dma_start3A_265 = tpu.memref_slice %arg11[%run_scoped3A_195, %dma_start3A_264] : memref<2x128xi32, #tpu.memory_space<vmem>> -> memref<1x128xi32, #tpu.memory_space<vmem>>
        %dma_start3A_266 = tpu.memref_squeeze %dma_start3A_265 : memref<1x128xi32, #tpu.memory_space<vmem>> -> memref<128xi32, #tpu.memory_space<vmem>>
        %dma_start3A_267 = arith.constant 0 : i32
        %dma_start3A_268 = tpu.memref_slice %arg24[%dma_start3A_267] : memref<10128xf32, #tpu.memory_space<vmem_shared>> -> memref<10128xf32, #tpu.memory_space<vmem_shared>>
        tpu.enqueue_indirect_dma source(%arg25 : memref<128xf32, #tpu.memory_space<vmem>>) target(%dma_start3A_268 : memref<10128xf32, #tpu.memory_space<vmem_shared>>) offsets(%dma_start3A_266 : memref<128xi32, #tpu.memory_space<vmem>>) semaphore(%run_scoped3A_263 : memref<!tpu.dma_semaphore, #tpu.memory_space<semaphore_mem>>) {add = true}
        %dma_wait3A_269 = arith.constant 0 : i32
        %dma_wait3A_270 = tpu.memref_slice %arg11[%run_scoped3A_195, %dma_wait3A_269] : memref<2x128xi32, #tpu.memory_space<vmem>> -> memref<1x128xi32, #tpu.memory_space<vmem>>
        %dma_wait3A_271 = tpu.memref_squeeze %dma_wait3A_270 : memref<1x128xi32, #tpu.memory_space<vmem>> -> memref<128xi32, #tpu.memory_space<vmem>>
        %dma_wait3A_272 = arith.constant 0 : i32
        %dma_wait3A_273 = tpu.memref_slice %arg24[%dma_wait3A_272] : memref<10128xf32, #tpu.memory_space<vmem_shared>> -> memref<10128xf32, #tpu.memory_space<vmem_shared>>
        tpu.wait_indirect_dma semaphore(%run_scoped3A_263 : memref<!tpu.dma_semaphore, #tpu.memory_space<semaphore_mem>>) src(%arg25 : memref<128xf32, #tpu.memory_space<vmem>>) dst(%dma_wait3A_273 : memref<10128xf32, #tpu.memory_space<vmem_shared>>)
        tpu.yield
      }) : () -> ()
      %dma_wait3A_196 = arith.constant 0 : i32
      %dma_wait3A_197 = arith.constant 0 : i32
      %dma_wait3A_198 = tpu.memref_slice %arg10[%dma_wait3A_196, %dma_wait3A_197] : memref<2x128xi32, #tpu.memory_space<vmem>> -> memref<1x128xi32, #tpu.memory_space<vmem>>
      %dma_wait3A_199 = tpu.memref_squeeze %dma_wait3A_198 : memref<1x128xi32, #tpu.memory_space<vmem>> -> memref<128xi32, #tpu.memory_space<vmem>>
      %dma_wait3A_200 = arith.constant 0 : i32
      %dma_wait3A_201 = arith.constant 0 : i32
      %dma_wait3A_202 = tpu.memref_slice %arg2[%dma_wait3A_200, %dma_wait3A_201] : memref<10000x128xf32, #tpu.memory_space<hbm>> -> memref<10000x128xf32, #tpu.memory_space<hbm>>
      tpu.wait_indirect_dma semaphore(%arg20 : memref<!tpu.dma_semaphore, #tpu.memory_space<semaphore_mem>>) src(%dma_wait3A_202 : memref<10000x128xf32, #tpu.memory_space<hbm>>) dst(%arg14 : memref<128x128xf32, #tpu.memory_space<vmem>>)
      %dma_wait3A_203 = arith.constant 1 : i32
      %dma_wait3A_204 = arith.constant 0 : i32
      %dma_wait3A_205 = tpu.memref_slice %arg10[%dma_wait3A_203, %dma_wait3A_204] : memref<2x128xi32, #tpu.memory_space<vmem>> -> memref<1x128xi32, #tpu.memory_space<vmem>>
      %dma_wait3A_206 = tpu.memref_squeeze %dma_wait3A_205 : memref<1x128xi32, #tpu.memory_space<vmem>> -> memref<128xi32, #tpu.memory_space<vmem>>
      %dma_wait3A_207 = arith.constant 0 : i32
      %dma_wait3A_208 = arith.constant 0 : i32
      %dma_wait3A_209 = tpu.memref_slice %arg9[%dma_wait3A_207, %dma_wait3A_208] : memref<10128x128xf32, #tpu.memory_space<vmem_shared>> -> memref<10128x128xf32, #tpu.memory_space<vmem_shared>>
      tpu.wait_indirect_dma semaphore(%arg23 : memref<!tpu.dma_semaphore, #tpu.memory_space<semaphore_mem>>) src(%arg15 : memref<128x128xf32, #tpu.memory_space<vmem>>) dst(%dma_wait3A_209 : memref<10128x128xf32, #tpu.memory_space<vmem_shared>>)
      %lt3A_210 = arith.constant 19 : i32
      %lt3A_211 = arith.cmpi slt, %add3A_120, %lt3A_210 : i32
      %convert_element_type3A_212 = arith.extui %lt3A_211 : i1 to i32
      %cond3A_213 = arith.constant 0 : i32
      %cond3A_214 = arith.cmpi ne, %convert_element_type3A_212, %cond3A_213 : i32
      scf.if %cond3A_214 {
        %add3A_263 = arith.constant 1 : i32
        %add3A_264 = arith.addi %add3A_125, %add3A_263 : i32
        %mul3A_265 = arith.constant 128 : i32
        %mul3A_266 = arith.muli %add3A_264, %mul3A_265 : i32
        %dma_start3A_267 = arith.constant 0 : i32
        %dma_start3A_268 = tpu.memref_slice %arg3[%dma_start3A_267, %mul3A_266] : memref<2x327680xi32, #tpu.memory_space<hbm>> -> memref<2x128xi32, #tpu.memory_space<hbm>>
        %dma_start3A_269 = arith.constant 0 : i32
        %dma_start3A_270 = tpu.memref_slice %arg3[%dma_start3A_269, %mul3A_266] : memref<2x327680xi32, #tpu.memory_space<hbm>> -> memref<2x128xi32, #tpu.memory_space<hbm>>
        tpu.enqueue_dma source(%dma_start3A_270 : memref<2x128xi32, #tpu.memory_space<hbm>>) target(%arg11 : memref<2x128xi32, #tpu.memory_space<vmem>>) target_semaphore(%arg17 : memref<!tpu.dma_semaphore, #tpu.memory_space<semaphore_mem>>)
      } else {
      }
      %dma_wait3A_215 = arith.constant 0 : i32
      %dma_wait3A_216 = arith.constant 0 : i32
      %dma_wait3A_217 = tpu.memref_slice %arg3[%dma_wait3A_215, %dma_wait3A_216] : memref<2x327680xi32, #tpu.memory_space<hbm>> -> memref<2x128xi32, #tpu.memory_space<hbm>>
      %dma_wait3A_218 = arith.constant 0 : i32
      %dma_wait3A_219 = arith.constant 0 : i32
      %dma_wait3A_220 = tpu.memref_slice %arg3[%dma_wait3A_218, %dma_wait3A_219] : memref<2x327680xi32, #tpu.memory_space<hbm>> -> memref<2x128xi32, #tpu.memory_space<hbm>>
      tpu.wait_dma2 semaphore(%arg19 : memref<!tpu.dma_semaphore, #tpu.memory_space<semaphore_mem>>) src(%dma_wait3A_220 : memref<2x128xi32, #tpu.memory_space<hbm>>) dst(%arg13 : memref<2x128xi32, #tpu.memory_space<vmem>>)
      %dma_start3A_221 = arith.constant 0 : i32
      %dma_start3A_222 = arith.constant 0 : i32
      %dma_start3A_223 = tpu.memref_slice %arg13[%dma_start3A_221, %dma_start3A_222] : memref<2x128xi32, #tpu.memory_space<vmem>> -> memref<1x128xi32, #tpu.memory_space<vmem>>
      %dma_start3A_224 = tpu.memref_squeeze %dma_start3A_223 : memref<1x128xi32, #tpu.memory_space<vmem>> -> memref<128xi32, #tpu.memory_space<vmem>>
      %dma_start3A_225 = arith.constant 0 : i32
      %dma_start3A_226 = arith.constant 0 : i32
      %dma_start3A_227 = tpu.memref_slice %arg2[%dma_start3A_225, %dma_start3A_226] : memref<10000x128xf32, #tpu.memory_space<hbm>> -> memref<10000x128xf32, #tpu.memory_space<hbm>>
      tpu.enqueue_indirect_dma source(%dma_start3A_227 : memref<10000x128xf32, #tpu.memory_space<hbm>>) target(%arg15 : memref<128x128xf32, #tpu.memory_space<vmem>>) offsets(%dma_start3A_224 : memref<128xi32, #tpu.memory_space<vmem>>) semaphore(%arg21 : memref<!tpu.dma_semaphore, #tpu.memory_space<semaphore_mem>>)
      %dma_start3A_228 = arith.constant 1 : i32
      %dma_start3A_229 = arith.constant 0 : i32
      %dma_start3A_230 = tpu.memref_slice %arg12[%dma_start3A_228, %dma_start3A_229] : memref<2x128xi32, #tpu.memory_space<vmem>> -> memref<1x128xi32, #tpu.memory_space<vmem>>
      %dma_start3A_231 = tpu.memref_squeeze %dma_start3A_230 : memref<1x128xi32, #tpu.memory_space<vmem>> -> memref<128xi32, #tpu.memory_space<vmem>>
      %dma_start3A_232 = arith.constant 0 : i32
      %dma_start3A_233 = arith.constant 0 : i32
      %dma_start3A_234 = tpu.memref_slice %arg9[%dma_start3A_232, %dma_start3A_233] : memref<10128x128xf32, #tpu.memory_space<vmem_shared>> -> memref<10128x128xf32, #tpu.memory_space<vmem_shared>>
      tpu.enqueue_indirect_dma source(%arg14 : memref<128x128xf32, #tpu.memory_space<vmem>>) target(%dma_start3A_234 : memref<10128x128xf32, #tpu.memory_space<vmem_shared>>) offsets(%dma_start3A_231 : memref<128xi32, #tpu.memory_space<vmem>>) semaphore(%arg22 : memref<!tpu.dma_semaphore, #tpu.memory_space<semaphore_mem>>) {add = true}
      %run_scoped3A_235 = arith.constant 1 : i32
      "tpu.region"() ({
        %run_scoped3A_263 = tpu.sem_alloc : memref<!tpu.dma_semaphore, #tpu.memory_space<semaphore_mem>>
        %dma_start3A_264 = arith.constant 0 : i32
        %dma_start3A_265 = tpu.memref_slice %arg12[%run_scoped3A_235, %dma_start3A_264] : memref<2x128xi32, #tpu.memory_space<vmem>> -> memref<1x128xi32, #tpu.memory_space<vmem>>
        %dma_start3A_266 = tpu.memref_squeeze %dma_start3A_265 : memref<1x128xi32, #tpu.memory_space<vmem>> -> memref<128xi32, #tpu.memory_space<vmem>>
        %dma_start3A_267 = arith.constant 0 : i32
        %dma_start3A_268 = tpu.memref_slice %arg24[%dma_start3A_267] : memref<10128xf32, #tpu.memory_space<vmem_shared>> -> memref<10128xf32, #tpu.memory_space<vmem_shared>>
        tpu.enqueue_indirect_dma source(%arg25 : memref<128xf32, #tpu.memory_space<vmem>>) target(%dma_start3A_268 : memref<10128xf32, #tpu.memory_space<vmem_shared>>) offsets(%dma_start3A_266 : memref<128xi32, #tpu.memory_space<vmem>>) semaphore(%run_scoped3A_263 : memref<!tpu.dma_semaphore, #tpu.memory_space<semaphore_mem>>) {add = true}
        %dma_wait3A_269 = arith.constant 0 : i32
        %dma_wait3A_270 = tpu.memref_slice %arg12[%run_scoped3A_235, %dma_wait3A_269] : memref<2x128xi32, #tpu.memory_space<vmem>> -> memref<1x128xi32, #tpu.memory_space<vmem>>
        %dma_wait3A_271 = tpu.memref_squeeze %dma_wait3A_270 : memref<1x128xi32, #tpu.memory_space<vmem>> -> memref<128xi32, #tpu.memory_space<vmem>>
        %dma_wait3A_272 = arith.constant 0 : i32
        %dma_wait3A_273 = tpu.memref_slice %arg24[%dma_wait3A_272] : memref<10128xf32, #tpu.memory_space<vmem_shared>> -> memref<10128xf32, #tpu.memory_space<vmem_shared>>
        tpu.wait_indirect_dma semaphore(%run_scoped3A_263 : memref<!tpu.dma_semaphore, #tpu.memory_space<semaphore_mem>>) src(%arg25 : memref<128xf32, #tpu.memory_space<vmem>>) dst(%dma_wait3A_273 : memref<10128xf32, #tpu.memory_space<vmem_shared>>)
        tpu.yield
      }) : () -> ()
      %dma_wait3A_236 = arith.constant 0 : i32
      %dma_wait3A_237 = arith.constant 0 : i32
      %dma_wait3A_238 = tpu.memref_slice %arg10[%dma_wait3A_236, %dma_wait3A_237] : memref<2x128xi32, #tpu.memory_space<vmem>> -> memref<1x128xi32, #tpu.memory_space<vmem>>
      %dma_wait3A_239 = tpu.memref_squeeze %dma_wait3A_238 : memref<1x128xi32, #tpu.memory_space<vmem>> -> memref<128xi32, #tpu.memory_space<vmem>>
      %dma_wait3A_240 = arith.constant 0 : i32
      %dma_wait3A_241 = arith.constant 0 : i32
      %dma_wait3A_242 = tpu.memref_slice %arg2[%dma_wait3A_240, %dma_wait3A_241] : memref<10000x128xf32, #tpu.memory_space<hbm>> -> memref<10000x128xf32, #tpu.memory_space<hbm>>
      tpu.wait_indirect_dma semaphore(%arg21 : memref<!tpu.dma_semaphore, #tpu.memory_space<semaphore_mem>>) src(%dma_wait3A_242 : memref<10000x128xf32, #tpu.memory_space<hbm>>) dst(%arg15 : memref<128x128xf32, #tpu.memory_space<vmem>>)
      %dma_wait3A_243 = arith.constant 1 : i32
      %dma_wait3A_244 = arith.constant 0 : i32
      %dma_wait3A_245 = tpu.memref_slice %arg10[%dma_wait3A_243, %dma_wait3A_244] : memref<2x128xi32, #tpu.memory_space<vmem>> -> memref<1x128xi32, #tpu.memory_space<vmem>>
      %dma_wait3A_246 = tpu.memref_squeeze %dma_wait3A_245 : memref<1x128xi32, #tpu.memory_space<vmem>> -> memref<128xi32, #tpu.memory_space<vmem>>
      %dma_wait3A_247 = arith.constant 0 : i32
      %dma_wait3A_248 = arith.constant 0 : i32
      %dma_wait3A_249 = tpu.memref_slice %arg9[%dma_wait3A_247, %dma_wait3A_248] : memref<10128x128xf32, #tpu.memory_space<vmem_shared>> -> memref<10128x128xf32, #tpu.memory_space<vmem_shared>>
      tpu.wait_indirect_dma semaphore(%arg22 : memref<!tpu.dma_semaphore, #tpu.memory_space<semaphore_mem>>) src(%arg14 : memref<128x128xf32, #tpu.memory_space<vmem>>) dst(%dma_wait3A_249 : memref<10128x128xf32, #tpu.memory_space<vmem_shared>>)
      %lt3A_250 = arith.constant 19 : i32
      %lt3A_251 = arith.cmpi slt, %add3A_120, %lt3A_250 : i32
      %convert_element_type3A_252 = arith.extui %lt3A_251 : i1 to i32
      %cond3A_253 = arith.constant 0 : i32
      %cond3A_254 = arith.cmpi ne, %convert_element_type3A_252, %cond3A_253 : i32
      scf.if %cond3A_254 {
        %add3A_263 = arith.constant 2 : i32
        %add3A_264 = arith.addi %add3A_125, %add3A_263 : i32
        %mul3A_265 = arith.constant 128 : i32
        %mul3A_266 = arith.muli %add3A_264, %mul3A_265 : i32
        %dma_start3A_267 = arith.constant 0 : i32
        %dma_start3A_268 = tpu.memref_slice %arg3[%dma_start3A_267, %mul3A_266] : memref<2x327680xi32, #tpu.memory_space<hbm>> -> memref<2x128xi32, #tpu.memory_space<hbm>>
        %dma_start3A_269 = arith.constant 0 : i32
        %dma_start3A_270 = tpu.memref_slice %arg3[%dma_start3A_269, %mul3A_266] : memref<2x327680xi32, #tpu.memory_space<hbm>> -> memref<2x128xi32, #tpu.memory_space<hbm>>
        tpu.enqueue_dma source(%dma_start3A_270 : memref<2x128xi32, #tpu.memory_space<hbm>>) target(%arg12 : memref<2x128xi32, #tpu.memory_space<vmem>>) target_semaphore(%arg18 : memref<!tpu.dma_semaphore, #tpu.memory_space<semaphore_mem>>)
        %dma_wait3A_271 = arith.constant 0 : i32
        %dma_wait3A_272 = arith.constant 0 : i32
        %dma_wait3A_273 = tpu.memref_slice %arg3[%dma_wait3A_271, %dma_wait3A_272] : memref<2x327680xi32, #tpu.memory_space<hbm>> -> memref<2x128xi32, #tpu.memory_space<hbm>>
        %dma_wait3A_274 = arith.constant 0 : i32
        %dma_wait3A_275 = arith.constant 0 : i32
        %dma_wait3A_276 = tpu.memref_slice %arg3[%dma_wait3A_274, %dma_wait3A_275] : memref<2x327680xi32, #tpu.memory_space<hbm>> -> memref<2x128xi32, #tpu.memory_space<hbm>>
        tpu.wait_dma2 semaphore(%arg16 : memref<!tpu.dma_semaphore, #tpu.memory_space<semaphore_mem>>) src(%dma_wait3A_276 : memref<2x128xi32, #tpu.memory_space<hbm>>) dst(%arg10 : memref<2x128xi32, #tpu.memory_space<vmem>>)
        %dma_start3A_277 = arith.constant 0 : i32
        %dma_start3A_278 = arith.constant 0 : i32
        %dma_start3A_279 = tpu.memref_slice %arg10[%dma_start3A_277, %dma_start3A_278] : memref<2x128xi32, #tpu.memory_space<vmem>> -> memref<1x128xi32, #tpu.memory_space<vmem>>
        %dma_start3A_280 = tpu.memref_squeeze %dma_start3A_279 : memref<1x128xi32, #tpu.memory_space<vmem>> -> memref<128xi32, #tpu.memory_space<vmem>>
        %dma_start3A_281 = arith.constant 0 : i32
        %dma_start3A_282 = arith.constant 0 : i32
        %dma_start3A_283 = tpu.memref_slice %arg2[%dma_start3A_281, %dma_start3A_282] : memref<10000x128xf32, #tpu.memory_space<hbm>> -> memref<10000x128xf32, #tpu.memory_space<hbm>>
        tpu.enqueue_indirect_dma source(%dma_start3A_283 : memref<10000x128xf32, #tpu.memory_space<hbm>>) target(%arg14 : memref<128x128xf32, #tpu.memory_space<vmem>>) offsets(%dma_start3A_280 : memref<128xi32, #tpu.memory_space<vmem>>) semaphore(%arg20 : memref<!tpu.dma_semaphore, #tpu.memory_space<semaphore_mem>>)
      } else {
      }
      %dma_start3A_255 = arith.constant 1 : i32
      %dma_start3A_256 = arith.constant 0 : i32
      %dma_start3A_257 = tpu.memref_slice %arg13[%dma_start3A_255, %dma_start3A_256] : memref<2x128xi32, #tpu.memory_space<vmem>> -> memref<1x128xi32, #tpu.memory_space<vmem>>
      %dma_start3A_258 = tpu.memref_squeeze %dma_start3A_257 : memref<1x128xi32, #tpu.memory_space<vmem>> -> memref<128xi32, #tpu.memory_space<vmem>>
      %dma_start3A_259 = arith.constant 0 : i32
      %dma_start3A_260 = arith.constant 0 : i32
      %dma_start3A_261 = tpu.memref_slice %arg9[%dma_start3A_259, %dma_start3A_260] : memref<10128x128xf32, #tpu.memory_space<vmem_shared>> -> memref<10128x128xf32, #tpu.memory_space<vmem_shared>>
      tpu.enqueue_indirect_dma source(%arg15 : memref<128x128xf32, #tpu.memory_space<vmem>>) target(%dma_start3A_261 : memref<10128x128xf32, #tpu.memory_space<vmem_shared>>) offsets(%dma_start3A_258 : memref<128xi32, #tpu.memory_space<vmem>>) semaphore(%arg23 : memref<!tpu.dma_semaphore, #tpu.memory_space<semaphore_mem>>) {add = true}
      %run_scoped3A_262 = arith.constant 1 : i32
      "tpu.region"() ({
        %run_scoped3A_263 = tpu.sem_alloc : memref<!tpu.dma_semaphore, #tpu.memory_space<semaphore_mem>>
        %dma_start3A_264 = arith.constant 0 : i32
        %dma_start3A_265 = tpu.memref_slice %arg13[%run_scoped3A_262, %dma_start3A_264] : memref<2x128xi32, #tpu.memory_space<vmem>> -> memref<1x128xi32, #tpu.memory_space<vmem>>
        %dma_start3A_266 = tpu.memref_squeeze %dma_start3A_265 : memref<1x128xi32, #tpu.memory_space<vmem>> -> memref<128xi32, #tpu.memory_space<vmem>>
        %dma_start3A_267 = arith.constant 0 : i32
        %dma_start3A_268 = tpu.memref_slice %arg24[%dma_start3A_267] : memref<10128xf32, #tpu.memory_space<vmem_shared>> -> memref<10128xf32, #tpu.memory_space<vmem_shared>>
        tpu.enqueue_indirect_dma source(%arg25 : memref<128xf32, #tpu.memory_space<vmem>>) target(%dma_start3A_268 : memref<10128xf32, #tpu.memory_space<vmem_shared>>) offsets(%dma_start3A_266 : memref<128xi32, #tpu.memory_space<vmem>>) semaphore(%run_scoped3A_263 : memref<!tpu.dma_semaphore, #tpu.memory_space<semaphore_mem>>) {add = true}
        %dma_wait3A_269 = arith.constant 0 : i32
        %dma_wait3A_270 = tpu.memref_slice %arg13[%run_scoped3A_262, %dma_wait3A_269] : memref<2x128xi32, #tpu.memory_space<vmem>> -> memref<1x128xi32, #tpu.memory_space<vmem>>
        %dma_wait3A_271 = tpu.memref_squeeze %dma_wait3A_270 : memref<1x128xi32, #tpu.memory_space<vmem>> -> memref<128xi32, #tpu.memory_space<vmem>>
        %dma_wait3A_272 = arith.constant 0 : i32
        %dma_wait3A_273 = tpu.memref_slice %arg24[%dma_wait3A_272] : memref<10128xf32, #tpu.memory_space<vmem_shared>> -> memref<10128xf32, #tpu.memory_space<vmem_shared>>
        tpu.wait_indirect_dma semaphore(%run_scoped3A_263 : memref<!tpu.dma_semaphore, #tpu.memory_space<semaphore_mem>>) src(%arg25 : memref<128xf32, #tpu.memory_space<vmem>>) dst(%dma_wait3A_273 : memref<10128xf32, #tpu.memory_space<vmem_shared>>)
        tpu.yield
      }) : () -> ()
    }
    %scan3A_82 = arith.constant 20 : i32
    %dma_wait3A_83 = arith.constant 1 : i32
    %dma_wait3A_84 = arith.constant 0 : i32
    %dma_wait3A_85 = tpu.memref_slice %arg10[%dma_wait3A_83, %dma_wait3A_84] : memref<2x128xi32, #tpu.memory_space<vmem>> -> memref<1x128xi32, #tpu.memory_space<vmem>>
    %dma_wait3A_86 = tpu.memref_squeeze %dma_wait3A_85 : memref<1x128xi32, #tpu.memory_space<vmem>> -> memref<128xi32, #tpu.memory_space<vmem>>
    %dma_wait3A_87 = arith.constant 0 : i32
    %dma_wait3A_88 = arith.constant 0 : i32
    %dma_wait3A_89 = tpu.memref_slice %arg9[%dma_wait3A_87, %dma_wait3A_88] : memref<10128x128xf32, #tpu.memory_space<vmem_shared>> -> memref<10128x128xf32, #tpu.memory_space<vmem_shared>>
    tpu.wait_indirect_dma semaphore(%arg23 : memref<!tpu.dma_semaphore, #tpu.memory_space<semaphore_mem>>) src(%arg15 : memref<128x128xf32, #tpu.memory_space<vmem>>) dst(%dma_wait3A_89 : memref<10128x128xf32, #tpu.memory_space<vmem_shared>>)
    %barrier3A_90 = arith.constant 0 : index
    tpu.barrier barrier_id(%barrier3A_90)
    %eq3A_91 = arith.constant 0 : i32
    %eq3A_92 = arith.cmpi eq, %arg0, %eq3A_91 : i32
    %convert_element_type3A_93 = arith.extui %eq3A_92 : i1 to i32
    %cond3A_94 = arith.constant 0 : i32
    %cond3A_95 = arith.cmpi ne, %convert_element_type3A_93, %cond3A_94 : i32
    scf.if %cond3A_95 {
      %lt3A = arith.constant 15 : i32
      %lt3A_116 = arith.cmpi slt, %arg1, %lt3A : i32
      %convert_element_type3A_117 = arith.extui %lt3A_116 : i1 to i32
      %cond3A_118 = arith.constant 0 : i32
      %cond3A_119 = arith.cmpi ne, %convert_element_type3A_117, %cond3A_118 : i32
      scf.if %cond3A_119 {
        %mul3A_125 = arith.constant 624 : i32
        %mul3A_126 = arith.muli %arg1, %mul3A_125 : i32
        %mul3A_127 = arith.constant 624 : i32
        %mul3A_128 = arith.muli %arg1, %mul3A_127 : i32
        "tpu.region"() ({
          %run_scoped3A = tpu.sem_alloc : memref<!tpu.dma_semaphore, #tpu.memory_space<semaphore_mem>>
          %dma_start3A_129 = arith.constant 0 : i32
          %dma_start3A_130 = tpu.memref_slice %arg5[%mul3A_128, %dma_start3A_129] : memref<10000x128xf32, #tpu.memory_space<hbm>> -> memref<624x128xf32, #tpu.memory_space<hbm>>
          %dma_start3A_131 = arith.constant 0 : i32
          %dma_start3A_132 = tpu.memref_slice %arg9[%mul3A_126, %dma_start3A_131] : memref<10128x128xf32, #tpu.memory_space<vmem_shared>> -> memref<624x128xf32, #tpu.memory_space<vmem_shared>>
          tpu.enqueue_dma source(%dma_start3A_132 : memref<624x128xf32, #tpu.memory_space<vmem_shared>>) target(%dma_start3A_130 : memref<624x128xf32, #tpu.memory_space<hbm>>) target_semaphore(%run_scoped3A : memref<!tpu.dma_semaphore, #tpu.memory_space<semaphore_mem>>)
          %dma_wait3A_133 = arith.constant 0 : i32
          %dma_wait3A_134 = tpu.memref_slice %arg5[%mul3A_128, %dma_wait3A_133] : memref<10000x128xf32, #tpu.memory_space<hbm>> -> memref<624x128xf32, #tpu.memory_space<hbm>>
          %dma_wait3A_135 = arith.constant 0 : i32
          %dma_wait3A_136 = tpu.memref_slice %arg9[%mul3A_126, %dma_wait3A_135] : memref<10128x128xf32, #tpu.memory_space<vmem_shared>> -> memref<624x128xf32, #tpu.memory_space<vmem_shared>>
          tpu.wait_dma2 semaphore(%run_scoped3A : memref<!tpu.dma_semaphore, #tpu.memory_space<semaphore_mem>>) src(%dma_wait3A_136 : memref<624x128xf32, #tpu.memory_space<vmem_shared>>) dst(%dma_wait3A_134 : memref<624x128xf32, #tpu.memory_space<hbm>>)
          tpu.yield
        }) : () -> ()
      } else {
      }
      %eq3A_120 = arith.constant 15 : i32
      %eq3A_121 = arith.cmpi eq, %arg1, %eq3A_120 : i32
      %convert_element_type3A_122 = arith.extui %eq3A_121 : i1 to i32
      %cond3A_123 = arith.constant 0 : i32
      %cond3A_124 = arith.cmpi ne, %convert_element_type3A_122, %cond3A_123 : i32
      scf.if %cond3A_124 {
        "tpu.region"() ({
          %run_scoped3A = tpu.sem_alloc : memref<!tpu.dma_semaphore, #tpu.memory_space<semaphore_mem>>
          %dma_start3A_125 = arith.constant 9360 : i32
          %dma_start3A_126 = arith.constant 0 : i32
          %dma_start3A_127 = tpu.memref_slice %arg5[%dma_start3A_125, %dma_start3A_126] : memref<10000x128xf32, #tpu.memory_space<hbm>> -> memref<640x128xf32, #tpu.memory_space<hbm>>
          %dma_start3A_128 = arith.constant 9360 : i32
          %dma_start3A_129 = arith.constant 0 : i32
          %dma_start3A_130 = tpu.memref_slice %arg9[%dma_start3A_128, %dma_start3A_129] : memref<10128x128xf32, #tpu.memory_space<vmem_shared>> -> memref<640x128xf32, #tpu.memory_space<vmem_shared>>
          tpu.enqueue_dma source(%dma_start3A_130 : memref<640x128xf32, #tpu.memory_space<vmem_shared>>) target(%dma_start3A_127 : memref<640x128xf32, #tpu.memory_space<hbm>>) target_semaphore(%run_scoped3A : memref<!tpu.dma_semaphore, #tpu.memory_space<semaphore_mem>>)
          %dma_wait3A_131 = arith.constant 9360 : i32
          %dma_wait3A_132 = arith.constant 0 : i32
          %dma_wait3A_133 = tpu.memref_slice %arg5[%dma_wait3A_131, %dma_wait3A_132] : memref<10000x128xf32, #tpu.memory_space<hbm>> -> memref<640x128xf32, #tpu.memory_space<hbm>>
          %dma_wait3A_134 = arith.constant 9360 : i32
          %dma_wait3A_135 = arith.constant 0 : i32
          %dma_wait3A_136 = tpu.memref_slice %arg9[%dma_wait3A_134, %dma_wait3A_135] : memref<10128x128xf32, #tpu.memory_space<vmem_shared>> -> memref<640x128xf32, #tpu.memory_space<vmem_shared>>
          tpu.wait_dma2 semaphore(%run_scoped3A : memref<!tpu.dma_semaphore, #tpu.memory_space<semaphore_mem>>) src(%dma_wait3A_136 : memref<640x128xf32, #tpu.memory_space<vmem_shared>>) dst(%dma_wait3A_133 : memref<640x128xf32, #tpu.memory_space<hbm>>)
          tpu.yield
        }) : () -> ()
      } else {
      }
    } else {
    }
    %eq3A_96 = arith.constant 1 : i32
    %eq3A_97 = arith.cmpi eq, %arg0, %eq3A_96 : i32
    %convert_element_type3A_98 = arith.extui %eq3A_97 : i1 to i32
    %cond3A_99 = arith.constant 0 : i32
    %cond3A_100 = arith.cmpi ne, %convert_element_type3A_98, %cond3A_99 : i32
    scf.if %cond3A_100 {
      %lt3A = arith.constant 15 : i32
      %lt3A_116 = arith.cmpi slt, %arg1, %lt3A : i32
      %convert_element_type3A_117 = arith.extui %lt3A_116 : i1 to i32
      %cond3A_118 = arith.constant 0 : i32
      %cond3A_119 = arith.cmpi ne, %convert_element_type3A_117, %cond3A_118 : i32
      scf.if %cond3A_119 {
        %mul3A_125 = arith.constant 624 : i32
        %mul3A_126 = arith.muli %arg1, %mul3A_125 : i32
        %mul3A_127 = arith.constant 624 : i32
        %mul3A_128 = arith.muli %arg1, %mul3A_127 : i32
        "tpu.region"() ({
          %run_scoped3A = tpu.sem_alloc : memref<!tpu.dma_semaphore, #tpu.memory_space<semaphore_mem>>
          %dma_start3A_129 = arith.constant 0 : i32
          %dma_start3A_130 = tpu.memref_slice %arg6[%mul3A_128, %dma_start3A_129] : memref<10000x128xf32, #tpu.memory_space<hbm>> -> memref<624x128xf32, #tpu.memory_space<hbm>>
          %dma_start3A_131 = arith.constant 0 : i32
          %dma_start3A_132 = tpu.memref_slice %arg9[%mul3A_126, %dma_start3A_131] : memref<10128x128xf32, #tpu.memory_space<vmem_shared>> -> memref<624x128xf32, #tpu.memory_space<vmem_shared>>
          tpu.enqueue_dma source(%dma_start3A_132 : memref<624x128xf32, #tpu.memory_space<vmem_shared>>) target(%dma_start3A_130 : memref<624x128xf32, #tpu.memory_space<hbm>>) target_semaphore(%run_scoped3A : memref<!tpu.dma_semaphore, #tpu.memory_space<semaphore_mem>>)
          %dma_wait3A_133 = arith.constant 0 : i32
          %dma_wait3A_134 = tpu.memref_slice %arg6[%mul3A_128, %dma_wait3A_133] : memref<10000x128xf32, #tpu.memory_space<hbm>> -> memref<624x128xf32, #tpu.memory_space<hbm>>
          %dma_wait3A_135 = arith.constant 0 : i32
          %dma_wait3A_136 = tpu.memref_slice %arg9[%mul3A_126, %dma_wait3A_135] : memref<10128x128xf32, #tpu.memory_space<vmem_shared>> -> memref<624x128xf32, #tpu.memory_space<vmem_shared>>
          tpu.wait_dma2 semaphore(%run_scoped3A : memref<!tpu.dma_semaphore, #tpu.memory_space<semaphore_mem>>) src(%dma_wait3A_136 : memref<624x128xf32, #tpu.memory_space<vmem_shared>>) dst(%dma_wait3A_134 : memref<624x128xf32, #tpu.memory_space<hbm>>)
          tpu.yield
        }) : () -> ()
      } else {
      }
      %eq3A_120 = arith.constant 15 : i32
      %eq3A_121 = arith.cmpi eq, %arg1, %eq3A_120 : i32
      %convert_element_type3A_122 = arith.extui %eq3A_121 : i1 to i32
      %cond3A_123 = arith.constant 0 : i32
      %cond3A_124 = arith.cmpi ne, %convert_element_type3A_122, %cond3A_123 : i32
      scf.if %cond3A_124 {
        "tpu.region"() ({
          %run_scoped3A = tpu.sem_alloc : memref<!tpu.dma_semaphore, #tpu.memory_space<semaphore_mem>>
          %dma_start3A_125 = arith.constant 9360 : i32
          %dma_start3A_126 = arith.constant 0 : i32
          %dma_start3A_127 = tpu.memref_slice %arg6[%dma_start3A_125, %dma_start3A_126] : memref<10000x128xf32, #tpu.memory_space<hbm>> -> memref<640x128xf32, #tpu.memory_space<hbm>>
          %dma_start3A_128 = arith.constant 9360 : i32
          %dma_start3A_129 = arith.constant 0 : i32
          %dma_start3A_130 = tpu.memref_slice %arg9[%dma_start3A_128, %dma_start3A_129] : memref<10128x128xf32, #tpu.memory_space<vmem_shared>> -> memref<640x128xf32, #tpu.memory_space<vmem_shared>>
          tpu.enqueue_dma source(%dma_start3A_130 : memref<640x128xf32, #tpu.memory_space<vmem_shared>>) target(%dma_start3A_127 : memref<640x128xf32, #tpu.memory_space<hbm>>) target_semaphore(%run_scoped3A : memref<!tpu.dma_semaphore, #tpu.memory_space<semaphore_mem>>)
          %dma_wait3A_131 = arith.constant 9360 : i32
          %dma_wait3A_132 = arith.constant 0 : i32
          %dma_wait3A_133 = tpu.memref_slice %arg6[%dma_wait3A_131, %dma_wait3A_132] : memref<10000x128xf32, #tpu.memory_space<hbm>> -> memref<640x128xf32, #tpu.memory_space<hbm>>
          %dma_wait3A_134 = arith.constant 9360 : i32
          %dma_wait3A_135 = arith.constant 0 : i32
          %dma_wait3A_136 = tpu.memref_slice %arg9[%dma_wait3A_134, %dma_wait3A_135] : memref<10128x128xf32, #tpu.memory_space<vmem_shared>> -> memref<640x128xf32, #tpu.memory_space<vmem_shared>>
          tpu.wait_dma2 semaphore(%run_scoped3A : memref<!tpu.dma_semaphore, #tpu.memory_space<semaphore_mem>>) src(%dma_wait3A_136 : memref<640x128xf32, #tpu.memory_space<vmem_shared>>) dst(%dma_wait3A_133 : memref<640x128xf32, #tpu.memory_space<hbm>>)
          tpu.yield
        }) : () -> ()
      } else {
      }
    } else {
    }
    %eq3A_101 = arith.constant 0 : i32
    %eq3A_102 = arith.cmpi eq, %arg1, %eq3A_101 : i32
    %eq3A_103 = arith.constant 0 : i32
    %eq3A_104 = arith.cmpi eq, %arg0, %eq3A_103 : i32
    %and3A = arith.andi %eq3A_102, %eq3A_104 : i1
    %convert_element_type3A_105 = arith.extui %and3A : i1 to i32
    %cond3A_106 = arith.constant 0 : i32
    %cond3A_107 = arith.cmpi ne, %convert_element_type3A_105, %cond3A_106 : i32
    scf.if %cond3A_107 {
      "tpu.region"() ({
        %run_scoped3A = tpu.sem_alloc : memref<!tpu.dma_semaphore, #tpu.memory_space<semaphore_mem>>
        tpu.enqueue_dma source(%arg24 : memref<10128xf32, #tpu.memory_space<vmem_shared>>) target(%arg7 : memref<10128xf32, #tpu.memory_space<hbm>>) target_semaphore(%run_scoped3A : memref<!tpu.dma_semaphore, #tpu.memory_space<semaphore_mem>>)
        tpu.wait_dma2 semaphore(%run_scoped3A : memref<!tpu.dma_semaphore, #tpu.memory_space<semaphore_mem>>) src(%arg24 : memref<10128xf32, #tpu.memory_space<vmem_shared>>) dst(%arg7 : memref<10128xf32, #tpu.memory_space<hbm>>)
        tpu.yield
      }) : () -> ()
    } else {
    }
    %eq3A_108 = arith.constant 0 : i32
    %eq3A_109 = arith.cmpi eq, %arg1, %eq3A_108 : i32
    %eq3A_110 = arith.constant 1 : i32
    %eq3A_111 = arith.cmpi eq, %arg0, %eq3A_110 : i32
    %and3A_112 = arith.andi %eq3A_109, %eq3A_111 : i1
    %convert_element_type3A_113 = arith.extui %and3A_112 : i1 to i32
    %cond3A_114 = arith.constant 0 : i32
    %cond3A_115 = arith.cmpi ne, %convert_element_type3A_113, %cond3A_114 : i32
    scf.if %cond3A_115 {
      "tpu.region"() ({
        %run_scoped3A = tpu.sem_alloc : memref<!tpu.dma_semaphore, #tpu.memory_space<semaphore_mem>>
        tpu.enqueue_dma source(%arg24 : memref<10128xf32, #tpu.memory_space<vmem_shared>>) target(%arg8 : memref<10128xf32, #tpu.memory_space<hbm>>) target_semaphore(%run_scoped3A : memref<!tpu.dma_semaphore, #tpu.memory_space<semaphore_mem>>)
        tpu.wait_dma2 semaphore(%run_scoped3A : memref<!tpu.dma_semaphore, #tpu.memory_space<semaphore_mem>>) src(%arg24 : memref<10128xf32, #tpu.memory_space<vmem_shared>>) dst(%arg8 : memref<10128xf32, #tpu.memory_space<hbm>>)
        tpu.yield
      }) : () -> ()
    } else {
    }
    return
  }
}

#map = affine_map<(d0, d1) -> (0, 0)>
module attributes {stable_mosaic.version = 14 : i64} {
  func.func @_seg_sum_body(%arg0: i32, %arg1: i32, %arg2: memref<10000x128xf32, #tpu.memory_space<hbm>>, %arg3: memref<2x327680xi32, #tpu.memory_space<hbm>>, %arg4: memref<10000x128xf32, #tpu.memory_space<hbm>>, %arg5: memref<10000x128xf32, #tpu.memory_space<hbm>>, %arg6: memref<10128x128xf32, #tpu.memory_space<vmem_shared>>, %arg7: memref<2x128xi32, #tpu.memory_space<vmem>>, %arg8: memref<2x128xi32, #tpu.memory_space<vmem>>, %arg9: memref<2x128xi32, #tpu.memory_space<vmem>>, %arg10: memref<2x128xi32, #tpu.memory_space<vmem>>, %arg11: memref<128x128xf32, #tpu.memory_space<vmem>>, %arg12: memref<128x128xf32, #tpu.memory_space<vmem>>, %arg13: memref<!tpu.dma_semaphore, #tpu.memory_space<semaphore_mem>>, %arg14: memref<!tpu.dma_semaphore, #tpu.memory_space<semaphore_mem>>, %arg15: memref<!tpu.dma_semaphore, #tpu.memory_space<semaphore_mem>>, %arg16: memref<!tpu.dma_semaphore, #tpu.memory_space<semaphore_mem>>, %arg17: memref<!tpu.dma_semaphore, #tpu.memory_space<semaphore_mem>>, %arg18: memref<!tpu.dma_semaphore, #tpu.memory_space<semaphore_mem>>, %arg19: memref<!tpu.dma_semaphore, #tpu.memory_space<semaphore_mem>>, %arg20: memref<!tpu.dma_semaphore, #tpu.memory_space<semaphore_mem>>) attributes {dimension_semantics = [#tpu.dimension_semantics<core_parallel>, #tpu.dimension_semantics<subcore_parallel>], iteration_bounds = array<i64: 2, 16>, scalar_prefetch = 0 : i64, scratch_operands = 15 : i64, tpu.core_type = #tpu.core_type<sc_vector_subcore>, window_params = [{transform_indices = #map}, {transform_indices = #map}, {transform_indices = #map}, {transform_indices = #map}]} {
    %mul3A = arith.constant 16 : i32
    %mul3A_0 = arith.muli %arg0, %mul3A : i32
    %add3A = arith.addi %mul3A_0, %arg1 : i32
    %mul3A_1 = arith.constant 80 : i32
    %mul3A_2 = arith.muli %add3A, %mul3A_1 : i32
    %add3A_3 = arith.constant 0 : i32
    %add3A_4 = arith.addi %mul3A_2, %add3A_3 : i32
    %mul3A_5 = arith.constant 128 : i32
    %mul3A_6 = arith.muli %add3A_4, %mul3A_5 : i32
    %dma_start3A = arith.constant 0 : i32
    %dma_start3A_7 = tpu.memref_slice %arg3[%dma_start3A, %mul3A_6] : memref<2x327680xi32, #tpu.memory_space<hbm>> -> memref<2x128xi32, #tpu.memory_space<hbm>>
    %dma_start3A_8 = arith.constant 0 : i32
    %dma_start3A_9 = tpu.memref_slice %arg3[%dma_start3A_8, %mul3A_6] : memref<2x327680xi32, #tpu.memory_space<hbm>> -> memref<2x128xi32, #tpu.memory_space<hbm>>
    tpu.enqueue_dma source(%dma_start3A_9 : memref<2x128xi32, #tpu.memory_space<hbm>>) target(%arg7 : memref<2x128xi32, #tpu.memory_space<vmem>>) target_semaphore(%arg13 : memref<!tpu.dma_semaphore, #tpu.memory_space<semaphore_mem>>)
    %add3A_10 = arith.constant 1 : i32
    %add3A_11 = arith.addi %mul3A_2, %add3A_10 : i32
    %mul3A_12 = arith.constant 128 : i32
    %mul3A_13 = arith.muli %add3A_11, %mul3A_12 : i32
    %dma_start3A_14 = arith.constant 0 : i32
    %dma_start3A_15 = tpu.memref_slice %arg3[%dma_start3A_14, %mul3A_13] : memref<2x327680xi32, #tpu.memory_space<hbm>> -> memref<2x128xi32, #tpu.memory_space<hbm>>
    %dma_start3A_16 = arith.constant 0 : i32
    %dma_start3A_17 = tpu.memref_slice %arg3[%dma_start3A_16, %mul3A_13] : memref<2x327680xi32, #tpu.memory_space<hbm>> -> memref<2x128xi32, #tpu.memory_space<hbm>>
    tpu.enqueue_dma source(%dma_start3A_17 : memref<2x128xi32, #tpu.memory_space<hbm>>) target(%arg8 : memref<2x128xi32, #tpu.memory_space<vmem>>) target_semaphore(%arg14 : memref<!tpu.dma_semaphore, #tpu.memory_space<semaphore_mem>>)
    %add3A_18 = arith.constant 2 : i32
    %add3A_19 = arith.addi %mul3A_2, %add3A_18 : i32
    %mul3A_20 = arith.constant 128 : i32
    %mul3A_21 = arith.muli %add3A_19, %mul3A_20 : i32
    %dma_start3A_22 = arith.constant 0 : i32
    %dma_start3A_23 = tpu.memref_slice %arg3[%dma_start3A_22, %mul3A_21] : memref<2x327680xi32, #tpu.memory_space<hbm>> -> memref<2x128xi32, #tpu.memory_space<hbm>>
    %dma_start3A_24 = arith.constant 0 : i32
    %dma_start3A_25 = tpu.memref_slice %arg3[%dma_start3A_24, %mul3A_21] : memref<2x327680xi32, #tpu.memory_space<hbm>> -> memref<2x128xi32, #tpu.memory_space<hbm>>
    tpu.enqueue_dma source(%dma_start3A_25 : memref<2x128xi32, #tpu.memory_space<hbm>>) target(%arg9 : memref<2x128xi32, #tpu.memory_space<vmem>>) target_semaphore(%arg15 : memref<!tpu.dma_semaphore, #tpu.memory_space<semaphore_mem>>)
    %add3A_26 = arith.constant 3 : i32
    %add3A_27 = arith.addi %mul3A_2, %add3A_26 : i32
    %mul3A_28 = arith.constant 128 : i32
    %mul3A_29 = arith.muli %add3A_27, %mul3A_28 : i32
    %dma_start3A_30 = arith.constant 0 : i32
    %dma_start3A_31 = tpu.memref_slice %arg3[%dma_start3A_30, %mul3A_29] : memref<2x327680xi32, #tpu.memory_space<hbm>> -> memref<2x128xi32, #tpu.memory_space<hbm>>
    %dma_start3A_32 = arith.constant 0 : i32
    %dma_start3A_33 = tpu.memref_slice %arg3[%dma_start3A_32, %mul3A_29] : memref<2x327680xi32, #tpu.memory_space<hbm>> -> memref<2x128xi32, #tpu.memory_space<hbm>>
    tpu.enqueue_dma source(%dma_start3A_33 : memref<2x128xi32, #tpu.memory_space<hbm>>) target(%arg10 : memref<2x128xi32, #tpu.memory_space<vmem>>) target_semaphore(%arg16 : memref<!tpu.dma_semaphore, #tpu.memory_space<semaphore_mem>>)
    %scan3A = arith.constant 0 : i32
    %scan3A_34 = arith.constant 128 : i32
    %scan3A_35 = arith.addi %scan3A, %scan3A_34 : i32
    %scan3A_36 = arith.constant 1 : i32
    scf.for %scan3A_91 = %scan3A to %scan3A_35 step %scan3A_36  : i32 {
      %mul3A_92 = arith.constant 1 : i32
      %mul3A_93 = arith.muli %scan3A_91, %mul3A_92 : i32
      %add3A_94 = arith.constant 0 : i32
      %add3A_95 = arith.addi %add3A_94, %mul3A_93 : i32
      %broadcast_in_dim3A = arith.constant 0.000000e+00 : f32
      %broadcast_in_dim3A_96 = vector.broadcast %broadcast_in_dim3A : f32 to vector<16xf32>
      %swap3A = arith.index_cast %add3A_95 : i32 to index
      %swap3A_97 = arith.constant 0 : index
      %swap3A_98 = tpu.vector_load %arg11[%swap3A, %swap3A_97] {strides = array<i32>} : memref<128x128xf32, #tpu.memory_space<vmem>>, vector<1x16xf32>,
      %swap3A_99 = vector.shape_cast %swap3A_98 : vector<1x16xf32> to vector<16xf32>
      %swap3A_100 = vector.shape_cast %broadcast_in_dim3A_96 : vector<16xf32> to vector<1x16xf32>
      tpu.vector_store %arg11[%swap3A, %swap3A_97], %swap3A_100 {strides = array<i32>} : memref<128x128xf32, #tpu.memory_space<vmem>>, vector<1x16xf32>,
      %broadcast_in_dim3A_101 = arith.constant 0.000000e+00 : f32
      %broadcast_in_dim3A_102 = vector.broadcast %broadcast_in_dim3A_101 : f32 to vector<16xf32>
      %swap3A_103 = arith.index_cast %add3A_95 : i32 to index
      %swap3A_104 = arith.constant 16 : index
      %swap3A_105 = tpu.vector_load %arg11[%swap3A_103, %swap3A_104] {strides = array<i32>} : memref<128x128xf32, #tpu.memory_space<vmem>>, vector<1x16xf32>,
      %swap3A_106 = vector.shape_cast %swap3A_105 : vector<1x16xf32> to vector<16xf32>
      %swap3A_107 = vector.shape_cast %broadcast_in_dim3A_102 : vector<16xf32> to vector<1x16xf32>
      tpu.vector_store %arg11[%swap3A_103, %swap3A_104], %swap3A_107 {strides = array<i32>} : memref<128x128xf32, #tpu.memory_space<vmem>>, vector<1x16xf32>,
      %broadcast_in_dim3A_108 = arith.constant 0.000000e+00 : f32
      %broadcast_in_dim3A_109 = vector.broadcast %broadcast_in_dim3A_108 : f32 to vector<16xf32>
      %swap3A_110 = arith.index_cast %add3A_95 : i32 to index
      %swap3A_111 = arith.constant 32 : index
      %swap3A_112 = tpu.vector_load %arg11[%swap3A_110, %swap3A_111] {strides = array<i32>} : memref<128x128xf32, #tpu.memory_space<vmem>>, vector<1x16xf32>,
      %swap3A_113 = vector.shape_cast %swap3A_112 : vector<1x16xf32> to vector<16xf32>
      %swap3A_114 = vector.shape_cast %broadcast_in_dim3A_109 : vector<16xf32> to vector<1x16xf32>
      tpu.vector_store %arg11[%swap3A_110, %swap3A_111], %swap3A_114 {strides = array<i32>} : memref<128x128xf32, #tpu.memory_space<vmem>>, vector<1x16xf32>,
      %broadcast_in_dim3A_115 = arith.constant 0.000000e+00 : f32
      %broadcast_in_dim3A_116 = vector.broadcast %broadcast_in_dim3A_115 : f32 to vector<16xf32>
      %swap3A_117 = arith.index_cast %add3A_95 : i32 to index
      %swap3A_118 = arith.constant 48 : index
      %swap3A_119 = tpu.vector_load %arg11[%swap3A_117, %swap3A_118] {strides = array<i32>} : memref<128x128xf32, #tpu.memory_space<vmem>>, vector<1x16xf32>,
      %swap3A_120 = vector.shape_cast %swap3A_119 : vector<1x16xf32> to vector<16xf32>
      %swap3A_121 = vector.shape_cast %broadcast_in_dim3A_116 : vector<16xf32> to vector<1x16xf32>
      tpu.vector_store %arg11[%swap3A_117, %swap3A_118], %swap3A_121 {strides = array<i32>} : memref<128x128xf32, #tpu.memory_space<vmem>>, vector<1x16xf32>,
      %broadcast_in_dim3A_122 = arith.constant 0.000000e+00 : f32
      %broadcast_in_dim3A_123 = vector.broadcast %broadcast_in_dim3A_122 : f32 to vector<16xf32>
      %swap3A_124 = arith.index_cast %add3A_95 : i32 to index
      %swap3A_125 = arith.constant 64 : index
      %swap3A_126 = tpu.vector_load %arg11[%swap3A_124, %swap3A_125] {strides = array<i32>} : memref<128x128xf32, #tpu.memory_space<vmem>>, vector<1x16xf32>,
      %swap3A_127 = vector.shape_cast %swap3A_126 : vector<1x16xf32> to vector<16xf32>
      %swap3A_128 = vector.shape_cast %broadcast_in_dim3A_123 : vector<16xf32> to vector<1x16xf32>
      tpu.vector_store %arg11[%swap3A_124, %swap3A_125], %swap3A_128 {strides = array<i32>} : memref<128x128xf32, #tpu.memory_space<vmem>>, vector<1x16xf32>,
      %broadcast_in_dim3A_129 = arith.constant 0.000000e+00 : f32
      %broadcast_in_dim3A_130 = vector.broadcast %broadcast_in_dim3A_129 : f32 to vector<16xf32>
      %swap3A_131 = arith.index_cast %add3A_95 : i32 to index
      %swap3A_132 = arith.constant 80 : index
      %swap3A_133 = tpu.vector_load %arg11[%swap3A_131, %swap3A_132] {strides = array<i32>} : memref<128x128xf32, #tpu.memory_space<vmem>>, vector<1x16xf32>,
      %swap3A_134 = vector.shape_cast %swap3A_133 : vector<1x16xf32> to vector<16xf32>
      %swap3A_135 = vector.shape_cast %broadcast_in_dim3A_130 : vector<16xf32> to vector<1x16xf32>
      tpu.vector_store %arg11[%swap3A_131, %swap3A_132], %swap3A_135 {strides = array<i32>} : memref<128x128xf32, #tpu.memory_space<vmem>>, vector<1x16xf32>,
      %broadcast_in_dim3A_136 = arith.constant 0.000000e+00 : f32
      %broadcast_in_dim3A_137 = vector.broadcast %broadcast_in_dim3A_136 : f32 to vector<16xf32>
      %swap3A_138 = arith.index_cast %add3A_95 : i32 to index
      %swap3A_139 = arith.constant 96 : index
      %swap3A_140 = tpu.vector_load %arg11[%swap3A_138, %swap3A_139] {strides = array<i32>} : memref<128x128xf32, #tpu.memory_space<vmem>>, vector<1x16xf32>,
      %swap3A_141 = vector.shape_cast %swap3A_140 : vector<1x16xf32> to vector<16xf32>
      %swap3A_142 = vector.shape_cast %broadcast_in_dim3A_137 : vector<16xf32> to vector<1x16xf32>
      tpu.vector_store %arg11[%swap3A_138, %swap3A_139], %swap3A_142 {strides = array<i32>} : memref<128x128xf32, #tpu.memory_space<vmem>>, vector<1x16xf32>,
      %broadcast_in_dim3A_143 = arith.constant 0.000000e+00 : f32
      %broadcast_in_dim3A_144 = vector.broadcast %broadcast_in_dim3A_143 : f32 to vector<16xf32>
      %swap3A_145 = arith.index_cast %add3A_95 : i32 to index
      %swap3A_146 = arith.constant 112 : index
      %swap3A_147 = tpu.vector_load %arg11[%swap3A_145, %swap3A_146] {strides = array<i32>} : memref<128x128xf32, #tpu.memory_space<vmem>>, vector<1x16xf32>,
      %swap3A_148 = vector.shape_cast %swap3A_147 : vector<1x16xf32> to vector<16xf32>
      %swap3A_149 = vector.shape_cast %broadcast_in_dim3A_144 : vector<16xf32> to vector<1x16xf32>
      tpu.vector_store %arg11[%swap3A_145, %swap3A_146], %swap3A_149 {strides = array<i32>} : memref<128x128xf32, #tpu.memory_space<vmem>>, vector<1x16xf32>,
    }
    %scan3A_37 = arith.constant 128 : i32
    %mul3A_38 = arith.constant 633 : i32
    %mul3A_39 = arith.muli %arg1, %mul3A_38 : i32
    %add3A_40 = arith.constant 0 : i32
    %add3A_41 = arith.addi %mul3A_39, %add3A_40 : i32
    "tpu.region"() ({
      %run_scoped3A = tpu.sem_alloc : memref<!tpu.dma_semaphore, #tpu.memory_space<semaphore_mem>>
      %dma_start3A_91 = arith.constant 0 : i32
      %dma_start3A_92 = tpu.memref_slice %arg6[%add3A_41, %dma_start3A_91] : memref<10128x128xf32, #tpu.memory_space<vmem_shared>> -> memref<128x128xf32, #tpu.memory_space<vmem_shared>>
      %dma_start3A_93 = arith.constant 0 : i32
      %dma_start3A_94 = tpu.memref_slice %arg6[%add3A_41, %dma_start3A_93] : memref<10128x128xf32, #tpu.memory_space<vmem_shared>> -> memref<128x128xf32, #tpu.memory_space<vmem_shared>>
      tpu.enqueue_dma source(%arg11 : memref<128x128xf32, #tpu.memory_space<vmem>>) target(%dma_start3A_94 : memref<128x128xf32, #tpu.memory_space<vmem_shared>>) target_semaphore(%run_scoped3A : memref<!tpu.dma_semaphore, #tpu.memory_space<semaphore_mem>>)
      %dma_wait3A_95 = arith.constant 0 : i32
      %dma_wait3A_96 = tpu.memref_slice %arg6[%add3A_41, %dma_wait3A_95] : memref<10128x128xf32, #tpu.memory_space<vmem_shared>> -> memref<128x128xf32, #tpu.memory_space<vmem_shared>>
      %dma_wait3A_97 = arith.constant 0 : i32
      %dma_wait3A_98 = tpu.memref_slice %arg6[%add3A_41, %dma_wait3A_97] : memref<10128x128xf32, #tpu.memory_space<vmem_shared>> -> memref<128x128xf32, #tpu.memory_space<vmem_shared>>
      tpu.wait_dma2 semaphore(%run_scoped3A : memref<!tpu.dma_semaphore, #tpu.memory_space<semaphore_mem>>) src(%arg11 : memref<128x128xf32, #tpu.memory_space<vmem>>) dst(%dma_wait3A_98 : memref<128x128xf32, #tpu.memory_space<vmem_shared>>)
      tpu.yield
    }) : () -> ()
    %mul3A_42 = arith.constant 633 : i32
    %mul3A_43 = arith.muli %arg1, %mul3A_42 : i32
    %add3A_44 = arith.constant 128 : i32
    %add3A_45 = arith.addi %mul3A_43, %add3A_44 : i32
    "tpu.region"() ({
      %run_scoped3A = tpu.sem_alloc : memref<!tpu.dma_semaphore, #tpu.memory_space<semaphore_mem>>
      %dma_start3A_91 = arith.constant 0 : i32
      %dma_start3A_92 = tpu.memref_slice %arg6[%add3A_45, %dma_start3A_91] : memref<10128x128xf32, #tpu.memory_space<vmem_shared>> -> memref<128x128xf32, #tpu.memory_space<vmem_shared>>
      %dma_start3A_93 = arith.constant 0 : i32
      %dma_start3A_94 = tpu.memref_slice %arg6[%add3A_45, %dma_start3A_93] : memref<10128x128xf32, #tpu.memory_space<vmem_shared>> -> memref<128x128xf32, #tpu.memory_space<vmem_shared>>
      tpu.enqueue_dma source(%arg11 : memref<128x128xf32, #tpu.memory_space<vmem>>) target(%dma_start3A_94 : memref<128x128xf32, #tpu.memory_space<vmem_shared>>) target_semaphore(%run_scoped3A : memref<!tpu.dma_semaphore, #tpu.memory_space<semaphore_mem>>)
      %dma_wait3A_95 = arith.constant 0 : i32
      %dma_wait3A_96 = tpu.memref_slice %arg6[%add3A_45, %dma_wait3A_95] : memref<10128x128xf32, #tpu.memory_space<vmem_shared>> -> memref<128x128xf32, #tpu.memory_space<vmem_shared>>
      %dma_wait3A_97 = arith.constant 0 : i32
      %dma_wait3A_98 = tpu.memref_slice %arg6[%add3A_45, %dma_wait3A_97] : memref<10128x128xf32, #tpu.memory_space<vmem_shared>> -> memref<128x128xf32, #tpu.memory_space<vmem_shared>>
      tpu.wait_dma2 semaphore(%run_scoped3A : memref<!tpu.dma_semaphore, #tpu.memory_space<semaphore_mem>>) src(%arg11 : memref<128x128xf32, #tpu.memory_space<vmem>>) dst(%dma_wait3A_98 : memref<128x128xf32, #tpu.memory_space<vmem_shared>>)
      tpu.yield
    }) : () -> ()
    %mul3A_46 = arith.constant 633 : i32
    %mul3A_47 = arith.muli %arg1, %mul3A_46 : i32
    %add3A_48 = arith.constant 256 : i32
    %add3A_49 = arith.addi %mul3A_47, %add3A_48 : i32
    "tpu.region"() ({
      %run_scoped3A = tpu.sem_alloc : memref<!tpu.dma_semaphore, #tpu.memory_space<semaphore_mem>>
      %dma_start3A_91 = arith.constant 0 : i32
      %dma_start3A_92 = tpu.memref_slice %arg6[%add3A_49, %dma_start3A_91] : memref<10128x128xf32, #tpu.memory_space<vmem_shared>> -> memref<128x128xf32, #tpu.memory_space<vmem_shared>>
      %dma_start3A_93 = arith.constant 0 : i32
      %dma_start3A_94 = tpu.memref_slice %arg6[%add3A_49, %dma_start3A_93] : memref<10128x128xf32, #tpu.memory_space<vmem_shared>> -> memref<128x128xf32, #tpu.memory_space<vmem_shared>>
      tpu.enqueue_dma source(%arg11 : memref<128x128xf32, #tpu.memory_space<vmem>>) target(%dma_start3A_94 : memref<128x128xf32, #tpu.memory_space<vmem_shared>>) target_semaphore(%run_scoped3A : memref<!tpu.dma_semaphore, #tpu.memory_space<semaphore_mem>>)
      %dma_wait3A_95 = arith.constant 0 : i32
      %dma_wait3A_96 = tpu.memref_slice %arg6[%add3A_49, %dma_wait3A_95] : memref<10128x128xf32, #tpu.memory_space<vmem_shared>> -> memref<128x128xf32, #tpu.memory_space<vmem_shared>>
      %dma_wait3A_97 = arith.constant 0 : i32
      %dma_wait3A_98 = tpu.memref_slice %arg6[%add3A_49, %dma_wait3A_97] : memref<10128x128xf32, #tpu.memory_space<vmem_shared>> -> memref<128x128xf32, #tpu.memory_space<vmem_shared>>
      tpu.wait_dma2 semaphore(%run_scoped3A : memref<!tpu.dma_semaphore, #tpu.memory_space<semaphore_mem>>) src(%arg11 : memref<128x128xf32, #tpu.memory_space<vmem>>) dst(%dma_wait3A_98 : memref<128x128xf32, #tpu.memory_space<vmem_shared>>)
      tpu.yield
    }) : () -> ()
    %mul3A_50 = arith.constant 633 : i32
    %mul3A_51 = arith.muli %arg1, %mul3A_50 : i32
    %add3A_52 = arith.constant 384 : i32
    %add3A_53 = arith.addi %mul3A_51, %add3A_52 : i32
    "tpu.region"() ({
      %run_scoped3A = tpu.sem_alloc : memref<!tpu.dma_semaphore, #tpu.memory_space<semaphore_mem>>
      %dma_start3A_91 = arith.constant 0 : i32
      %dma_start3A_92 = tpu.memref_slice %arg6[%add3A_53, %dma_start3A_91] : memref<10128x128xf32, #tpu.memory_space<vmem_shared>> -> memref<128x128xf32, #tpu.memory_space<vmem_shared>>
      %dma_start3A_93 = arith.constant 0 : i32
      %dma_start3A_94 = tpu.memref_slice %arg6[%add3A_53, %dma_start3A_93] : memref<10128x128xf32, #tpu.memory_space<vmem_shared>> -> memref<128x128xf32, #tpu.memory_space<vmem_shared>>
      tpu.enqueue_dma source(%arg11 : memref<128x128xf32, #tpu.memory_space<vmem>>) target(%dma_start3A_94 : memref<128x128xf32, #tpu.memory_space<vmem_shared>>) target_semaphore(%run_scoped3A : memref<!tpu.dma_semaphore, #tpu.memory_space<semaphore_mem>>)
      %dma_wait3A_95 = arith.constant 0 : i32
      %dma_wait3A_96 = tpu.memref_slice %arg6[%add3A_53, %dma_wait3A_95] : memref<10128x128xf32, #tpu.memory_space<vmem_shared>> -> memref<128x128xf32, #tpu.memory_space<vmem_shared>>
      %dma_wait3A_97 = arith.constant 0 : i32
      %dma_wait3A_98 = tpu.memref_slice %arg6[%add3A_53, %dma_wait3A_97] : memref<10128x128xf32, #tpu.memory_space<vmem_shared>> -> memref<128x128xf32, #tpu.memory_space<vmem_shared>>
      tpu.wait_dma2 semaphore(%run_scoped3A : memref<!tpu.dma_semaphore, #tpu.memory_space<semaphore_mem>>) src(%arg11 : memref<128x128xf32, #tpu.memory_space<vmem>>) dst(%dma_wait3A_98 : memref<128x128xf32, #tpu.memory_space<vmem_shared>>)
      tpu.yield
    }) : () -> ()
    %mul3A_54 = arith.constant 633 : i32
    %mul3A_55 = arith.muli %arg1, %mul3A_54 : i32
    %add3A_56 = arith.constant 633 : i32
    %add3A_57 = arith.addi %mul3A_55, %add3A_56 : i32
    %sub3A = arith.constant 121 : i32
    %sub3A_58 = arith.subi %add3A_57, %sub3A : i32
    "tpu.region"() ({
      %run_scoped3A = tpu.sem_alloc : memref<!tpu.dma_semaphore, #tpu.memory_space<semaphore_mem>>
      %dma_start3A_91 = arith.constant 0 : i32
      %dma_start3A_92 = arith.constant 0 : i32
      %dma_start3A_93 = tpu.memref_slice %arg11[%dma_start3A_91, %dma_start3A_92] : memref<128x128xf32, #tpu.memory_space<vmem>> -> memref<121x128xf32, #tpu.memory_space<vmem>>
      %dma_start3A_94 = arith.constant 0 : i32
      %dma_start3A_95 = tpu.memref_slice %arg6[%sub3A_58, %dma_start3A_94] : memref<10128x128xf32, #tpu.memory_space<vmem_shared>> -> memref<121x128xf32, #tpu.memory_space<vmem_shared>>
      %dma_start3A_96 = arith.constant 0 : i32
      %dma_start3A_97 = tpu.memref_slice %arg6[%sub3A_58, %dma_start3A_96] : memref<10128x128xf32, #tpu.memory_space<vmem_shared>> -> memref<121x128xf32, #tpu.memory_space<vmem_shared>>
      %dma_start3A_98 = arith.constant 0 : i32
      %dma_start3A_99 = arith.constant 0 : i32
      %dma_start3A_100 = tpu.memref_slice %arg11[%dma_start3A_98, %dma_start3A_99] : memref<128x128xf32, #tpu.memory_space<vmem>> -> memref<121x128xf32, #tpu.memory_space<vmem>>
      tpu.enqueue_dma source(%dma_start3A_100 : memref<121x128xf32, #tpu.memory_space<vmem>>) target(%dma_start3A_97 : memref<121x128xf32, #tpu.memory_space<vmem_shared>>) target_semaphore(%run_scoped3A : memref<!tpu.dma_semaphore, #tpu.memory_space<semaphore_mem>>)
      %dma_wait3A_101 = arith.constant 0 : i32
      %dma_wait3A_102 = arith.constant 0 : i32
      %dma_wait3A_103 = tpu.memref_slice %arg11[%dma_wait3A_101, %dma_wait3A_102] : memref<128x128xf32, #tpu.memory_space<vmem>> -> memref<121x128xf32, #tpu.memory_space<vmem>>
      %dma_wait3A_104 = arith.constant 0 : i32
      %dma_wait3A_105 = tpu.memref_slice %arg6[%sub3A_58, %dma_wait3A_104] : memref<10128x128xf32, #tpu.memory_space<vmem_shared>> -> memref<121x128xf32, #tpu.memory_space<vmem_shared>>
      %dma_wait3A_106 = arith.constant 0 : i32
      %dma_wait3A_107 = tpu.memref_slice %arg6[%sub3A_58, %dma_wait3A_106] : memref<10128x128xf32, #tpu.memory_space<vmem_shared>> -> memref<121x128xf32, #tpu.memory_space<vmem_shared>>
      %dma_wait3A_108 = arith.constant 0 : i32
      %dma_wait3A_109 = arith.constant 0 : i32
      %dma_wait3A_110 = tpu.memref_slice %arg11[%dma_wait3A_108, %dma_wait3A_109] : memref<128x128xf32, #tpu.memory_space<vmem>> -> memref<121x128xf32, #tpu.memory_space<vmem>>
      tpu.wait_dma2 semaphore(%run_scoped3A : memref<!tpu.dma_semaphore, #tpu.memory_space<semaphore_mem>>) src(%dma_wait3A_110 : memref<121x128xf32, #tpu.memory_space<vmem>>) dst(%dma_wait3A_107 : memref<121x128xf32, #tpu.memory_space<vmem_shared>>)
      tpu.yield
    }) : () -> ()
    %barrier3A = arith.constant 0 : index
    tpu.barrier barrier_id(%barrier3A)
    %dma_wait3A = arith.constant 0 : i32
    %dma_wait3A_59 = arith.constant 0 : i32
    %dma_wait3A_60 = tpu.memref_slice %arg3[%dma_wait3A, %dma_wait3A_59] : memref<2x327680xi32, #tpu.memory_space<hbm>> -> memref<2x128xi32, #tpu.memory_space<hbm>>
    %dma_wait3A_61 = arith.constant 0 : i32
    %dma_wait3A_62 = arith.constant 0 : i32
    %dma_wait3A_63 = tpu.memref_slice %arg3[%dma_wait3A_61, %dma_wait3A_62] : memref<2x327680xi32, #tpu.memory_space<hbm>> -> memref<2x128xi32, #tpu.memory_space<hbm>>
    tpu.wait_dma2 semaphore(%arg13 : memref<!tpu.dma_semaphore, #tpu.memory_space<semaphore_mem>>) src(%dma_wait3A_63 : memref<2x128xi32, #tpu.memory_space<hbm>>) dst(%arg7 : memref<2x128xi32, #tpu.memory_space<vmem>>)
    %dma_start3A_64 = arith.constant 0 : i32
    %dma_start3A_65 = arith.constant 0 : i32
    %dma_start3A_66 = tpu.memref_slice %arg7[%dma_start3A_64, %dma_start3A_65] : memref<2x128xi32, #tpu.memory_space<vmem>> -> memref<1x128xi32, #tpu.memory_space<vmem>>
    %dma_start3A_67 = tpu.memref_squeeze %dma_start3A_66 : memref<1x128xi32, #tpu.memory_space<vmem>> -> memref<128xi32, #tpu.memory_space<vmem>>
    %dma_start3A_68 = arith.constant 0 : i32
    %dma_start3A_69 = arith.constant 0 : i32
    %dma_start3A_70 = tpu.memref_slice %arg2[%dma_start3A_68, %dma_start3A_69] : memref<10000x128xf32, #tpu.memory_space<hbm>> -> memref<10000x128xf32, #tpu.memory_space<hbm>>
    tpu.enqueue_indirect_dma source(%dma_start3A_70 : memref<10000x128xf32, #tpu.memory_space<hbm>>) target(%arg11 : memref<128x128xf32, #tpu.memory_space<vmem>>) offsets(%dma_start3A_67 : memref<128xi32, #tpu.memory_space<vmem>>) semaphore(%arg17 : memref<!tpu.dma_semaphore, #tpu.memory_space<semaphore_mem>>)
    %scan3A_71 = arith.constant 0 : i32
    %scan3A_72 = arith.constant 20 : i32
    %scan3A_73 = arith.addi %scan3A_71, %scan3A_72 : i32
    %scan3A_74 = arith.constant 1 : i32
    scf.for %scan3A_91 = %scan3A_71 to %scan3A_73 step %scan3A_74  : i32 {
      %mul3A_92 = arith.constant 1 : i32
      %mul3A_93 = arith.muli %scan3A_91, %mul3A_92 : i32
      %add3A_94 = arith.constant 0 : i32
      %add3A_95 = arith.addi %add3A_94, %mul3A_93 : i32
      %mul3A_96 = arith.constant 4 : i32
      %mul3A_97 = arith.muli %mul3A_96, %add3A_95 : i32
      %add3A_98 = arith.addi %mul3A_2, %mul3A_97 : i32
      %add3A_99 = arith.constant 4 : i32
      %add3A_100 = arith.addi %add3A_98, %add3A_99 : i32
      %dma_wait3A_101 = arith.constant 0 : i32
      %dma_wait3A_102 = arith.constant 0 : i32
      %dma_wait3A_103 = tpu.memref_slice %arg7[%dma_wait3A_101, %dma_wait3A_102] : memref<2x128xi32, #tpu.memory_space<vmem>> -> memref<1x128xi32, #tpu.memory_space<vmem>>
      %dma_wait3A_104 = tpu.memref_squeeze %dma_wait3A_103 : memref<1x128xi32, #tpu.memory_space<vmem>> -> memref<128xi32, #tpu.memory_space<vmem>>
      %dma_wait3A_105 = arith.constant 0 : i32
      %dma_wait3A_106 = arith.constant 0 : i32
      %dma_wait3A_107 = tpu.memref_slice %arg2[%dma_wait3A_105, %dma_wait3A_106] : memref<10000x128xf32, #tpu.memory_space<hbm>> -> memref<10000x128xf32, #tpu.memory_space<hbm>>
      tpu.wait_indirect_dma semaphore(%arg17 : memref<!tpu.dma_semaphore, #tpu.memory_space<semaphore_mem>>) src(%dma_wait3A_107 : memref<10000x128xf32, #tpu.memory_space<hbm>>) dst(%arg11 : memref<128x128xf32, #tpu.memory_space<vmem>>)
      %gt3A = arith.constant 0 : i32
      %gt3A_108 = arith.cmpi sgt, %add3A_95, %gt3A : i32
      %convert_element_type3A_109 = arith.extui %gt3A_108 : i1 to i32
      %cond3A_110 = arith.constant 0 : i32
      %cond3A_111 = arith.cmpi ne, %convert_element_type3A_109, %cond3A_110 : i32
      scf.if %cond3A_111 {
        %dma_wait3A_235 = arith.constant 1 : i32
        %dma_wait3A_236 = arith.constant 0 : i32
        %dma_wait3A_237 = tpu.memref_slice %arg7[%dma_wait3A_235, %dma_wait3A_236] : memref<2x128xi32, #tpu.memory_space<vmem>> -> memref<1x128xi32, #tpu.memory_space<vmem>>
        %dma_wait3A_238 = tpu.memref_squeeze %dma_wait3A_237 : memref<1x128xi32, #tpu.memory_space<vmem>> -> memref<128xi32, #tpu.memory_space<vmem>>
        %dma_wait3A_239 = arith.constant 0 : i32
        %dma_wait3A_240 = arith.constant 0 : i32
        %dma_wait3A_241 = tpu.memref_slice %arg6[%dma_wait3A_239, %dma_wait3A_240] : memref<10128x128xf32, #tpu.memory_space<vmem_shared>> -> memref<10128x128xf32, #tpu.memory_space<vmem_shared>>
        tpu.wait_indirect_dma semaphore(%arg20 : memref<!tpu.dma_semaphore, #tpu.memory_space<semaphore_mem>>) src(%arg12 : memref<128x128xf32, #tpu.memory_space<vmem>>) dst(%dma_wait3A_241 : memref<10128x128xf32, #tpu.memory_space<vmem_shared>>)
        %sub3A_242 = arith.constant 1 : i32
        %sub3A_243 = arith.subi %add3A_100, %sub3A_242 : i32
        %mul3A_244 = arith.constant 128 : i32
        %mul3A_245 = arith.muli %sub3A_243, %mul3A_244 : i32
        %dma_start3A_246 = arith.constant 0 : i32
        %dma_start3A_247 = tpu.memref_slice %arg3[%dma_start3A_246, %mul3A_245] : memref<2x327680xi32, #tpu.memory_space<hbm>> -> memref<2x128xi32, #tpu.memory_space<hbm>>
        %dma_start3A_248 = arith.constant 0 : i32
        %dma_start3A_249 = tpu.memref_slice %arg3[%dma_start3A_248, %mul3A_245] : memref<2x327680xi32, #tpu.memory_space<hbm>> -> memref<2x128xi32, #tpu.memory_space<hbm>>
        tpu.enqueue_dma source(%dma_start3A_249 : memref<2x128xi32, #tpu.memory_space<hbm>>) target(%arg10 : memref<2x128xi32, #tpu.memory_space<vmem>>) target_semaphore(%arg16 : memref<!tpu.dma_semaphore, #tpu.memory_space<semaphore_mem>>)
      } else {
      }
      %dma_wait3A_112 = arith.constant 0 : i32
      %dma_wait3A_113 = arith.constant 0 : i32
      %dma_wait3A_114 = tpu.memref_slice %arg3[%dma_wait3A_112, %dma_wait3A_113] : memref<2x327680xi32, #tpu.memory_space<hbm>> -> memref<2x128xi32, #tpu.memory_space<hbm>>
      %dma_wait3A_115 = arith.constant 0 : i32
      %dma_wait3A_116 = arith.constant 0 : i32
      %dma_wait3A_117 = tpu.memref_slice %arg3[%dma_wait3A_115, %dma_wait3A_116] : memref<2x327680xi32, #tpu.memory_space<hbm>> -> memref<2x128xi32, #tpu.memory_space<hbm>>
      tpu.wait_dma2 semaphore(%arg14 : memref<!tpu.dma_semaphore, #tpu.memory_space<semaphore_mem>>) src(%dma_wait3A_117 : memref<2x128xi32, #tpu.memory_space<hbm>>) dst(%arg8 : memref<2x128xi32, #tpu.memory_space<vmem>>)
      %dma_start3A_118 = arith.constant 0 : i32
      %dma_start3A_119 = arith.constant 0 : i32
      %dma_start3A_120 = tpu.memref_slice %arg8[%dma_start3A_118, %dma_start3A_119] : memref<2x128xi32, #tpu.memory_space<vmem>> -> memref<1x128xi32, #tpu.memory_space<vmem>>
      %dma_start3A_121 = tpu.memref_squeeze %dma_start3A_120 : memref<1x128xi32, #tpu.memory_space<vmem>> -> memref<128xi32, #tpu.memory_space<vmem>>
      %dma_start3A_122 = arith.constant 0 : i32
      %dma_start3A_123 = arith.constant 0 : i32
      %dma_start3A_124 = tpu.memref_slice %arg2[%dma_start3A_122, %dma_start3A_123] : memref<10000x128xf32, #tpu.memory_space<hbm>> -> memref<10000x128xf32, #tpu.memory_space<hbm>>
      tpu.enqueue_indirect_dma source(%dma_start3A_124 : memref<10000x128xf32, #tpu.memory_space<hbm>>) target(%arg12 : memref<128x128xf32, #tpu.memory_space<vmem>>) offsets(%dma_start3A_121 : memref<128xi32, #tpu.memory_space<vmem>>) semaphore(%arg18 : memref<!tpu.dma_semaphore, #tpu.memory_space<semaphore_mem>>)
      %dma_start3A_125 = arith.constant 1 : i32
      %dma_start3A_126 = arith.constant 0 : i32
      %dma_start3A_127 = tpu.memref_slice %arg7[%dma_start3A_125, %dma_start3A_126] : memref<2x128xi32, #tpu.memory_space<vmem>> -> memref<1x128xi32, #tpu.memory_space<vmem>>
      %dma_start3A_128 = tpu.memref_squeeze %dma_start3A_127 : memref<1x128xi32, #tpu.memory_space<vmem>> -> memref<128xi32, #tpu.memory_space<vmem>>
      %dma_start3A_129 = arith.constant 0 : i32
      %dma_start3A_130 = arith.constant 0 : i32
      %dma_start3A_131 = tpu.memref_slice %arg6[%dma_start3A_129, %dma_start3A_130] : memref<10128x128xf32, #tpu.memory_space<vmem_shared>> -> memref<10128x128xf32, #tpu.memory_space<vmem_shared>>
      tpu.enqueue_indirect_dma source(%arg11 : memref<128x128xf32, #tpu.memory_space<vmem>>) target(%dma_start3A_131 : memref<10128x128xf32, #tpu.memory_space<vmem_shared>>) offsets(%dma_start3A_128 : memref<128xi32, #tpu.memory_space<vmem>>) semaphore(%arg19 : memref<!tpu.dma_semaphore, #tpu.memory_space<semaphore_mem>>) {add = true}
      %dma_wait3A_132 = arith.constant 0 : i32
      %dma_wait3A_133 = arith.constant 0 : i32
      %dma_wait3A_134 = tpu.memref_slice %arg7[%dma_wait3A_132, %dma_wait3A_133] : memref<2x128xi32, #tpu.memory_space<vmem>> -> memref<1x128xi32, #tpu.memory_space<vmem>>
      %dma_wait3A_135 = tpu.memref_squeeze %dma_wait3A_134 : memref<1x128xi32, #tpu.memory_space<vmem>> -> memref<128xi32, #tpu.memory_space<vmem>>
      %dma_wait3A_136 = arith.constant 0 : i32
      %dma_wait3A_137 = arith.constant 0 : i32
      %dma_wait3A_138 = tpu.memref_slice %arg2[%dma_wait3A_136, %dma_wait3A_137] : memref<10000x128xf32, #tpu.memory_space<hbm>> -> memref<10000x128xf32, #tpu.memory_space<hbm>>
      tpu.wait_indirect_dma semaphore(%arg18 : memref<!tpu.dma_semaphore, #tpu.memory_space<semaphore_mem>>) src(%dma_wait3A_138 : memref<10000x128xf32, #tpu.memory_space<hbm>>) dst(%arg12 : memref<128x128xf32, #tpu.memory_space<vmem>>)
      %dma_wait3A_139 = arith.constant 1 : i32
      %dma_wait3A_140 = arith.constant 0 : i32
      %dma_wait3A_141 = tpu.memref_slice %arg7[%dma_wait3A_139, %dma_wait3A_140] : memref<2x128xi32, #tpu.memory_space<vmem>> -> memref<1x128xi32, #tpu.memory_space<vmem>>
      %dma_wait3A_142 = tpu.memref_squeeze %dma_wait3A_141 : memref<1x128xi32, #tpu.memory_space<vmem>> -> memref<128xi32, #tpu.memory_space<vmem>>
      %dma_wait3A_143 = arith.constant 0 : i32
      %dma_wait3A_144 = arith.constant 0 : i32
      %dma_wait3A_145 = tpu.memref_slice %arg6[%dma_wait3A_143, %dma_wait3A_144] : memref<10128x128xf32, #tpu.memory_space<vmem_shared>> -> memref<10128x128xf32, #tpu.memory_space<vmem_shared>>
      tpu.wait_indirect_dma semaphore(%arg19 : memref<!tpu.dma_semaphore, #tpu.memory_space<semaphore_mem>>) src(%arg11 : memref<128x128xf32, #tpu.memory_space<vmem>>) dst(%dma_wait3A_145 : memref<10128x128xf32, #tpu.memory_space<vmem_shared>>)
      %lt3A = arith.constant 19 : i32
      %lt3A_146 = arith.cmpi slt, %add3A_95, %lt3A : i32
      %convert_element_type3A_147 = arith.extui %lt3A_146 : i1 to i32
      %cond3A_148 = arith.constant 0 : i32
      %cond3A_149 = arith.cmpi ne, %convert_element_type3A_147, %cond3A_148 : i32
      scf.if %cond3A_149 {
        %mul3A_235 = arith.constant 128 : i32
        %mul3A_236 = arith.muli %add3A_100, %mul3A_235 : i32
        %dma_start3A_237 = arith.constant 0 : i32
        %dma_start3A_238 = tpu.memref_slice %arg3[%dma_start3A_237, %mul3A_236] : memref<2x327680xi32, #tpu.memory_space<hbm>> -> memref<2x128xi32, #tpu.memory_space<hbm>>
        %dma_start3A_239 = arith.constant 0 : i32
        %dma_start3A_240 = tpu.memref_slice %arg3[%dma_start3A_239, %mul3A_236] : memref<2x327680xi32, #tpu.memory_space<hbm>> -> memref<2x128xi32, #tpu.memory_space<hbm>>
        tpu.enqueue_dma source(%dma_start3A_240 : memref<2x128xi32, #tpu.memory_space<hbm>>) target(%arg7 : memref<2x128xi32, #tpu.memory_space<vmem>>) target_semaphore(%arg13 : memref<!tpu.dma_semaphore, #tpu.memory_space<semaphore_mem>>)
      } else {
      }
      %dma_wait3A_150 = arith.constant 0 : i32
      %dma_wait3A_151 = arith.constant 0 : i32
      %dma_wait3A_152 = tpu.memref_slice %arg3[%dma_wait3A_150, %dma_wait3A_151] : memref<2x327680xi32, #tpu.memory_space<hbm>> -> memref<2x128xi32, #tpu.memory_space<hbm>>
      %dma_wait3A_153 = arith.constant 0 : i32
      %dma_wait3A_154 = arith.constant 0 : i32
      %dma_wait3A_155 = tpu.memref_slice %arg3[%dma_wait3A_153, %dma_wait3A_154] : memref<2x327680xi32, #tpu.memory_space<hbm>> -> memref<2x128xi32, #tpu.memory_space<hbm>>
      tpu.wait_dma2 semaphore(%arg15 : memref<!tpu.dma_semaphore, #tpu.memory_space<semaphore_mem>>) src(%dma_wait3A_155 : memref<2x128xi32, #tpu.memory_space<hbm>>) dst(%arg9 : memref<2x128xi32, #tpu.memory_space<vmem>>)
      %dma_start3A_156 = arith.constant 0 : i32
      %dma_start3A_157 = arith.constant 0 : i32
      %dma_start3A_158 = tpu.memref_slice %arg9[%dma_start3A_156, %dma_start3A_157] : memref<2x128xi32, #tpu.memory_space<vmem>> -> memref<1x128xi32, #tpu.memory_space<vmem>>
      %dma_start3A_159 = tpu.memref_squeeze %dma_start3A_158 : memref<1x128xi32, #tpu.memory_space<vmem>> -> memref<128xi32, #tpu.memory_space<vmem>>
      %dma_start3A_160 = arith.constant 0 : i32
      %dma_start3A_161 = arith.constant 0 : i32
      %dma_start3A_162 = tpu.memref_slice %arg2[%dma_start3A_160, %dma_start3A_161] : memref<10000x128xf32, #tpu.memory_space<hbm>> -> memref<10000x128xf32, #tpu.memory_space<hbm>>
      tpu.enqueue_indirect_dma source(%dma_start3A_162 : memref<10000x128xf32, #tpu.memory_space<hbm>>) target(%arg11 : memref<128x128xf32, #tpu.memory_space<vmem>>) offsets(%dma_start3A_159 : memref<128xi32, #tpu.memory_space<vmem>>) semaphore(%arg17 : memref<!tpu.dma_semaphore, #tpu.memory_space<semaphore_mem>>)
      %dma_start3A_163 = arith.constant 1 : i32
      %dma_start3A_164 = arith.constant 0 : i32
      %dma_start3A_165 = tpu.memref_slice %arg8[%dma_start3A_163, %dma_start3A_164] : memref<2x128xi32, #tpu.memory_space<vmem>> -> memref<1x128xi32, #tpu.memory_space<vmem>>
      %dma_start3A_166 = tpu.memref_squeeze %dma_start3A_165 : memref<1x128xi32, #tpu.memory_space<vmem>> -> memref<128xi32, #tpu.memory_space<vmem>>
      %dma_start3A_167 = arith.constant 0 : i32
      %dma_start3A_168 = arith.constant 0 : i32
      %dma_start3A_169 = tpu.memref_slice %arg6[%dma_start3A_167, %dma_start3A_168] : memref<10128x128xf32, #tpu.memory_space<vmem_shared>> -> memref<10128x128xf32, #tpu.memory_space<vmem_shared>>
      tpu.enqueue_indirect_dma source(%arg12 : memref<128x128xf32, #tpu.memory_space<vmem>>) target(%dma_start3A_169 : memref<10128x128xf32, #tpu.memory_space<vmem_shared>>) offsets(%dma_start3A_166 : memref<128xi32, #tpu.memory_space<vmem>>) semaphore(%arg20 : memref<!tpu.dma_semaphore, #tpu.memory_space<semaphore_mem>>) {add = true}
      %dma_wait3A_170 = arith.constant 0 : i32
      %dma_wait3A_171 = arith.constant 0 : i32
      %dma_wait3A_172 = tpu.memref_slice %arg7[%dma_wait3A_170, %dma_wait3A_171] : memref<2x128xi32, #tpu.memory_space<vmem>> -> memref<1x128xi32, #tpu.memory_space<vmem>>
      %dma_wait3A_173 = tpu.memref_squeeze %dma_wait3A_172 : memref<1x128xi32, #tpu.memory_space<vmem>> -> memref<128xi32, #tpu.memory_space<vmem>>
      %dma_wait3A_174 = arith.constant 0 : i32
      %dma_wait3A_175 = arith.constant 0 : i32
      %dma_wait3A_176 = tpu.memref_slice %arg2[%dma_wait3A_174, %dma_wait3A_175] : memref<10000x128xf32, #tpu.memory_space<hbm>> -> memref<10000x128xf32, #tpu.memory_space<hbm>>
      tpu.wait_indirect_dma semaphore(%arg17 : memref<!tpu.dma_semaphore, #tpu.memory_space<semaphore_mem>>) src(%dma_wait3A_176 : memref<10000x128xf32, #tpu.memory_space<hbm>>) dst(%arg11 : memref<128x128xf32, #tpu.memory_space<vmem>>)
      %dma_wait3A_177 = arith.constant 1 : i32
      %dma_wait3A_178 = arith.constant 0 : i32
      %dma_wait3A_179 = tpu.memref_slice %arg7[%dma_wait3A_177, %dma_wait3A_178] : memref<2x128xi32, #tpu.memory_space<vmem>> -> memref<1x128xi32, #tpu.memory_space<vmem>>
      %dma_wait3A_180 = tpu.memref_squeeze %dma_wait3A_179 : memref<1x128xi32, #tpu.memory_space<vmem>> -> memref<128xi32, #tpu.memory_space<vmem>>
      %dma_wait3A_181 = arith.constant 0 : i32
      %dma_wait3A_182 = arith.constant 0 : i32
      %dma_wait3A_183 = tpu.memref_slice %arg6[%dma_wait3A_181, %dma_wait3A_182] : memref<10128x128xf32, #tpu.memory_space<vmem_shared>> -> memref<10128x128xf32, #tpu.memory_space<vmem_shared>>
      tpu.wait_indirect_dma semaphore(%arg20 : memref<!tpu.dma_semaphore, #tpu.memory_space<semaphore_mem>>) src(%arg12 : memref<128x128xf32, #tpu.memory_space<vmem>>) dst(%dma_wait3A_183 : memref<10128x128xf32, #tpu.memory_space<vmem_shared>>)
      %lt3A_184 = arith.constant 19 : i32
      %lt3A_185 = arith.cmpi slt, %add3A_95, %lt3A_184 : i32
      %convert_element_type3A_186 = arith.extui %lt3A_185 : i1 to i32
      %cond3A_187 = arith.constant 0 : i32
      %cond3A_188 = arith.cmpi ne, %convert_element_type3A_186, %cond3A_187 : i32
      scf.if %cond3A_188 {
        %add3A_235 = arith.constant 1 : i32
        %add3A_236 = arith.addi %add3A_100, %add3A_235 : i32
        %mul3A_237 = arith.constant 128 : i32
        %mul3A_238 = arith.muli %add3A_236, %mul3A_237 : i32
        %dma_start3A_239 = arith.constant 0 : i32
        %dma_start3A_240 = tpu.memref_slice %arg3[%dma_start3A_239, %mul3A_238] : memref<2x327680xi32, #tpu.memory_space<hbm>> -> memref<2x128xi32, #tpu.memory_space<hbm>>
        %dma_start3A_241 = arith.constant 0 : i32
        %dma_start3A_242 = tpu.memref_slice %arg3[%dma_start3A_241, %mul3A_238] : memref<2x327680xi32, #tpu.memory_space<hbm>> -> memref<2x128xi32, #tpu.memory_space<hbm>>
        tpu.enqueue_dma source(%dma_start3A_242 : memref<2x128xi32, #tpu.memory_space<hbm>>) target(%arg8 : memref<2x128xi32, #tpu.memory_space<vmem>>) target_semaphore(%arg14 : memref<!tpu.dma_semaphore, #tpu.memory_space<semaphore_mem>>)
      } else {
      }
      %dma_wait3A_189 = arith.constant 0 : i32
      %dma_wait3A_190 = arith.constant 0 : i32
      %dma_wait3A_191 = tpu.memref_slice %arg3[%dma_wait3A_189, %dma_wait3A_190] : memref<2x327680xi32, #tpu.memory_space<hbm>> -> memref<2x128xi32, #tpu.memory_space<hbm>>
      %dma_wait3A_192 = arith.constant 0 : i32
      %dma_wait3A_193 = arith.constant 0 : i32
      %dma_wait3A_194 = tpu.memref_slice %arg3[%dma_wait3A_192, %dma_wait3A_193] : memref<2x327680xi32, #tpu.memory_space<hbm>> -> memref<2x128xi32, #tpu.memory_space<hbm>>
      tpu.wait_dma2 semaphore(%arg16 : memref<!tpu.dma_semaphore, #tpu.memory_space<semaphore_mem>>) src(%dma_wait3A_194 : memref<2x128xi32, #tpu.memory_space<hbm>>) dst(%arg10 : memref<2x128xi32, #tpu.memory_space<vmem>>)
      %dma_start3A_195 = arith.constant 0 : i32
      %dma_start3A_196 = arith.constant 0 : i32
      %dma_start3A_197 = tpu.memref_slice %arg10[%dma_start3A_195, %dma_start3A_196] : memref<2x128xi32, #tpu.memory_space<vmem>> -> memref<1x128xi32, #tpu.memory_space<vmem>>
      %dma_start3A_198 = tpu.memref_squeeze %dma_start3A_197 : memref<1x128xi32, #tpu.memory_space<vmem>> -> memref<128xi32, #tpu.memory_space<vmem>>
      %dma_start3A_199 = arith.constant 0 : i32
      %dma_start3A_200 = arith.constant 0 : i32
      %dma_start3A_201 = tpu.memref_slice %arg2[%dma_start3A_199, %dma_start3A_200] : memref<10000x128xf32, #tpu.memory_space<hbm>> -> memref<10000x128xf32, #tpu.memory_space<hbm>>
      tpu.enqueue_indirect_dma source(%dma_start3A_201 : memref<10000x128xf32, #tpu.memory_space<hbm>>) target(%arg12 : memref<128x128xf32, #tpu.memory_space<vmem>>) offsets(%dma_start3A_198 : memref<128xi32, #tpu.memory_space<vmem>>) semaphore(%arg18 : memref<!tpu.dma_semaphore, #tpu.memory_space<semaphore_mem>>)
      %dma_start3A_202 = arith.constant 1 : i32
      %dma_start3A_203 = arith.constant 0 : i32
      %dma_start3A_204 = tpu.memref_slice %arg9[%dma_start3A_202, %dma_start3A_203] : memref<2x128xi32, #tpu.memory_space<vmem>> -> memref<1x128xi32, #tpu.memory_space<vmem>>
      %dma_start3A_205 = tpu.memref_squeeze %dma_start3A_204 : memref<1x128xi32, #tpu.memory_space<vmem>> -> memref<128xi32, #tpu.memory_space<vmem>>
      %dma_start3A_206 = arith.constant 0 : i32
      %dma_start3A_207 = arith.constant 0 : i32
      %dma_start3A_208 = tpu.memref_slice %arg6[%dma_start3A_206, %dma_start3A_207] : memref<10128x128xf32, #tpu.memory_space<vmem_shared>> -> memref<10128x128xf32, #tpu.memory_space<vmem_shared>>
      tpu.enqueue_indirect_dma source(%arg11 : memref<128x128xf32, #tpu.memory_space<vmem>>) target(%dma_start3A_208 : memref<10128x128xf32, #tpu.memory_space<vmem_shared>>) offsets(%dma_start3A_205 : memref<128xi32, #tpu.memory_space<vmem>>) semaphore(%arg19 : memref<!tpu.dma_semaphore, #tpu.memory_space<semaphore_mem>>) {add = true}
      %dma_wait3A_209 = arith.constant 0 : i32
      %dma_wait3A_210 = arith.constant 0 : i32
      %dma_wait3A_211 = tpu.memref_slice %arg7[%dma_wait3A_209, %dma_wait3A_210] : memref<2x128xi32, #tpu.memory_space<vmem>> -> memref<1x128xi32, #tpu.memory_space<vmem>>
      %dma_wait3A_212 = tpu.memref_squeeze %dma_wait3A_211 : memref<1x128xi32, #tpu.memory_space<vmem>> -> memref<128xi32, #tpu.memory_space<vmem>>
      %dma_wait3A_213 = arith.constant 0 : i32
      %dma_wait3A_214 = arith.constant 0 : i32
      %dma_wait3A_215 = tpu.memref_slice %arg2[%dma_wait3A_213, %dma_wait3A_214] : memref<10000x128xf32, #tpu.memory_space<hbm>> -> memref<10000x128xf32, #tpu.memory_space<hbm>>
      tpu.wait_indirect_dma semaphore(%arg18 : memref<!tpu.dma_semaphore, #tpu.memory_space<semaphore_mem>>) src(%dma_wait3A_215 : memref<10000x128xf32, #tpu.memory_space<hbm>>) dst(%arg12 : memref<128x128xf32, #tpu.memory_space<vmem>>)
      %dma_wait3A_216 = arith.constant 1 : i32
      %dma_wait3A_217 = arith.constant 0 : i32
      %dma_wait3A_218 = tpu.memref_slice %arg7[%dma_wait3A_216, %dma_wait3A_217] : memref<2x128xi32, #tpu.memory_space<vmem>> -> memref<1x128xi32, #tpu.memory_space<vmem>>
      %dma_wait3A_219 = tpu.memref_squeeze %dma_wait3A_218 : memref<1x128xi32, #tpu.memory_space<vmem>> -> memref<128xi32, #tpu.memory_space<vmem>>
      %dma_wait3A_220 = arith.constant 0 : i32
      %dma_wait3A_221 = arith.constant 0 : i32
      %dma_wait3A_222 = tpu.memref_slice %arg6[%dma_wait3A_220, %dma_wait3A_221] : memref<10128x128xf32, #tpu.memory_space<vmem_shared>> -> memref<10128x128xf32, #tpu.memory_space<vmem_shared>>
      tpu.wait_indirect_dma semaphore(%arg19 : memref<!tpu.dma_semaphore, #tpu.memory_space<semaphore_mem>>) src(%arg11 : memref<128x128xf32, #tpu.memory_space<vmem>>) dst(%dma_wait3A_222 : memref<10128x128xf32, #tpu.memory_space<vmem_shared>>)
      %lt3A_223 = arith.constant 19 : i32
      %lt3A_224 = arith.cmpi slt, %add3A_95, %lt3A_223 : i32
      %convert_element_type3A_225 = arith.extui %lt3A_224 : i1 to i32
      %cond3A_226 = arith.constant 0 : i32
      %cond3A_227 = arith.cmpi ne, %convert_element_type3A_225, %cond3A_226 : i32
      scf.if %cond3A_227 {
        %add3A_235 = arith.constant 2 : i32
        %add3A_236 = arith.addi %add3A_100, %add3A_235 : i32
        %mul3A_237 = arith.constant 128 : i32
        %mul3A_238 = arith.muli %add3A_236, %mul3A_237 : i32
        %dma_start3A_239 = arith.constant 0 : i32
        %dma_start3A_240 = tpu.memref_slice %arg3[%dma_start3A_239, %mul3A_238] : memref<2x327680xi32, #tpu.memory_space<hbm>> -> memref<2x128xi32, #tpu.memory_space<hbm>>
        %dma_start3A_241 = arith.constant 0 : i32
        %dma_start3A_242 = tpu.memref_slice %arg3[%dma_start3A_241, %mul3A_238] : memref<2x327680xi32, #tpu.memory_space<hbm>> -> memref<2x128xi32, #tpu.memory_space<hbm>>
        tpu.enqueue_dma source(%dma_start3A_242 : memref<2x128xi32, #tpu.memory_space<hbm>>) target(%arg9 : memref<2x128xi32, #tpu.memory_space<vmem>>) target_semaphore(%arg15 : memref<!tpu.dma_semaphore, #tpu.memory_space<semaphore_mem>>)
        %dma_wait3A_243 = arith.constant 0 : i32
        %dma_wait3A_244 = arith.constant 0 : i32
        %dma_wait3A_245 = tpu.memref_slice %arg3[%dma_wait3A_243, %dma_wait3A_244] : memref<2x327680xi32, #tpu.memory_space<hbm>> -> memref<2x128xi32, #tpu.memory_space<hbm>>
        %dma_wait3A_246 = arith.constant 0 : i32
        %dma_wait3A_247 = arith.constant 0 : i32
        %dma_wait3A_248 = tpu.memref_slice %arg3[%dma_wait3A_246, %dma_wait3A_247] : memref<2x327680xi32, #tpu.memory_space<hbm>> -> memref<2x128xi32, #tpu.memory_space<hbm>>
        tpu.wait_dma2 semaphore(%arg13 : memref<!tpu.dma_semaphore, #tpu.memory_space<semaphore_mem>>) src(%dma_wait3A_248 : memref<2x128xi32, #tpu.memory_space<hbm>>) dst(%arg7 : memref<2x128xi32, #tpu.memory_space<vmem>>)
        %dma_start3A_249 = arith.constant 0 : i32
        %dma_start3A_250 = arith.constant 0 : i32
        %dma_start3A_251 = tpu.memref_slice %arg7[%dma_start3A_249, %dma_start3A_250] : memref<2x128xi32, #tpu.memory_space<vmem>> -> memref<1x128xi32, #tpu.memory_space<vmem>>
        %dma_start3A_252 = tpu.memref_squeeze %dma_start3A_251 : memref<1x128xi32, #tpu.memory_space<vmem>> -> memref<128xi32, #tpu.memory_space<vmem>>
        %dma_start3A_253 = arith.constant 0 : i32
        %dma_start3A_254 = arith.constant 0 : i32
        %dma_start3A_255 = tpu.memref_slice %arg2[%dma_start3A_253, %dma_start3A_254] : memref<10000x128xf32, #tpu.memory_space<hbm>> -> memref<10000x128xf32, #tpu.memory_space<hbm>>
        tpu.enqueue_indirect_dma source(%dma_start3A_255 : memref<10000x128xf32, #tpu.memory_space<hbm>>) target(%arg11 : memref<128x128xf32, #tpu.memory_space<vmem>>) offsets(%dma_start3A_252 : memref<128xi32, #tpu.memory_space<vmem>>) semaphore(%arg17 : memref<!tpu.dma_semaphore, #tpu.memory_space<semaphore_mem>>)
      } else {
      }
      %dma_start3A_228 = arith.constant 1 : i32
      %dma_start3A_229 = arith.constant 0 : i32
      %dma_start3A_230 = tpu.memref_slice %arg10[%dma_start3A_228, %dma_start3A_229] : memref<2x128xi32, #tpu.memory_space<vmem>> -> memref<1x128xi32, #tpu.memory_space<vmem>>
      %dma_start3A_231 = tpu.memref_squeeze %dma_start3A_230 : memref<1x128xi32, #tpu.memory_space<vmem>> -> memref<128xi32, #tpu.memory_space<vmem>>
      %dma_start3A_232 = arith.constant 0 : i32
      %dma_start3A_233 = arith.constant 0 : i32
      %dma_start3A_234 = tpu.memref_slice %arg6[%dma_start3A_232, %dma_start3A_233] : memref<10128x128xf32, #tpu.memory_space<vmem_shared>> -> memref<10128x128xf32, #tpu.memory_space<vmem_shared>>
      tpu.enqueue_indirect_dma source(%arg12 : memref<128x128xf32, #tpu.memory_space<vmem>>) target(%dma_start3A_234 : memref<10128x128xf32, #tpu.memory_space<vmem_shared>>) offsets(%dma_start3A_231 : memref<128xi32, #tpu.memory_space<vmem>>) semaphore(%arg20 : memref<!tpu.dma_semaphore, #tpu.memory_space<semaphore_mem>>) {add = true}
    }
    %scan3A_75 = arith.constant 20 : i32
    %dma_wait3A_76 = arith.constant 1 : i32
    %dma_wait3A_77 = arith.constant 0 : i32
    %dma_wait3A_78 = tpu.memref_slice %arg7[%dma_wait3A_76, %dma_wait3A_77] : memref<2x128xi32, #tpu.memory_space<vmem>> -> memref<1x128xi32, #tpu.memory_space<vmem>>
    %dma_wait3A_79 = tpu.memref_squeeze %dma_wait3A_78 : memref<1x128xi32, #tpu.memory_space<vmem>> -> memref<128xi32, #tpu.memory_space<vmem>>
    %dma_wait3A_80 = arith.constant 0 : i32
    %dma_wait3A_81 = arith.constant 0 : i32
    %dma_wait3A_82 = tpu.memref_slice %arg6[%dma_wait3A_80, %dma_wait3A_81] : memref<10128x128xf32, #tpu.memory_space<vmem_shared>> -> memref<10128x128xf32, #tpu.memory_space<vmem_shared>>
    tpu.wait_indirect_dma semaphore(%arg20 : memref<!tpu.dma_semaphore, #tpu.memory_space<semaphore_mem>>) src(%arg12 : memref<128x128xf32, #tpu.memory_space<vmem>>) dst(%dma_wait3A_82 : memref<10128x128xf32, #tpu.memory_space<vmem_shared>>)
    %barrier3A_83 = arith.constant 0 : index
    tpu.barrier barrier_id(%barrier3A_83)
    %eq3A = arith.constant 0 : i32
    %eq3A_84 = arith.cmpi eq, %arg0, %eq3A : i32
    %convert_element_type3A = arith.extui %eq3A_84 : i1 to i32
    %cond3A = arith.constant 0 : i32
    %cond3A_85 = arith.cmpi ne, %convert_element_type3A, %cond3A : i32
    scf.if %cond3A_85 {
      %lt3A = arith.constant 15 : i32
      %lt3A_91 = arith.cmpi slt, %arg1, %lt3A : i32
      %convert_element_type3A_92 = arith.extui %lt3A_91 : i1 to i32
      %cond3A_93 = arith.constant 0 : i32
      %cond3A_94 = arith.cmpi ne, %convert_element_type3A_92, %cond3A_93 : i32
      scf.if %cond3A_94 {
        %mul3A_100 = arith.constant 624 : i32
        %mul3A_101 = arith.muli %arg1, %mul3A_100 : i32
        %mul3A_102 = arith.constant 624 : i32
        %mul3A_103 = arith.muli %arg1, %mul3A_102 : i32
        "tpu.region"() ({
          %run_scoped3A = tpu.sem_alloc : memref<!tpu.dma_semaphore, #tpu.memory_space<semaphore_mem>>
          %dma_start3A_104 = arith.constant 0 : i32
          %dma_start3A_105 = tpu.memref_slice %arg4[%mul3A_103, %dma_start3A_104] : memref<10000x128xf32, #tpu.memory_space<hbm>> -> memref<624x128xf32, #tpu.memory_space<hbm>>
          %dma_start3A_106 = arith.constant 0 : i32
          %dma_start3A_107 = tpu.memref_slice %arg6[%mul3A_101, %dma_start3A_106] : memref<10128x128xf32, #tpu.memory_space<vmem_shared>> -> memref<624x128xf32, #tpu.memory_space<vmem_shared>>
          tpu.enqueue_dma source(%dma_start3A_107 : memref<624x128xf32, #tpu.memory_space<vmem_shared>>) target(%dma_start3A_105 : memref<624x128xf32, #tpu.memory_space<hbm>>) target_semaphore(%run_scoped3A : memref<!tpu.dma_semaphore, #tpu.memory_space<semaphore_mem>>)
          %dma_wait3A_108 = arith.constant 0 : i32
          %dma_wait3A_109 = tpu.memref_slice %arg4[%mul3A_103, %dma_wait3A_108] : memref<10000x128xf32, #tpu.memory_space<hbm>> -> memref<624x128xf32, #tpu.memory_space<hbm>>
          %dma_wait3A_110 = arith.constant 0 : i32
          %dma_wait3A_111 = tpu.memref_slice %arg6[%mul3A_101, %dma_wait3A_110] : memref<10128x128xf32, #tpu.memory_space<vmem_shared>> -> memref<624x128xf32, #tpu.memory_space<vmem_shared>>
          tpu.wait_dma2 semaphore(%run_scoped3A : memref<!tpu.dma_semaphore, #tpu.memory_space<semaphore_mem>>) src(%dma_wait3A_111 : memref<624x128xf32, #tpu.memory_space<vmem_shared>>) dst(%dma_wait3A_109 : memref<624x128xf32, #tpu.memory_space<hbm>>)
          tpu.yield
        }) : () -> ()
      } else {
      }
      %eq3A_95 = arith.constant 15 : i32
      %eq3A_96 = arith.cmpi eq, %arg1, %eq3A_95 : i32
      %convert_element_type3A_97 = arith.extui %eq3A_96 : i1 to i32
      %cond3A_98 = arith.constant 0 : i32
      %cond3A_99 = arith.cmpi ne, %convert_element_type3A_97, %cond3A_98 : i32
      scf.if %cond3A_99 {
        "tpu.region"() ({
          %run_scoped3A = tpu.sem_alloc : memref<!tpu.dma_semaphore, #tpu.memory_space<semaphore_mem>>
          %dma_start3A_100 = arith.constant 9360 : i32
          %dma_start3A_101 = arith.constant 0 : i32
          %dma_start3A_102 = tpu.memref_slice %arg4[%dma_start3A_100, %dma_start3A_101] : memref<10000x128xf32, #tpu.memory_space<hbm>> -> memref<640x128xf32, #tpu.memory_space<hbm>>
          %dma_start3A_103 = arith.constant 9360 : i32
          %dma_start3A_104 = arith.constant 0 : i32
          %dma_start3A_105 = tpu.memref_slice %arg6[%dma_start3A_103, %dma_start3A_104] : memref<10128x128xf32, #tpu.memory_space<vmem_shared>> -> memref<640x128xf32, #tpu.memory_space<vmem_shared>>
          tpu.enqueue_dma source(%dma_start3A_105 : memref<640x128xf32, #tpu.memory_space<vmem_shared>>) target(%dma_start3A_102 : memref<640x128xf32, #tpu.memory_space<hbm>>) target_semaphore(%run_scoped3A : memref<!tpu.dma_semaphore, #tpu.memory_space<semaphore_mem>>)
          %dma_wait3A_106 = arith.constant 9360 : i32
          %dma_wait3A_107 = arith.constant 0 : i32
          %dma_wait3A_108 = tpu.memref_slice %arg4[%dma_wait3A_106, %dma_wait3A_107] : memref<10000x128xf32, #tpu.memory_space<hbm>> -> memref<640x128xf32, #tpu.memory_space<hbm>>
          %dma_wait3A_109 = arith.constant 9360 : i32
          %dma_wait3A_110 = arith.constant 0 : i32
          %dma_wait3A_111 = tpu.memref_slice %arg6[%dma_wait3A_109, %dma_wait3A_110] : memref<10128x128xf32, #tpu.memory_space<vmem_shared>> -> memref<640x128xf32, #tpu.memory_space<vmem_shared>>
          tpu.wait_dma2 semaphore(%run_scoped3A : memref<!tpu.dma_semaphore, #tpu.memory_space<semaphore_mem>>) src(%dma_wait3A_111 : memref<640x128xf32, #tpu.memory_space<vmem_shared>>) dst(%dma_wait3A_108 : memref<640x128xf32, #tpu.memory_space<hbm>>)
          tpu.yield
        }) : () -> ()
      } else {
      }
    } else {
    }
    %eq3A_86 = arith.constant 1 : i32
    %eq3A_87 = arith.cmpi eq, %arg0, %eq3A_86 : i32
    %convert_element_type3A_88 = arith.extui %eq3A_87 : i1 to i32
    %cond3A_89 = arith.constant 0 : i32
    %cond3A_90 = arith.cmpi ne, %convert_element_type3A_88, %cond3A_89 : i32
    scf.if %cond3A_90 {
      %lt3A = arith.constant 15 : i32
      %lt3A_91 = arith.cmpi slt, %arg1, %lt3A : i32
      %convert_element_type3A_92 = arith.extui %lt3A_91 : i1 to i32
      %cond3A_93 = arith.constant 0 : i32
      %cond3A_94 = arith.cmpi ne, %convert_element_type3A_92, %cond3A_93 : i32
      scf.if %cond3A_94 {
        %mul3A_100 = arith.constant 624 : i32
        %mul3A_101 = arith.muli %arg1, %mul3A_100 : i32
        %mul3A_102 = arith.constant 624 : i32
        %mul3A_103 = arith.muli %arg1, %mul3A_102 : i32
        "tpu.region"() ({
          %run_scoped3A = tpu.sem_alloc : memref<!tpu.dma_semaphore, #tpu.memory_space<semaphore_mem>>
          %dma_start3A_104 = arith.constant 0 : i32
          %dma_start3A_105 = tpu.memref_slice %arg5[%mul3A_103, %dma_start3A_104] : memref<10000x128xf32, #tpu.memory_space<hbm>> -> memref<624x128xf32, #tpu.memory_space<hbm>>
          %dma_start3A_106 = arith.constant 0 : i32
          %dma_start3A_107 = tpu.memref_slice %arg6[%mul3A_101, %dma_start3A_106] : memref<10128x128xf32, #tpu.memory_space<vmem_shared>> -> memref<624x128xf32, #tpu.memory_space<vmem_shared>>
          tpu.enqueue_dma source(%dma_start3A_107 : memref<624x128xf32, #tpu.memory_space<vmem_shared>>) target(%dma_start3A_105 : memref<624x128xf32, #tpu.memory_space<hbm>>) target_semaphore(%run_scoped3A : memref<!tpu.dma_semaphore, #tpu.memory_space<semaphore_mem>>)
          %dma_wait3A_108 = arith.constant 0 : i32
          %dma_wait3A_109 = tpu.memref_slice %arg5[%mul3A_103, %dma_wait3A_108] : memref<10000x128xf32, #tpu.memory_space<hbm>> -> memref<624x128xf32, #tpu.memory_space<hbm>>
          %dma_wait3A_110 = arith.constant 0 : i32
          %dma_wait3A_111 = tpu.memref_slice %arg6[%mul3A_101, %dma_wait3A_110] : memref<10128x128xf32, #tpu.memory_space<vmem_shared>> -> memref<624x128xf32, #tpu.memory_space<vmem_shared>>
          tpu.wait_dma2 semaphore(%run_scoped3A : memref<!tpu.dma_semaphore, #tpu.memory_space<semaphore_mem>>) src(%dma_wait3A_111 : memref<624x128xf32, #tpu.memory_space<vmem_shared>>) dst(%dma_wait3A_109 : memref<624x128xf32, #tpu.memory_space<hbm>>)
          tpu.yield
        }) : () -> ()
      } else {
      }
      %eq3A_95 = arith.constant 15 : i32
      %eq3A_96 = arith.cmpi eq, %arg1, %eq3A_95 : i32
      %convert_element_type3A_97 = arith.extui %eq3A_96 : i1 to i32
      %cond3A_98 = arith.constant 0 : i32
      %cond3A_99 = arith.cmpi ne, %convert_element_type3A_97, %cond3A_98 : i32
      scf.if %cond3A_99 {
        "tpu.region"() ({
          %run_scoped3A = tpu.sem_alloc : memref<!tpu.dma_semaphore, #tpu.memory_space<semaphore_mem>>
          %dma_start3A_100 = arith.constant 9360 : i32
          %dma_start3A_101 = arith.constant 0 : i32
          %dma_start3A_102 = tpu.memref_slice %arg5[%dma_start3A_100, %dma_start3A_101] : memref<10000x128xf32, #tpu.memory_space<hbm>> -> memref<640x128xf32, #tpu.memory_space<hbm>>
          %dma_start3A_103 = arith.constant 9360 : i32
          %dma_start3A_104 = arith.constant 0 : i32
          %dma_start3A_105 = tpu.memref_slice %arg6[%dma_start3A_103, %dma_start3A_104] : memref<10128x128xf32, #tpu.memory_space<vmem_shared>> -> memref<640x128xf32, #tpu.memory_space<vmem_shared>>
          tpu.enqueue_dma source(%dma_start3A_105 : memref<640x128xf32, #tpu.memory_space<vmem_shared>>) target(%dma_start3A_102 : memref<640x128xf32, #tpu.memory_space<hbm>>) target_semaphore(%run_scoped3A : memref<!tpu.dma_semaphore, #tpu.memory_space<semaphore_mem>>)
          %dma_wait3A_106 = arith.constant 9360 : i32
          %dma_wait3A_107 = arith.constant 0 : i32
          %dma_wait3A_108 = tpu.memref_slice %arg5[%dma_wait3A_106, %dma_wait3A_107] : memref<10000x128xf32, #tpu.memory_space<hbm>> -> memref<640x128xf32, #tpu.memory_space<hbm>>
          %dma_wait3A_109 = arith.constant 9360 : i32
          %dma_wait3A_110 = arith.constant 0 : i32
          %dma_wait3A_111 = tpu.memref_slice %arg6[%dma_wait3A_109, %dma_wait3A_110] : memref<10128x128xf32, #tpu.memory_space<vmem_shared>> -> memref<640x128xf32, #tpu.memory_space<vmem_shared>>
          tpu.wait_dma2 semaphore(%run_scoped3A : memref<!tpu.dma_semaphore, #tpu.memory_space<semaphore_mem>>) src(%dma_wait3A_111 : memref<640x128xf32, #tpu.memory_space<vmem_shared>>) dst(%dma_wait3A_108 : memref<640x128xf32, #tpu.memory_space<hbm>>)
          tpu.yield
        }) : () -> ()
      } else {
      }
    } else {
    }
    return
  }
}

module attributes {stable_mosaic.version = 14 : i64} {
  func.func @_dinv_body(%arg0: memref<10128xf32, #tpu.memory_space<vmem>>, %arg1: memref<10128xf32, #tpu.memory_space<vmem>>, %arg2: memref<10000x1xf32, #tpu.memory_space<vmem>>) attributes {dimension_semantics = [], scalar_prefetch = 0 : i64, scratch_operands = 0 : i64, tpu.core_type = #tpu.core_type<tc>} {
    %get3A = arith.constant 0 : index
    %get3A_0 = vector.load %arg0[%get3A] : memref<10128xf32, #tpu.memory_space<vmem>>, vector<10128xf32>
    %get3A_1 = arith.constant 0 : index
    %get3A_2 = vector.load %arg1[%get3A_1] : memref<10128xf32, #tpu.memory_space<vmem>>, vector<10128xf32>
    %add3A = arith.addf %get3A_0, %get3A_2 : vector<10128xf32>
    %max3A = arith.constant 1.000000e+00 : f32
    %max3A_3 = vector.broadcast %max3A : f32 to vector<10128xf32>
    %max3A_4 = arith.maximumf %add3A, %max3A_3 : vector<10128xf32>
    %div3A = arith.constant 1.000000e+00 : f32
    %div3A_5 = vector.broadcast %div3A : f32 to vector<10128xf32>
    %div3A_6 = arith.divf %div3A_5, %max3A_4 : vector<10128xf32>
    %slice3A = vector.extract_strided_slice %div3A_6 {offsets = [0], sizes = [10000], strides = [1]} : vector<10128xf32> to vector<10000xf32>
    %reshape3A = vector.shape_cast %slice3A : vector<10000xf32> to vector<10000x1xf32>
    %swap3A = arith.constant 0 : index
    %swap3A_7 = arith.constant 0 : index
    %swap3A_8 = vector.load %arg2[%swap3A, %swap3A_7] : memref<10000x1xf32, #tpu.memory_space<vmem>>, vector<10000x1xf32>
    tpu.vector_store %arg2[%swap3A, %swap3A_7], %reshape3A {strides = array<i32>} : memref<10000x1xf32, #tpu.memory_space<vmem>>, vector<10000x1xf32>,
    return
  }
}

module attributes {stable_mosaic.version = 14 : i64} {
  func.func @_combine_body(%arg0: i32, %arg1: memref<2000x128xf32, #tpu.memory_space<vmem>>, %arg2: memref<2000x128xf32, #tpu.memory_space<vmem>>, %arg3: memref<2000x128xf32, #tpu.memory_space<vmem>>, %arg4: memref<2000x1xf32, #tpu.memory_space<vmem>>, %arg5: memref<128x128xf32, #tpu.memory_space<vmem>>, %arg6: memref<128x128xf32, #tpu.memory_space<vmem>>, %arg7: memref<1x128xf32, #tpu.memory_space<vmem>>, %arg8: memref<2000x128xf32, #tpu.memory_space<vmem>>) attributes {dimension_semantics = [#tpu.dimension_semantics<arbitrary>], iteration_bounds = array<i64: 5>, scalar_prefetch = 0 : i64, scratch_operands = 0 : i64, tpu.core_type = #tpu.core_type<tc>, window_params = [{transform_indices = @transform_0, window_bounds = array<i64: 2000, 128>}, {transform_indices = @transform_1, window_bounds = array<i64: 2000, 128>}, {transform_indices = @transform_2, window_bounds = array<i64: 2000, 128>}, {transform_indices = @transform_3, window_bounds = array<i64: 2000, 1>}, {pipeline_mode = #tpu.pipeline_mode<synchronous>, transform_indices = @transform_4, window_bounds = array<i64: 128, 128>}, {pipeline_mode = #tpu.pipeline_mode<synchronous>, transform_indices = @transform_5, window_bounds = array<i64: 128, 128>}, {pipeline_mode = #tpu.pipeline_mode<synchronous>, transform_indices = @transform_6, window_bounds = array<i64: 1, 128>}, {transform_indices = @transform_7, window_bounds = array<i64: 2000, 128>}]} {
    %get3A = arith.constant 0 : index
    %get3A_0 = arith.constant 0 : index
    %get3A_1 = vector.load %arg1[%get3A, %get3A_0] : memref<2000x128xf32, #tpu.memory_space<vmem>>, vector<2000x128xf32>
    %get3A_2 = arith.constant 0 : index
    %get3A_3 = arith.constant 0 : index
    %get3A_4 = vector.load %arg2[%get3A_2, %get3A_3] : memref<2000x128xf32, #tpu.memory_space<vmem>>, vector<2000x128xf32>
    %add3A = arith.addf %get3A_1, %get3A_4 : vector<2000x128xf32>
    %get3A_5 = arith.constant 0 : index
    %get3A_6 = arith.constant 0 : index
    %get3A_7 = vector.load %arg4[%get3A_5, %get3A_6] : memref<2000x1xf32, #tpu.memory_space<vmem>>, vector<2000x1xf32>
    %mul3A = vector.broadcast %get3A_7 : vector<2000x1xf32> to vector<2000x128xf32>
    %mul3A_8 = arith.mulf %add3A, %mul3A : vector<2000x128xf32>
    %get3A_9 = arith.constant 0 : index
    %get3A_10 = arith.constant 0 : index
    %get3A_11 = vector.load %arg5[%get3A_9, %get3A_10] : memref<128x128xf32, #tpu.memory_space<vmem>>, vector<128x128xf32>
    %dot_general3A = arith.constant dense<0.000000e+00> : vector<2000x128xf32>
    %dot_general3A_12 = tpu.matmul %mul3A_8, %get3A_11, %dot_general3A {dimension_numbers = #tpu.dot_dimension_numbers<[1], [1], [0], [0], [0, 0, 1, 0], [], []>, transpose_lhs_hint = false} : vector<2000x128xf32>, vector<128x128xf32>, vector<2000x128xf32> -> vector<2000x128xf32>
    %get3A_13 = arith.constant 0 : index
    %get3A_14 = arith.constant 0 : index
    %get3A_15 = vector.load %arg3[%get3A_13, %get3A_14] : memref<2000x128xf32, #tpu.memory_space<vmem>>, vector<2000x128xf32>
    %get3A_16 = arith.constant 0 : index
    %get3A_17 = arith.constant 0 : index
    %get3A_18 = vector.load %arg6[%get3A_16, %get3A_17] : memref<128x128xf32, #tpu.memory_space<vmem>>, vector<128x128xf32>
    %dot_general3A_19 = arith.constant dense<0.000000e+00> : vector<2000x128xf32>
    %dot_general3A_20 = tpu.matmul %get3A_15, %get3A_18, %dot_general3A_19 {dimension_numbers = #tpu.dot_dimension_numbers<[1], [1], [0], [0], [0, 0, 1, 0], [], []>, transpose_lhs_hint = false} : vector<2000x128xf32>, vector<128x128xf32>, vector<2000x128xf32> -> vector<2000x128xf32>
    %add3A_21 = arith.addf %dot_general3A_12, %dot_general3A_20 : vector<2000x128xf32>
    %get3A_22 = arith.constant 0 : index
    %get3A_23 = arith.constant 0 : index
    %get3A_24 = vector.load %arg7[%get3A_22, %get3A_23] : memref<1x128xf32, #tpu.memory_space<vmem>>, vector<1x128xf32>
    %add3A_25 = vector.broadcast %get3A_24 : vector<1x128xf32> to vector<2000x128xf32>
    %add3A_26 = arith.addf %add3A_21, %add3A_25 : vector<2000x128xf32>
    %max3A = arith.constant 0.000000e+00 : f32
    %max3A_27 = vector.broadcast %max3A : f32 to vector<2000x128xf32>
    %max3A_28 = arith.maximumf %add3A_26, %max3A_27 : vector<2000x128xf32>
    %swap3A = arith.constant 0 : index
    %swap3A_29 = arith.constant 0 : index
    %swap3A_30 = vector.load %arg8[%swap3A, %swap3A_29] : memref<2000x128xf32, #tpu.memory_space<vmem>>, vector<2000x128xf32>
    tpu.vector_store %arg8[%swap3A, %swap3A_29], %max3A_28 {strides = array<i32>} : memref<2000x128xf32, #tpu.memory_space<vmem>>, vector<2000x128xf32>,
    return
  }
  func.func @transform_0(%arg0: i32) -> (i32, i32) {
    %c0_i32 = arith.constant 0 : i32
    %c0_i32_0 = arith.constant 0 : i32
    return %arg0, %c0_i32 : i32, i32
  }
  func.func @transform_1(%arg0: i32) -> (i32, i32) {
    %c0_i32 = arith.constant 0 : i32
    %c0_i32_0 = arith.constant 0 : i32
    return %arg0, %c0_i32 : i32, i32
  }
  func.func @transform_2(%arg0: i32) -> (i32, i32) {
    %c0_i32 = arith.constant 0 : i32
    %c0_i32_0 = arith.constant 0 : i32
    return %arg0, %c0_i32 : i32, i32
  }
  func.func @transform_3(%arg0: i32) -> (i32, i32) {
    %c0_i32 = arith.constant 0 : i32
    %c0_i32_0 = arith.constant 0 : i32
    return %arg0, %c0_i32 : i32, i32
  }
  func.func @transform_4(%arg0: i32) -> (i32, i32) {
    %c0_i32 = arith.constant 0 : i32
    %c0_i32_0 = arith.constant 0 : i32
    %c0_i32_1 = arith.constant 0 : i32
    return %c0_i32, %c0_i32_0 : i32, i32
  }
  func.func @transform_5(%arg0: i32) -> (i32, i32) {
    %c0_i32 = arith.constant 0 : i32
    %c0_i32_0 = arith.constant 0 : i32
    %c0_i32_1 = arith.constant 0 : i32
    return %c0_i32, %c0_i32_0 : i32, i32
  }
  func.func @transform_6(%arg0: i32) -> (i32, i32) {
    %c0_i32 = arith.constant 0 : i32
    %c0_i32_0 = arith.constant 0 : i32
    %c0_i32_1 = arith.constant 0 : i32
    return %c0_i32, %c0_i32_0 : i32, i32
  }
  func.func @transform_7(%arg0: i32) -> (i32, i32) {
    %c0_i32 = arith.constant 0 : i32
    %c0_i32_0 = arith.constant 0 : i32
    return %arg0, %c0_i32 : i32, i32
  }
}

module attributes {stable_mosaic.version = 14 : i64} {
  func.func @_combine_body(%arg0: i32, %arg1: memref<2000x128xf32, #tpu.memory_space<vmem>>, %arg2: memref<2000x128xf32, #tpu.memory_space<vmem>>, %arg3: memref<2000x128xf32, #tpu.memory_space<vmem>>, %arg4: memref<2000x1xf32, #tpu.memory_space<vmem>>, %arg5: memref<128x128xf32, #tpu.memory_space<vmem>>, %arg6: memref<128x128xf32, #tpu.memory_space<vmem>>, %arg7: memref<1x128xf32, #tpu.memory_space<vmem>>, %arg8: memref<2000x128xf32, #tpu.memory_space<vmem>>) attributes {dimension_semantics = [#tpu.dimension_semantics<arbitrary>], iteration_bounds = array<i64: 5>, scalar_prefetch = 0 : i64, scratch_operands = 0 : i64, tpu.core_type = #tpu.core_type<tc>, window_params = [{transform_indices = @transform_0, window_bounds = array<i64: 2000, 128>}, {transform_indices = @transform_1, window_bounds = array<i64: 2000, 128>}, {transform_indices = @transform_2, window_bounds = array<i64: 2000, 128>}, {transform_indices = @transform_3, window_bounds = array<i64: 2000, 1>}, {pipeline_mode = #tpu.pipeline_mode<synchronous>, transform_indices = @transform_4, window_bounds = array<i64: 128, 128>}, {pipeline_mode = #tpu.pipeline_mode<synchronous>, transform_indices = @transform_5, window_bounds = array<i64: 128, 128>}, {pipeline_mode = #tpu.pipeline_mode<synchronous>, transform_indices = @transform_6, window_bounds = array<i64: 1, 128>}, {transform_indices = @transform_7, window_bounds = array<i64: 2000, 128>}]} {
    %get3A = arith.constant 0 : index
    %get3A_0 = arith.constant 0 : index
    %get3A_1 = vector.load %arg1[%get3A, %get3A_0] : memref<2000x128xf32, #tpu.memory_space<vmem>>, vector<2000x128xf32>
    %get3A_2 = arith.constant 0 : index
    %get3A_3 = arith.constant 0 : index
    %get3A_4 = vector.load %arg2[%get3A_2, %get3A_3] : memref<2000x128xf32, #tpu.memory_space<vmem>>, vector<2000x128xf32>
    %add3A = arith.addf %get3A_1, %get3A_4 : vector<2000x128xf32>
    %get3A_5 = arith.constant 0 : index
    %get3A_6 = arith.constant 0 : index
    %get3A_7 = vector.load %arg4[%get3A_5, %get3A_6] : memref<2000x1xf32, #tpu.memory_space<vmem>>, vector<2000x1xf32>
    %mul3A = vector.broadcast %get3A_7 : vector<2000x1xf32> to vector<2000x128xf32>
    %mul3A_8 = arith.mulf %add3A, %mul3A : vector<2000x128xf32>
    %get3A_9 = arith.constant 0 : index
    %get3A_10 = arith.constant 0 : index
    %get3A_11 = vector.load %arg5[%get3A_9, %get3A_10] : memref<128x128xf32, #tpu.memory_space<vmem>>, vector<128x128xf32>
    %dot_general3A = arith.constant dense<0.000000e+00> : vector<2000x128xf32>
    %dot_general3A_12 = tpu.matmul %mul3A_8, %get3A_11, %dot_general3A {dimension_numbers = #tpu.dot_dimension_numbers<[1], [1], [0], [0], [0, 0, 1, 0], [], []>, transpose_lhs_hint = false} : vector<2000x128xf32>, vector<128x128xf32>, vector<2000x128xf32> -> vector<2000x128xf32>
    %get3A_13 = arith.constant 0 : index
    %get3A_14 = arith.constant 0 : index
    %get3A_15 = vector.load %arg3[%get3A_13, %get3A_14] : memref<2000x128xf32, #tpu.memory_space<vmem>>, vector<2000x128xf32>
    %get3A_16 = arith.constant 0 : index
    %get3A_17 = arith.constant 0 : index
    %get3A_18 = vector.load %arg6[%get3A_16, %get3A_17] : memref<128x128xf32, #tpu.memory_space<vmem>>, vector<128x128xf32>
    %dot_general3A_19 = arith.constant dense<0.000000e+00> : vector<2000x128xf32>
    %dot_general3A_20 = tpu.matmul %get3A_15, %get3A_18, %dot_general3A_19 {dimension_numbers = #tpu.dot_dimension_numbers<[1], [1], [0], [0], [0, 0, 1, 0], [], []>, transpose_lhs_hint = false} : vector<2000x128xf32>, vector<128x128xf32>, vector<2000x128xf32> -> vector<2000x128xf32>
    %add3A_21 = arith.addf %dot_general3A_12, %dot_general3A_20 : vector<2000x128xf32>
    %get3A_22 = arith.constant 0 : index
    %get3A_23 = arith.constant 0 : index
    %get3A_24 = vector.load %arg7[%get3A_22, %get3A_23] : memref<1x128xf32, #tpu.memory_space<vmem>>, vector<1x128xf32>
    %add3A_25 = vector.broadcast %get3A_24 : vector<1x128xf32> to vector<2000x128xf32>
    %add3A_26 = arith.addf %add3A_21, %add3A_25 : vector<2000x128xf32>
    %swap3A = arith.constant 0 : index
    %swap3A_27 = arith.constant 0 : index
    %swap3A_28 = vector.load %arg8[%swap3A, %swap3A_27] : memref<2000x128xf32, #tpu.memory_space<vmem>>, vector<2000x128xf32>
    tpu.vector_store %arg8[%swap3A, %swap3A_27], %add3A_26 {strides = array<i32>} : memref<2000x128xf32, #tpu.memory_space<vmem>>, vector<2000x128xf32>,
    return
  }
  func.func @transform_0(%arg0: i32) -> (i32, i32) {
    %c0_i32 = arith.constant 0 : i32
    %c0_i32_0 = arith.constant 0 : i32
    return %arg0, %c0_i32 : i32, i32
  }
  func.func @transform_1(%arg0: i32) -> (i32, i32) {
    %c0_i32 = arith.constant 0 : i32
    %c0_i32_0 = arith.constant 0 : i32
    return %arg0, %c0_i32 : i32, i32
  }
  func.func @transform_2(%arg0: i32) -> (i32, i32) {
    %c0_i32 = arith.constant 0 : i32
    %c0_i32_0 = arith.constant 0 : i32
    return %arg0, %c0_i32 : i32, i32
  }
  func.func @transform_3(%arg0: i32) -> (i32, i32) {
    %c0_i32 = arith.constant 0 : i32
    %c0_i32_0 = arith.constant 0 : i32
    return %arg0, %c0_i32 : i32, i32
  }
  func.func @transform_4(%arg0: i32) -> (i32, i32) {
    %c0_i32 = arith.constant 0 : i32
    %c0_i32_0 = arith.constant 0 : i32
    %c0_i32_1 = arith.constant 0 : i32
    return %c0_i32, %c0_i32_0 : i32, i32
  }
  func.func @transform_5(%arg0: i32) -> (i32, i32) {
    %c0_i32 = arith.constant 0 : i32
    %c0_i32_0 = arith.constant 0 : i32
    %c0_i32_1 = arith.constant 0 : i32
    return %c0_i32, %c0_i32_0 : i32, i32
  }
  func.func @transform_6(%arg0: i32) -> (i32, i32) {
    %c0_i32 = arith.constant 0 : i32
    %c0_i32_0 = arith.constant 0 : i32
    %c0_i32_1 = arith.constant 0 : i32
    return %c0_i32, %c0_i32_0 : i32, i32
  }
  func.func @transform_7(%arg0: i32) -> (i32, i32) {
    %c0_i32 = arith.constant 0 : i32
    %c0_i32_0 = arith.constant 0 : i32
    return %arg0, %c0_i32 : i32, i32
  }
}

</mosaic_0001>

<sc_bundles>
// kernel: kernel.10.cloned.1.call-start
scs
__scs_entry_jumppad:
0x0: {  	(pc) =	sbr.rel $0x88, $3  }
0x1: {  	(tag) =	ssettag $0x0;
	lr =	simm.s32 $0x1  }
0x2: {  	[smem:$0x3F99] =	sst lr;
	_ =	strace $0xD0000000  }
0x3: {  	_ = 	snop  }
0x4: {  	_ = 	snop  }
0x5: {  	_ = 	snop  }
0x6: {  	_ = 	snop  }
0x7: {  	_ = 	snop  }
__scs_overlays_trampoline_lowered:
0x8: {  	[smem:$0x3FA8] =	sst s0  }
0x9: {  	[smem:$0x3FA9] =	sst s1  }
0xa: {  	[smem:$0x3FAA] =	sst s2  }
0xb: {  	[smem:$0x3FAB] =	sst s3  }
0xc: {  	[smem:$0x3FAC] =	sst s4  }
0xd: {  	[smem:$0x3FAD] =	sst s5  }
0xe: {  	[smem:$0x3FAE] =	sst s6  }
0xf: {  	[smem:$0x3FAF] =	sst s7  }
0x10: {  	[smem:$0x3FB0] =	sst s8  }
0x11: {  	[smem:$0x3FB1] =	sst s9;
	s0 =	simm.s32 @!p0 $0x0  }
0x12: {  	s1 =	sld [smem:$0x3F97];
	s0 =	simm.s32 @p0 $0x1  }
0x13: {  	[smem:$0x3FB2] =	sst s0;
	s0 =	simm.s32 @!p1 $0x0  }
0x14: {  	s2 =	sld [smem:$0x3F96];
	s0 =	simm.s32 @p1 $0x1  }
0x15: {  	[smem:$0x3FB3] =	sst s0;
	s0 =	simm.s32 @!p2 $0x0  }
0x16: {  	s3 =	sld [smem:$0x3FDB];
	s0 =	simm.s32 @p2 $0x1  }
0x17: {  	s4 =	simm.s32 $0x1BF5;
	[smem:$0x3FB5] =	sst s0  }
0x18: {  	s0 =	sld [smem:$0x3F98];
	_ =	swait.ge [sflag:s4], $0x0  }
0x19: {  	s7 =	sld [smem:$0x3F99]  }
0x1a: {  	s8 =	sadd.s32 $0xFFFFE003, lr  }
0x1b: {  	s9 =	sadd.s32 $0xFFFFFEF7, lr;
	s5 =	simm.s32 $0xFFFFFFFF;
	p2 =	slt.u32 s8, $0xFFFFF086  }
0x1c: {  	p1 =	slt.u32 s9, $0xF7A;
	s5 =	simm.s32 @!p2 $0x0  }
0x1d: {  	s5 =	simm.s32 @p1 $0x1;
	p0 =	seq.s32 s7, s2  }
0x1e: {  	s7 =	smul.u32 @!p0 $0xF7A, s2;
	p2 =	seq.s32 @!p0 s5, $0x0  }
0x1f: {  	s9 =	smul.u32 $0xF7A, s1;
	s8 =	simm.s32 @!p0 $0x1BF5;
	p2 =	por !p2, p0  }
0x20: {  	[sflag:s8] =	ssyncset.s32 @!p0 $0xFFFFF086;
	s6 =	sadd.s32 @!p0 s3, s7;
	s7 =	simm.s32 @!p0 $0x108  }
0x21: {  	s3 =	sadd.s32 s3, s9;
	s6 =	sadd.s32 @!p0 $0x88, s6;
	s7 =	simm.s32 @p2 $0x1082  }
0x22: {  	[simem:s7], [sflag:s8] =	dma.local @!p0 [hbm:s6], $0xF7A  }
0x23: {  	s9 =	sor.u32 $0xD0000000, s2;
	s6 =	simm.s32 $0x108;
	_ =	swait.ge @!p0 [sflag:s8], $0x0  }
0x24: {  	s3 =	sadd.s32 $0x88, s3;
	s6 =	simm.s32 @!p1 $0x1082;
	[sflag:s4] =	ssyncset.s32 $0xFFFFF086  }
0x25: {  	[simem:s6], [sflag:s4] =	dma.local [hbm:s3], $0xF7A  }
0x26: {  	[smem:$0x3F99] =	sst s1;
	(tag) =	ssettag s2;
	_ =	strace s9  }
0x27: {  	s1 =	sld [smem:$0x3FA9]  }
0x28: {  	s2 =	sld [smem:$0x3FAA]  }
0x29: {  	s4 =	sld [smem:$0x3FAC]  }
0x2a: {  	p0 =	seq.s32 s5, $0x0;
	s5 =	sld [smem:$0x3FAD]  }
0x2b: {  	s6 =	sld [smem:$0x3FAE]  }
0x2c: {  	s7 =	sld [smem:$0x3FAF]  }
0x2d: {  	s3 =	simm.s32 $0x108;
	s8 =	sld [smem:$0x3FB0]  }
0x2e: {  	s3 =	simm.s32 @!p0 $0x1082;
	s9 =	sld [smem:$0x3FB1]  }
0x2f: {  	lr =	sadd.s32 s0, s3;
	s0 =	sld [smem:$0x3FA8]  }
0x30: {  	s3 =	sld [smem:$0x3FAB]  }
0x31: {  	[smem:$0x3FB4] =	sst s10  }
0x32: {  	s10 =	sld [smem:$0x3FB2];
	_ =	sdelay $0x3  }
0x33: {  	p0 =	seq.s32 s10, $0x1;
	s10 =	sld [smem:$0x3FB4];
	_ =	sdelay $0x3  }
0x34: {  	[smem:$0x3FB4] =	sst s10  }
0x35: {  	s10 =	sld [smem:$0x3FB3];
	_ =	sdelay $0x3  }
0x36: {  	p1 =	seq.s32 s10, $0x1;
	s10 =	sld [smem:$0x3FB4];
	_ =	sdelay $0x3  }
0x37: {  	[smem:$0x3FB4] =	sst s10  }
0x38: {  	s10 =	sld [smem:$0x3FB5]  }
0x39: {  	_ = 	snop;
	(pc) =	sbr.ind lr, $3  }
0x3a: {  	_ = 	snop  }
0x3b: {  	_ = 	snop  }
0x3c: {  	p2 =	seq.s32 s10, $0x1;
	s10 =	sld [smem:$0x3FB4]  }
0x3d: {  	_ =	shalt  }
0x3e: {  	_ =	shalt  }
0x3f: {  	_ =	shalt  }
0x40: {  	_ =	shalt  }
0x41: {  	_ =	shalt  }
0x42: {  	_ =	shalt  }
0x43: {  	_ =	shalt  }
0x44: {  	_ =	shalt  }
0x45: {  	_ =	shalt  }
0x46: {  	_ =	shalt  }
0x47: {  	_ =	shalt  }
0x48: {  	_ =	shalt  }
0x49: {  	_ =	shalt  }
0x4a: {  	_ =	shalt  }
0x4b: {  	_ =	shalt  }
0x4c: {  	_ =	shalt  }
0x4d: {  	_ =	shalt  }
0x4e: {  	_ =	shalt  }
0x4f: {  	_ =	shalt  }
0x50: {  	_ =	shalt  }
0x51: {  	_ =	shalt  }
0x52: {  	_ =	shalt  }
0x53: {  	_ =	shalt  }
0x54: {  	_ =	shalt  }
0x55: {  	_ =	shalt  }
0x56: {  	_ =	shalt  }
0x57: {  	_ =	shalt  }
0x58: {  	_ =	shalt  }
0x59: {  	_ =	shalt  }
0x5a: {  	_ =	shalt  }
0x5b: {  	_ =	shalt  }
0x5c: {  	_ =	shalt  }
0x5d: {  	_ =	shalt  }
0x5e: {  	_ =	shalt  }
0x5f: {  	_ =	shalt  }
0x60: {  	_ =	shalt  }
0x61: {  	_ =	shalt  }
0x62: {  	_ =	shalt  }
0x63: {  	_ =	shalt  }
0x64: {  	_ =	shalt  }
0x65: {  	_ =	shalt  }
0x66: {  	_ =	shalt  }
0x67: {  	_ =	shalt  }
0x68: {  	_ =	shalt  }
0x69: {  	_ =	shalt  }
0x6a: {  	_ =	shalt  }
0x6b: {  	_ =	shalt  }
0x6c: {  	_ =	shalt  }
0x6d: {  	_ =	shalt  }
0x6e: {  	_ =	shalt  }
0x6f: {  	_ =	shalt  }
0x70: {  	_ =	shalt  }
0x71: {  	_ =	shalt  }
0x72: {  	_ =	shalt  }
0x73: {  	_ =	shalt  }
0x74: {  	_ =	shalt  }
0x75: {  	_ =	shalt  }
0x76: {  	_ =	shalt  }
0x77: {  	_ =	shalt  }
0x78: {  	_ =	shalt  }
0x79: {  	_ =	shalt  }
0x7a: {  	_ =	shalt  }
0x7b: {  	_ =	shalt  }
0x7c: {  	_ =	shalt  }
0x7d: {  	_ =	shalt  }
0x7e: {  	_ =	shalt  }
0x7f: {  	_ =	shalt  }
0x80: {  	_ =	shalt  }
0x81: {  	_ =	shalt  }
0x82: {  	_ =	shalt  }
0x83: {  	_ =	shalt  }
0x84: {  	_ =	shalt  }
0x85: {  	_ =	shalt  }
0x86: {  	_ =	shalt  }
0x87: {  	_ =	shalt  }
.Lfunc_end0:
.L_simem_size_0:
called_computation.1_lowered:
.L_overlay_start_0:
0x88: {  	s2 =	sld [smem:$0x3FD9]  }
0x89: {  	s3 =	sld [smem:$0x3FFE];
	_ =	sdelay $0x1  }
0x8a: {  	s1 =	srdreg.scid  }
0x8b: {  	s0 =	sand.u32 $0x1, s1  }
0x8c: {  	s16 =	sshll.u32 s0, $0xA;
	s2 =	sadd.s32 s3, s2  }
0x8d: {  	s2 =	sadd.s32 s2, s16  }
0x8e: {  	[smem:$0x3FC0] =	sst s2  }
0x8f: {  	_ = 	snop  }
0x90: {  	(tm) =	ssettm $0x1  }
0x91: {  	s17 =	sld [smem:$0x3FFB];
	_ =	sdelay $0x3  }
0x92: {  	_ =	strace s17  }
0x93: {  	s2 =	sld [smem:$0x3FFC];
	_ =	sdelay $0x3  }
0x94: {  	_ =	strace s2  }
0x95: {  	s2 =	sld [smem:$0x3FFD];
	_ =	sdelay $0x3  }
0x96: {  	_ =	strace s2  }
0x97: {  	_ =	strace $0x8FFFFFFF  }
0x98: {  	s18 =	sld [smem:$0x3FDB];
	_ =	sdelay $0x1  }
0x99: {  	s19 =	simm.s32 $_scs_section_size  }
0x9a: {  	s4 =	simm.s32 $_size__tile_overlayer_lowered;
	s5 =	simm.s32 $_tile_overlayer_lowered  }
0x9b: {  	s22 =	simm.s32 $0x1BFF;
	s21 =	sshll.u32 s5, $0x1;
	s2 =	sadd.s32 s19, s18  }
0x9c: {  	s6 =	simm.s32 $0x0;
	s20 =	sshll.u32 s4, $0x1;
	s4 =	sadd.s32 s21, s2  }
0x9d: {  	[timem:s6], [sflag:s22] =	dma.local [hbm:s4], s20  }
0x9e: {  	_ =	swait.ge [sflag:s22], s20  }
0x9f: {  	s3 =	ssub.s32 $0x0, s20;
	[sflag:s22] =	ssyncset.done $0x0  }
0xa0: {  	[sflag:s22] =	ssyncadd.s32 s3;
	_ =	sdelay $0x1  }
0xa1: {  	s23 =	simm.s32 $0x1B8B  }
0xa2: {  	_ =	swait.ge [sflag:s23], $0x1  }
0xa3: {  	[sflag:s23] =	ssyncset.done $0x0  }
0xa4: {  	s25 =	simm.s32 $0x1B8E;
	s24 =	sld [smem:$0x3FFE];
	[sflag:s23] =	ssyncadd.s32 $0xFFFFFFFF  }
0xa5: {  	s26 =	simm.s32 $execute0_lowered;
	[smem:$0x3FD2] =	sst s25  }
0xa6: {  	s4 =	sshll.u32 s26, $0x1;
	_ =	strace $0x80000049;
	[dreg:$0x1] =	wrdreg $0xFFFFFFFF  }
0xa7: {  	s28 =	simm.s32 $_size_execute0_lowered;
	s2 =	sadd.s32 s2, s4;
	[dreg:$0x0] =	wrdreg $0x0  }
0xa8: {  	s4 =	sshll.u32 s28, $0x1;
	[dreg:$0x2] =	wrdreg s2  }
0xa9: {  	[dreg:$0x3] =	wrdreg s4  }
0xaa: {  	[dreg:$0x4] =	wrdreg $0xC0  }
0xab: {  	_ =	task [dreg:s6], $0x5FFFF  }
0xac: {  	[dreg:$0x1] =	wrdreg $0xFFFFFFFF  }
0xad: {  	[dreg:$0x0] =	wrdreg $0x60  }
0xae: {  	[dreg:$0x2] =	wrdreg s24  }
0xaf: {  	[dreg:$0x3] =	wrdreg $0x0  }
0xb0: {  	[dreg:$0x4] =	wrdreg $0x9  }
0xb1: {  	_ =	task.clear_ibuf [dreg:s6], $0x5FFFF;
	_ =	strace $0x90000049  }
0xb2: {  	s29 =	simm.s32 $0x9;
	_ =	strace $0x8000004B  }
0xb3: {  	_ =	swait.ge [sflag:s29], $0x1  }
0xb4: {  	[sflag:s29] =	ssyncadd.s32 $0xFFFFFFFF  }
0xb5: {  	_ =	strace $0x9000004B  }
0xb6: {  	_ =	sfence  }
0xb7: {  	s30 =	sld [smem:$0x0];
	_ =	sdelay $0x2  }
0xb8: {  	s31 =	sshll.u32 s1, $0xD;
	s1 =	sshrl.u32 s1, $0x2  }
0xb9: {  	s3 =	sand.u32 $0x4000, s31;
	s1 =	sadd.s32 s1, s30  }
0xba: {  	s0 =	sor.u32 s3, s0;
	s1 =	sshll.u32 s1, $0x11  }
0xbb: {  	s0 =	sor.u32 s1, s0  }
0xbc: {  	s0 =	sadd.s32 $0x8F2B, s0  }
0xbd: {  	[sflag:s0] =	ssyncadd.remote.s32 $0x1  }
0xbe: {  	_ =	sfence.sel $0xFFFF  }
0xbf: {  	[dreg:$0x0] =	wrdreg $0xFFFFFFFF;
	(pc) =	sbr.abs _section_cstart, $3  }
0xc0: {  	[dreg:$0x1] =	wrdreg $0xFFFFFFFF  }
0xc1: {  	_ =	task.clear_ibuf [dreg:s6], $0x2FFFF;
	_ =	strace $0x9FFFFFFF  }
0xc2: {  	(tm) =	ssettm $0x7FFFFFFF  }
0xc3: {  	_ =	shalt  }
tec
execute0_lowered:
.L_overlay_start_1:
0x0: {  	(tag) =	ssettag $0x1  }
0x1: {  	s0 =	rddreg [dreg:$0x0]  }
0x2: {  	s1 =	rddreg [dreg:$0x1]  }
0x3: {  	s2 =	srdreg.scid;
	s3 =	simm.s32 $0x0;
	s11 =	stileid.u32  }
0x4: {  	s28 =	simm.s32 $0x9;
	s29 =	simm.s32 $0x1;
	s5 =	smul.u32 $0x2700, s11  }
0x5: {  	s30 =	simm.s32 $0x80;
	s31 =	simm.s32 $0x5;
	s9 =	smul.u32 $0x4F200, s11  }
0x6: {  	s2 =	sand.u32 $0x1, s2;
	[smem:$0x7FF] =	sst s3;
	s17 =	smul.u32 $0x4E000, s11  }
0x7: {  	s7 =	sadd.s32 $0x3A00, s0;
	s24 =	smul.u32 $0xA00, s11;
	s25 =	sadd.s32 $0x63500, s0  }
0x8: {  	s4 =	sshll.u32 s2, $0x4;
	_ =	strace $0x8000004A;
	s8 =	ssub.s32 $0x2, s2  }
0x9: {  	p3 =	seq.s32 s2, $0x1;
	s2 =	smul.u32 $0xA000, s2;
	[dreg:$0xe] =	wrdreg s25  }
0xa: {  	s25 =	simm.s32 $0x13F80;
	s6 =	sor.u32 s11, s4;
	s4 =	sadd.s32 $0x17A00, s0  }
0xb: {  	s5 =	sadd.s32 s5, s0;
	s10 =	sshrl.u32 s8, $0x1;
	s15 =	sshrl.u32 s9, $0x2  }
0xc: {  	s9 =	sshrl.u32 s17, $0x2;
	s0 =	sadd.s32 $0x8A700, s0;
	p1 =	seq.s32 @p3 s11, $0xF  }
0xd: {  	p4 =	seq.s32 @!p3 s11, $0xF;
	s11 =	simm.s32 $0x13E00;
	s17 =	simm.s32 $0x14000  }
0xe: {  	s6 =	smul.u32 $0xA00, s6;
	s13 =	ssub.s32 s8, s10;
	s8 =	sadd.s32 s15, s1  }
0xf: {  	s22 =	sadd.s32 s9, s1;
	s23 =	sadd.s32 $0x3EC00, s5;
	s5 =	sadd.s32 $0x65E00, s5  }
0x10: {  	s2 =	sadd.s32 s2, s7;
	[dreg:$0x10] =	wrdreg s0;
	p0 =	por !p1, !p3  }
0x11: {  	p1 =	por p1, !p3;
	p2 =	por !p4, p3;
	[dreg:$0x6] =	wrdreg s8  }
0x12: {  	p3 =	por p4, p3;
	s0 =	simm.s32 $0x2;
	[dreg:$0xc] =	wrdreg s22  }
0x13: {  	s9 =	simm.s32 $0x6;
	s10 =	simm.s32 $0x7;
	[dreg:$0xd] =	wrdreg s23  }
0x14: {  	s15 =	simm.s32 $0x13F00;
	s19 =	sadd.s32 $0x4000, s8;
	[dreg:$0xf] =	wrdreg s5  }
0x15: {  	s20 =	sadd.s32 $0x8000, s8;
	s21 =	sadd.s32 $0xC000, s8;
	[dreg:$0x8] =	wrdreg s19  }
0x16: {  	s8 =	sadd.s32 $0x10000, s8;
	s26 =	smax.u32 s13, $0x1;
	[dreg:$0x9] =	wrdreg s20  }
0x17: {  	s22 =	simm.s32 $0x13C80;
	s23 =	simm.s32 $0x13D80;
	[dreg:$0xa] =	wrdreg s21  }
0x18: {  	s13 =	simm.s32 $0x4;
	s12 =	sadd.s32 s7, s6;
	[dreg:$0xb] =	wrdreg s8  }
0x19: {  	[dreg:$0x11] =	wrdreg s26;
	s21 =	sadd.s32 s24, s2;
	s24 =	simm.s32 $0x13E80  }
.Ltmp0:
0x1a: {  	s26 =	simm.s32 $0x14080;
	s6 =	simm.s32 $0x18080;
	(pc) =	sbr.rel .LBB2_1-.Ltmp0, $4  }
0x1b: {  	s7 =	simm.s32 $0x13D00;
	s14 =	sadd.s32 $0x20, s12;
	[dreg:$0x3] =	wrdreg s12  }
0x1c: {  	s2 =	simm.s32 $0x3;
	s16 =	sadd.s32 $0x40, s12;
	[dreg:$0x4] =	wrdreg s14  }
0x1d: {  	s18 =	sadd.s32 $0x60, s12;
	s12 =	simm.s32 $0x8;
	[dreg:$0x5] =	wrdreg s16  }
0x1e: {  	v0 =	vimm.f32 $0.0e+00;
	[dreg:$0x7] =	wrdreg s18;
	s16 =	sadd.s32 $0x124800, s1;
	s18 =	simm.s32 $0x0  }
.LBB2_6:
0x1f: {  	[spmem:s1] =	stream.indirect.scatter.add.f32 [tilespmem:s6], [sflag:$0x8], $0x80, s17, s30, $0xb8;
	[tilespmem:$0x1C080] =	vst v63  }
0x20: {  	_ =	swait.ge [sflag:s12], $0x4000  }
0x21: {  	[sflag:s12] =	ssyncset.done $0x0  }
0x22: {  	[sflag:s12] =	ssyncadd.s32 $0xFFFFC000  }
0x23: {  	[bflag:$0x0] =	sbarrier.arrive $0xFFFF  }
0x24: {  	s5 =	sshrl.u32 @!p0 s16, $0x3;
	s8 =	simm.s32 @!p0 $0x1FC9;
	s14 =	rddreg [dreg:$0x10]  }
0x25: {  	[hbm:s14], [sflag:s8] =	dma.local @!p0 [spmem:s5], $0x2800  }
0x26: {  	s5 =	simm.s32 @!p0 $0x9  }
0x27: {  	_ =	swait.ge @!p0 [sflag:s5], $0x2800  }
0x28: {  	s19 =	stileid.u32;
	s20 =	rddreg [dreg:$0xc]  }
0x29: {  	s8 =	sshll.u32 @!p1 s19, $0x6;
	[sflag:s5] =	ssyncset.done @!p0 $0x0;
	s14 =	rddreg [dreg:$0xf]  }
0x2a: {  	[sflag:s5] =	ssyncadd.s32 @!p0 $0xFFFFD800;
	s5 =	sor.u32 @!p1 $0x1C09, s8;
	s8 =	sshrl.u32 @!p1 s20, $0x3  }
0x2b: {  	[hbm:s14], [sflag:s5] =	dma.local @!p1 [spmem:s8], $0x2700  }
0x2c: {  	s5 =	simm.s32 @!p1 $0x9  }
0x2d: {  	_ =	swait.ge @!p1 [sflag:s5], $0x2700  }
0x2e: {  	s8 =	simm.s32 @!p2 $0x1FC9;
	[sflag:s5] =	ssyncset.done @!p1 $0x0  }
0x2f: {  	s14 =	rddreg [dreg:$0xe];
	[sflag:s5] =	ssyncadd.s32 @!p1 $0xFFFFD900;
	s5 =	sshrl.u32 @!p2 s16, $0x3  }
0x30: {  	[hbm:s14], [sflag:s8] =	dma.local @!p2 [spmem:s5], $0x2800  }
0x31: {  	s5 =	simm.s32 @!p2 $0x9  }
0x32: {  	_ =	swait.ge @!p2 [sflag:s5], $0x2800  }
0x33: {  	s8 =	sshll.u32 @!p3 s19, $0x6;
	[sflag:s5] =	ssyncset.done @!p2 $0x0;
	s19 =	rddreg [dreg:$0xd]  }
0x34: {  	[sflag:s5] =	ssyncadd.s32 @!p2 $0xFFFFD800;
	s5 =	sor.u32 @!p3 $0x1C09, s8;
	s8 =	sshrl.u32 @!p3 s20, $0x3  }
0x35: {  	[hbm:s19], [sflag:s5] =	dma.local @!p3 [spmem:s8], $0x2700  }
0x36: {  	s5 =	simm.s32 @!p3 $0x9  }
0x37: {  	_ =	swait.ge @!p3 [sflag:s5], $0x2700  }
0x38: {  	s18 =	sadd.s32 $0x1, s18;
	s20 =	rddreg [dreg:$0x11]  }
0x39: {  	p4 =	sne.s32 s18, s20  }
.Ltmp1:
0x3a: {  	_ = 	snop;
	(pc) =	sbr.rel @!p4 .LBB2_7-.Ltmp1, $3  }
0x3b: {  	_ =	sdelay $0x1  }
0x3c: {  	[sflag:s5] =	ssyncset.done @!p3 $0x0  }
0x3d: {  	s14 =	stileid.u32;
	[sflag:s5] =	ssyncadd.s32 @!p3 $0xFFFFD900  }
.LBB2_1:
0x3e: {  	s5 =	rddreg [dreg:$0x3]  }
0x3f: {  	[tilespmem:s22], [sflag:$0x1] =	stream.linear.gather [hbm4b:s5+s3], $0x100, $0x38;
	[tilespmem:$0x1C080] =	vst v63  }
0x40: {  	s14 =	rddreg [dreg:$0x4]  }
0x41: {  	[tilespmem:s23], [sflag:$0x2] =	stream.linear.gather [hbm4b:s14+s3], $0x100, $0x38;
	[tilespmem:$0x1C080] =	vst v63  }
0x42: {  	s19 =	rddreg [dreg:$0x5]  }
0x43: {  	[tilespmem:s24], [sflag:$0x3] =	stream.linear.gather [hbm4b:s19+s3], $0x100, $0x38;
	[tilespmem:$0x1C080] =	vst v63  }
0x44: {  	s20 =	rddreg [dreg:$0x7];
	s5 =	simm.s32 $0x0;
	s19 =	simm.s32 $0x200  }
0x45: {  	[tilespmem:s25], [sflag:$0x4] =	stream.linear.gather [hbm4b:s20+s3], $0x100, $0x38;
	[tilespmem:$0x1C080] =	vst v63  }
.LBB2_2:
0x46: {  	p4 =	sne.s32 s19, $0xFE00;
	[tilespmem:s5+$0x140F0] =	vst v0  }
0x47: {  	[tilespmem:s5+$0x14080] =	vst v0  }
0x48: {  	[tilespmem:s5+$0x14090] =	vst v0  }
.Ltmp2:
0x49: {  	[tilespmem:s5+$0x140A0] =	vst v0;
	(pc) =	sbr.rel @p4 .LBB2_2-.Ltmp2, $4  }
0x4a: {  	[tilespmem:s5+$0x140B0] =	vst v0  }
0x4b: {  	[tilespmem:s5+$0x140C0] =	vst v0  }
0x4c: {  	[tilespmem:s5+$0x140D0] =	vst v0  }
0x4d: {  	[tilespmem:s5+$0x140E0] =	vst v0;
	s5 =	sshra.s32 s19, $0x2;
	s19 =	sadd.s32 $0x200, s19  }
0x4e: {  	[tilespmem:s5+$0x140F0] =	vst v0  }
0x4f: {  	[tilespmem:s5+$0x14080] =	vst v0  }
0x50: {  	[tilespmem:s5+$0x14090] =	vst v0  }
0x51: {  	[tilespmem:s5+$0x140A0] =	vst v0  }
0x52: {  	[tilespmem:s5+$0x140B0] =	vst v0  }
0x53: {  	[tilespmem:s5+$0x140C0] =	vst v0  }
0x54: {  	[tilespmem:s5+$0x140D0] =	vst v0  }
0x55: {  	[tilespmem:s5+$0x140E0] =	vst v0;
	s20 =	rddreg [dreg:$0x6]  }
0x56: {  	[spmem:s20] =	stream.linear.scatter [tilespmem:s26], [sflag:$0x9], $0x4000, $0x38;
	[tilespmem:$0x1C080] =	vst v63  }
0x57: {  	_ =	swait.ge [sflag:s28], $0x4000  }
0x58: {  	[sflag:s28] =	ssyncset.done $0x0  }
0x59: {  	s8 =	rddreg [dreg:$0x8];
	[sflag:s28] =	ssyncadd.s32 $0xFFFFC000  }
0x5a: {  	[spmem:s8] =	stream.linear.scatter [tilespmem:s26], [sflag:$0x9], $0x4000, $0x38;
	[tilespmem:$0x1C080] =	vst v63  }
0x5b: {  	_ =	swait.ge [sflag:s28], $0x4000  }
0x5c: {  	[sflag:s28] =	ssyncset.done $0x0  }
0x5d: {  	s14 =	rddreg [dreg:$0x9];
	[sflag:s28] =	ssyncadd.s32 $0xFFFFC000  }
0x5e: {  	[spmem:s14] =	stream.linear.scatter [tilespmem:s26], [sflag:$0x9], $0x4000, $0x38;
	[tilespmem:$0x1C080] =	vst v63  }
0x5f: {  	_ =	swait.ge [sflag:s28], $0x4000  }
0x60: {  	[sflag:s28] =	ssyncset.done $0x0  }
0x61: {  	s19 =	rddreg [dreg:$0xa];
	[sflag:s28] =	ssyncadd.s32 $0xFFFFC000  }
0x62: {  	[spmem:s19] =	stream.linear.scatter [tilespmem:s26], [sflag:$0x9], $0x4000, $0x38;
	[tilespmem:$0x1C080] =	vst v63  }
0x63: {  	_ =	swait.ge [sflag:s28], $0x4000  }
0x64: {  	[sflag:s28] =	ssyncset.done $0x0  }
0x65: {  	s20 =	rddreg [dreg:$0xb];
	[sflag:s28] =	ssyncadd.s32 $0xFFFFC000  }
0x66: {  	[spmem:s20] =	stream.linear.scatter [tilespmem:s26], [sflag:$0x9], $0x3C80, $0x38;
	[tilespmem:$0x1C080] =	vst v63  }
0x67: {  	_ =	swait.ge [sflag:s28], $0x3C80  }
0x68: {  	[sflag:s28] =	ssyncset.done $0x0  }
0x69: {  	[sflag:s28] =	ssyncadd.s32 $0xFFFFC380  }
0x6a: {  	[bflag:$0x0] =	sbarrier.arrive $0xFFFF  }
0x6b: {  	_ =	swait.ge [sflag:s29], $0x100  }
0x6c: {  	[sflag:s29] =	ssyncset.done $0x0  }
0x6d: {  	s5 =	simm.s32 $0x0;
	[sflag:s29] =	ssyncadd.s32 $0xFFFFFF00  }
0x6e: {  	[tilespmem:s26], [sflag:$0x5] =	stream.indirect.gather [hbm4b:s4+s30], $0x80, s22, s30, $0xb8;
	[tilespmem:$0x1C080] =	vst v63  }
.LBB2_4:
0x6f: {  	_ =	swait.ge [sflag:s31], $0x4000  }
0x70: {  	p4 =	seq.s32 s5, $0x0;
	[sflag:s31] =	ssyncset.done $0x0  }
0x71: {  	s19 =	simm.s32 @!p4 $0x8;
	[sflag:s31] =	ssyncadd.s32 $0xFFFFC000  }
0x72: {  	_ =	swait.ge @!p4 [sflag:s19], $0x4000  }
0x73: {  	[sflag:s19] =	ssyncset.done @!p4 $0x0  }
0x74: {  	[sflag:s19] =	ssyncadd.s32 @!p4 $0xFFFFC000;
	s19 =	sadd.s32 @!p4 s5, s21  }
0x75: {  	s20 =	simm.s32 @!p4 $0x0;
	s8 =	simm.s32 @!p4 $0x13F80;
	s19 =	sadd.s32 @!p4 $0x60, s19  }
0x76: {  	[tilespmem:s8], [sflag:$0x4] =	stream.linear.gather @!p4 [hbm4b:s19+s20], $0x100, $0x38;
	[tilespmem:$0x1C080] =	vst v63  }
0x77: {  	_ =	swait.ge [sflag:s0], $0x100  }
0x78: {  	[sflag:s0] =	ssyncset.done $0x0  }
0x79: {  	[sflag:s0] =	ssyncadd.s32 $0xFFFFFF00  }
0x7a: {  	[tilespmem:s6], [sflag:$0x6] =	stream.indirect.gather [hbm4b:s4+s30], $0x80, s23, s30, $0xb8;
	[tilespmem:$0x1C080] =	vst v63  }
0x7b: {  	_ = 	snop  }
0x7c: {  	[spmem:s1] =	stream.indirect.scatter.add.f32 [tilespmem:s26], [sflag:$0x7], $0x80, s7, s30, $0xb8;
	[tilespmem:$0x1C080] =	vst v63  }
0x7d: {  	_ =	swait.ge [sflag:s9], $0x4000  }
0x7e: {  	[sflag:s9] =	ssyncset.done $0x0  }
0x7f: {  	[sflag:s9] =	ssyncadd.s32 $0xFFFFC000  }
0x80: {  	p4 =	seq.s32 s5, $0x980;
	_ =	swait.ge [sflag:s10], $0x4000  }
0x81: {  	s8 =	sadd.s32 @!p4 s5, s21;
	s20 =	simm.s32 @!p4 $0x0;
	[sflag:s10] =	ssyncset.done $0x0  }
0x82: {  	s14 =	simm.s32 @!p4 $0x13C80;
	s19 =	sadd.s32 @!p4 $0x80, s8;
	[sflag:s10] =	ssyncadd.s32 $0xFFFFC000  }
0x83: {  	[tilespmem:s14], [sflag:$0x1] =	stream.linear.gather @!p4 [hbm4b:s19+s20], $0x100, $0x38;
	[tilespmem:$0x1C080] =	vst v63  }
0x84: {  	_ =	swait.ge [sflag:s2], $0x100  }
0x85: {  	[sflag:s2] =	ssyncset.done $0x0  }
0x86: {  	[sflag:s2] =	ssyncadd.s32 $0xFFFFFF00  }
0x87: {  	[tilespmem:s26], [sflag:$0x5] =	stream.indirect.gather [hbm4b:s4+s30], $0x80, s24, s30, $0xb8;
	[tilespmem:$0x1C080] =	vst v63  }
0x88: {  	_ = 	snop  }
0x89: {  	[spmem:s1] =	stream.indirect.scatter.add.f32 [tilespmem:s6], [sflag:$0x8], $0x80, s11, s30, $0xb8;
	[tilespmem:$0x1C080] =	vst v63  }
0x8a: {  	_ =	swait.ge [sflag:s31], $0x4000  }
0x8b: {  	[sflag:s31] =	ssyncset.done $0x0  }
0x8c: {  	[sflag:s31] =	ssyncadd.s32 $0xFFFFC000  }
0x8d: {  	_ =	swait.ge [sflag:s12], $0x4000  }
0x8e: {  	[sflag:s12] =	ssyncset.done $0x0  }
0x8f: {  	s8 =	sadd.s32 @!p4 $0xA0, s8;
	s14 =	simm.s32 @!p4 $0x13D80;
	[sflag:s12] =	ssyncadd.s32 $0xFFFFC000  }
0x90: {  	[tilespmem:s14], [sflag:$0x2] =	stream.linear.gather @!p4 [hbm4b:s8+s20], $0x100, $0x38;
	[tilespmem:$0x1C080] =	vst v63  }
0x91: {  	_ =	swait.ge [sflag:s13], $0x100  }
0x92: {  	[sflag:s13] =	ssyncset.done $0x0  }
0x93: {  	[sflag:s13] =	ssyncadd.s32 $0xFFFFFF00  }
0x94: {  	[tilespmem:s6], [sflag:$0x6] =	stream.indirect.gather [hbm4b:s4+s30], $0x80, s25, s30, $0xb8;
	[tilespmem:$0x1C080] =	vst v63  }
0x95: {  	_ = 	snop  }
0x96: {  	[spmem:s1] =	stream.indirect.scatter.add.f32 [tilespmem:s26], [sflag:$0x7], $0x80, s15, s30, $0xb8;
	[tilespmem:$0x1C080] =	vst v63  }
0x97: {  	_ =	swait.ge [sflag:s9], $0x4000  }
.Ltmp3:
0x98: {  	[sflag:s9] =	ssyncset.done $0x0;
	(pc) =	sbr.rel @p4 .LBB2_6-.Ltmp3, $4  }
0x99: {  	[sflag:s9] =	ssyncadd.s32 $0xFFFFC000  }
0x9a: {  	_ =	swait.ge [sflag:s10], $0x4000  }
0x9b: {  	[sflag:s10] =	ssyncset.done $0x0  }
0x9c: {  	[sflag:s10] =	ssyncadd.s32 $0xFFFFC000  }
0x9d: {  	s8 =	sadd.s32 s5, s21  }
0x9e: {  	s8 =	sadd.s32 $0xC0, s8  }
0x9f: {  	[tilespmem:s24], [sflag:$0x3] =	stream.linear.gather [hbm4b:s8+s3], $0x100, $0x38;
	[tilespmem:$0x1C080] =	vst v63  }
0xa0: {  	_ =	swait.ge [sflag:s29], $0x100  }
.Ltmp4:
0xa1: {  	[sflag:s29] =	ssyncset.done $0x0;
	(pc) =	sbr.rel .LBB2_4-.Ltmp4, $4  }
0xa2: {  	[sflag:s29] =	ssyncadd.s32 $0xFFFFFF00  }
0xa3: {  	[tilespmem:s26], [sflag:$0x5] =	stream.indirect.gather [hbm4b:s4+s30], $0x80, s22, s30, $0xb8;
	[tilespmem:$0x1C080] =	vst v63  }
0xa4: {  	s5 =	sadd.s32 $0x80, s5  }
0xa5: {  	[spmem:s1] =	stream.indirect.scatter.add.f32 [tilespmem:s6], [sflag:$0x8], $0x80, s17, s30, $0xb8;
	[tilespmem:$0x1C080] =	vst v63  }
.LBB2_7:
0xa6: {  	_ =	sfence.sel $0x180000  }
0xa7: {  	[bflag:$0x0] =	sbarrier.arrive $0xFFFF  }
0xa8: {  	_ =	strace $0x9000004A  }
0xa9: {  	[bflag:$0x2] =	sbarrier.arrive $0xFFFF  }
0xaa: {  	p0 =	sne.s32 s14, $0x0;
	s0 =	rddreg [dreg:$0x2]  }
0xab: {  	s0 =	sadd.s32 @!p0 $0x100000, s0  }
0xac: {  	[sflag:s0] =	ssyncadd.tile.s32 @!p0 $0x1;
	_ =	shalt  }
.Lfunc_end2:
_tile_overlayer_lowered:
.L_overlay_start_2:
0xad: {  	(tag) =	ssettag $0x2  }
0xae: {  	s0 =	rddreg [dreg:$0x0];
	s2 =	stileid.u32  }
0xaf: {  	s1 =	rddreg [dreg:$0x1];
	p0 =	sne.s32 s2, $0x0  }
0xb0: {  	s3 =	rddreg [dreg:$0x2];
	[bflag:$0x3] =	sbarrier.arrive $0xFFFF;
	s2 =	simm.s32 @!p0 $0x1C09  }
0xb1: {  	[timem:s3], [sflag:s2] =	dma.local @!p0 [hbm:s0], s1  }
0xb2: {  	s0 =	simm.s32 @!p0 $0x9  }
0xb3: {  	_ =	swait.ge @!p0 [sflag:s0], s1  }
0xb4: {  	s1 =	ssub.s32 @!p0 $0x0, s1;
	[sflag:s0] =	ssyncset.done @!p0 $0x0  }
0xb5: {  	[sflag:s0] =	ssyncadd.s32 @!p0 s1  }
0xb6: {  	[bflag:$0x3] =	sbarrier.arrive $0xFFFF  }
0xb7: {  	_ =	shalt  }

// kernel: kernel.7.cloned.1.call-start
scs
__scs_entry_jumppad:
0x0: {  	(pc) =	sbr.rel $0x88, $3  }
0x1: {  	(tag) =	ssettag $0x0;
	lr =	simm.s32 $0x1  }
0x2: {  	[smem:$0x3F99] =	sst lr;
	_ =	strace $0xD0000000  }
0x3: {  	_ = 	snop  }
0x4: {  	_ = 	snop  }
0x5: {  	_ = 	snop  }
0x6: {  	_ = 	snop  }
0x7: {  	_ = 	snop  }
__scs_overlays_trampoline_lowered:
0x8: {  	[smem:$0x3FA8] =	sst s0  }
0x9: {  	[smem:$0x3FA9] =	sst s1  }
0xa: {  	[smem:$0x3FAA] =	sst s2  }
0xb: {  	[smem:$0x3FAB] =	sst s3  }
0xc: {  	[smem:$0x3FAC] =	sst s4  }
0xd: {  	[smem:$0x3FAD] =	sst s5  }
0xe: {  	[smem:$0x3FAE] =	sst s6  }
0xf: {  	[smem:$0x3FAF] =	sst s7  }
0x10: {  	[smem:$0x3FB0] =	sst s8  }
0x11: {  	[smem:$0x3FB1] =	sst s9;
	s0 =	simm.s32 @!p0 $0x0  }
0x12: {  	s1 =	sld [smem:$0x3F97];
	s0 =	simm.s32 @p0 $0x1  }
0x13: {  	[smem:$0x3FB2] =	sst s0;
	s0 =	simm.s32 @!p1 $0x0  }
0x14: {  	s2 =	sld [smem:$0x3F96];
	s0 =	simm.s32 @p1 $0x1  }
0x15: {  	[smem:$0x3FB3] =	sst s0;
	s0 =	simm.s32 @!p2 $0x0  }
0x16: {  	s3 =	sld [smem:$0x3FDB];
	s0 =	simm.s32 @p2 $0x1  }
0x17: {  	s4 =	simm.s32 $0x1BF5;
	[smem:$0x3FB5] =	sst s0  }
0x18: {  	s0 =	sld [smem:$0x3F98];
	_ =	swait.ge [sflag:s4], $0x0  }
0x19: {  	s7 =	sld [smem:$0x3F99]  }
0x1a: {  	s8 =	sadd.s32 $0xFFFFE003, lr  }
0x1b: {  	s9 =	sadd.s32 $0xFFFFFEF7, lr;
	s5 =	simm.s32 $0xFFFFFFFF;
	p2 =	slt.u32 s8, $0xFFFFF086  }
0x1c: {  	p1 =	slt.u32 s9, $0xF7A;
	s5 =	simm.s32 @!p2 $0x0  }
0x1d: {  	s5 =	simm.s32 @p1 $0x1;
	p0 =	seq.s32 s7, s2  }
0x1e: {  	s7 =	smul.u32 @!p0 $0xF7A, s2;
	p2 =	seq.s32 @!p0 s5, $0x0  }
0x1f: {  	s9 =	smul.u32 $0xF7A, s1;
	s8 =	simm.s32 @!p0 $0x1BF5;
	p2 =	por !p2, p0  }
0x20: {  	[sflag:s8] =	ssyncset.s32 @!p0 $0xFFFFF086;
	s6 =	sadd.s32 @!p0 s3, s7;
	s7 =	simm.s32 @!p0 $0x108  }
0x21: {  	s3 =	sadd.s32 s3, s9;
	s6 =	sadd.s32 @!p0 $0x88, s6;
	s7 =	simm.s32 @p2 $0x1082  }
0x22: {  	[simem:s7], [sflag:s8] =	dma.local @!p0 [hbm:s6], $0xF7A  }
0x23: {  	s9 =	sor.u32 $0xD0000000, s2;
	s6 =	simm.s32 $0x108;
	_ =	swait.ge @!p0 [sflag:s8], $0x0  }
0x24: {  	s3 =	sadd.s32 $0x88, s3;
	s6 =	simm.s32 @!p1 $0x1082;
	[sflag:s4] =	ssyncset.s32 $0xFFFFF086  }
0x25: {  	[simem:s6], [sflag:s4] =	dma.local [hbm:s3], $0xF7A  }
0x26: {  	[smem:$0x3F99] =	sst s1;
	(tag) =	ssettag s2;
	_ =	strace s9  }
0x27: {  	s1 =	sld [smem:$0x3FA9]  }
0x28: {  	s2 =	sld [smem:$0x3FAA]  }
0x29: {  	s4 =	sld [smem:$0x3FAC]  }
0x2a: {  	p0 =	seq.s32 s5, $0x0;
	s5 =	sld [smem:$0x3FAD]  }
0x2b: {  	s6 =	sld [smem:$0x3FAE]  }
0x2c: {  	s7 =	sld [smem:$0x3FAF]  }
0x2d: {  	s3 =	simm.s32 $0x108;
	s8 =	sld [smem:$0x3FB0]  }
0x2e: {  	s3 =	simm.s32 @!p0 $0x1082;
	s9 =	sld [smem:$0x3FB1]  }
0x2f: {  	lr =	sadd.s32 s0, s3;
	s0 =	sld [smem:$0x3FA8]  }
0x30: {  	s3 =	sld [smem:$0x3FAB]  }
0x31: {  	[smem:$0x3FB4] =	sst s10  }
0x32: {  	s10 =	sld [smem:$0x3FB2];
	_ =	sdelay $0x3  }
0x33: {  	p0 =	seq.s32 s10, $0x1;
	s10 =	sld [smem:$0x3FB4];
	_ =	sdelay $0x3  }
0x34: {  	[smem:$0x3FB4] =	sst s10  }
0x35: {  	s10 =	sld [smem:$0x3FB3];
	_ =	sdelay $0x3  }
0x36: {  	p1 =	seq.s32 s10, $0x1;
	s10 =	sld [smem:$0x3FB4];
	_ =	sdelay $0x3  }
0x37: {  	[smem:$0x3FB4] =	sst s10  }
0x38: {  	s10 =	sld [smem:$0x3FB5]  }
0x39: {  	_ = 	snop;
	(pc) =	sbr.ind lr, $3  }
0x3a: {  	_ = 	snop  }
0x3b: {  	_ = 	snop  }
0x3c: {  	p2 =	seq.s32 s10, $0x1;
	s10 =	sld [smem:$0x3FB4]  }
0x3d: {  	_ =	shalt  }
0x3e: {  	_ =	shalt  }
0x3f: {  	_ =	shalt  }
0x40: {  	_ =	shalt  }
0x41: {  	_ =	shalt  }
0x42: {  	_ =	shalt  }
0x43: {  	_ =	shalt  }
0x44: {  	_ =	shalt  }
0x45: {  	_ =	shalt  }
0x46: {  	_ =	shalt  }
0x47: {  	_ =	shalt  }
0x48: {  	_ =	shalt  }
0x49: {  	_ =	shalt  }
0x4a: {  	_ =	shalt  }
0x4b: {  	_ =	shalt  }
0x4c: {  	_ =	shalt  }
0x4d: {  	_ =	shalt  }
0x4e: {  	_ =	shalt  }
0x4f: {  	_ =	shalt  }
0x50: {  	_ =	shalt  }
0x51: {  	_ =	shalt  }
0x52: {  	_ =	shalt  }
0x53: {  	_ =	shalt  }
0x54: {  	_ =	shalt  }
0x55: {  	_ =	shalt  }
0x56: {  	_ =	shalt  }
0x57: {  	_ =	shalt  }
0x58: {  	_ =	shalt  }
0x59: {  	_ =	shalt  }
0x5a: {  	_ =	shalt  }
0x5b: {  	_ =	shalt  }
0x5c: {  	_ =	shalt  }
0x5d: {  	_ =	shalt  }
0x5e: {  	_ =	shalt  }
0x5f: {  	_ =	shalt  }
0x60: {  	_ =	shalt  }
0x61: {  	_ =	shalt  }
0x62: {  	_ =	shalt  }
0x63: {  	_ =	shalt  }
0x64: {  	_ =	shalt  }
0x65: {  	_ =	shalt  }
0x66: {  	_ =	shalt  }
0x67: {  	_ =	shalt  }
0x68: {  	_ =	shalt  }
0x69: {  	_ =	shalt  }
0x6a: {  	_ =	shalt  }
0x6b: {  	_ =	shalt  }
0x6c: {  	_ =	shalt  }
0x6d: {  	_ =	shalt  }
0x6e: {  	_ =	shalt  }
0x6f: {  	_ =	shalt  }
0x70: {  	_ =	shalt  }
0x71: {  	_ =	shalt  }
0x72: {  	_ =	shalt  }
0x73: {  	_ =	shalt  }
0x74: {  	_ =	shalt  }
0x75: {  	_ =	shalt  }
0x76: {  	_ =	shalt  }
0x77: {  	_ =	shalt  }
0x78: {  	_ =	shalt  }
0x79: {  	_ =	shalt  }
0x7a: {  	_ =	shalt  }
0x7b: {  	_ =	shalt  }
0x7c: {  	_ =	shalt  }
0x7d: {  	_ =	shalt  }
0x7e: {  	_ =	shalt  }
0x7f: {  	_ =	shalt  }
0x80: {  	_ =	shalt  }
0x81: {  	_ =	shalt  }
0x82: {  	_ =	shalt  }
0x83: {  	_ =	shalt  }
0x84: {  	_ =	shalt  }
0x85: {  	_ =	shalt  }
0x86: {  	_ =	shalt  }
0x87: {  	_ =	shalt  }
.Lfunc_end0:
.L_simem_size_0:
called_computation_lowered:
.L_overlay_start_0:
0x88: {  	s2 =	sld [smem:$0x3FD9]  }
0x89: {  	s3 =	sld [smem:$0x3FFE];
	_ =	sdelay $0x1  }
0x8a: {  	s1 =	srdreg.scid  }
0x8b: {  	s0 =	sand.u32 $0x1, s1  }
0x8c: {  	s17 =	sshll.u32 s0, $0xA;
	s2 =	sadd.s32 s3, s2  }
0x8d: {  	s2 =	sadd.s32 s2, s17  }
0x8e: {  	[smem:$0x3FC0] =	sst s2  }
0x8f: {  	_ = 	snop  }
0x90: {  	s2 =	sld [smem:$0x3FC9]  }
0x91: {  	s18 =	sld [smem:$0x3FD0];
	(tm) =	ssettm $0x1  }
0x92: {  	s4 =	sld [smem:$0x3FFB];
	_ =	sdelay $0x3  }
0x93: {  	_ =	strace s4  }
0x94: {  	s4 =	sld [smem:$0x3FFC];
	_ =	sdelay $0x3  }
0x95: {  	_ =	strace s4  }
0x96: {  	s4 =	sld [smem:$0x3FFD];
	_ =	sdelay $0x3  }
0x97: {  	_ =	strace s4  }
0x98: {  	_ =	strace $0x8FFFFFFF  }
0x99: {  	s19 =	sld [smem:$0x3FDB];
	_ =	sdelay $0x1  }
0x9a: {  	s5 =	simm.s32 $_scs_section_size  }
0x9b: {  	s6 =	simm.s32 $_size__tile_overlayer_lowered;
	s7 =	simm.s32 $_tile_overlayer_lowered  }
0x9c: {  	s22 =	simm.s32 $0x1BFF;
	s21 =	sshll.u32 s7, $0x1;
	s4 =	sadd.s32 s5, s19  }
0x9d: {  	s8 =	simm.s32 $0x0;
	s20 =	sshll.u32 s6, $0x1;
	s6 =	sadd.s32 s21, s4  }
0x9e: {  	[timem:s8], [sflag:s22] =	dma.local [hbm:s6], s20  }
0x9f: {  	_ =	swait.ge [sflag:s22], s20  }
0xa0: {  	s5 =	ssub.s32 $0x0, s20;
	[sflag:s22] =	ssyncset.done $0x0  }
0xa1: {  	[sflag:s22] =	ssyncadd.s32 s5;
	_ =	sdelay $0x1  }
0xa2: {  	s23 =	simm.s32 $0x1B8B  }
0xa3: {  	_ =	swait.ge [sflag:s23], $0x1  }
0xa4: {  	[sflag:s23] =	ssyncset.done $0x0  }
0xa5: {  	s25 =	simm.s32 $0x1B8E;
	s24 =	sld [smem:$0x3FFE];
	[sflag:s23] =	ssyncadd.s32 $0xFFFFFFFF  }
0xa6: {  	s26 =	simm.s32 $execute0_lowered;
	[smem:$0x3FD2] =	sst s25  }
0xa7: {  	s6 =	sshll.u32 s26, $0x1;
	_ =	strace $0x80000046;
	[dreg:$0x1] =	wrdreg $0xFFFFFFFF  }
0xa8: {  	s28 =	simm.s32 $_size_execute0_lowered;
	s4 =	sadd.s32 s4, s6;
	[dreg:$0x0] =	wrdreg $0x0  }
0xa9: {  	s6 =	sshll.u32 s28, $0x1;
	[dreg:$0x2] =	wrdreg s4  }
0xaa: {  	[dreg:$0x3] =	wrdreg s6  }
0xab: {  	[dreg:$0x4] =	wrdreg $0xC0  }
0xac: {  	_ =	task [dreg:s8], $0x5FFFF  }
0xad: {  	[dreg:$0x1] =	wrdreg $0xFFFFFFFF  }
0xae: {  	[dreg:$0x0] =	wrdreg $0x60  }
0xaf: {  	[dreg:$0x2] =	wrdreg s2  }
0xb0: {  	[dreg:$0x3] =	wrdreg s24  }
0xb1: {  	[dreg:$0x4] =	wrdreg s18  }
0xb2: {  	[dreg:$0x5] =	wrdreg $0x0  }
0xb3: {  	[dreg:$0x6] =	wrdreg $0x1C0800  }
0xb4: {  	[dreg:$0x7] =	wrdreg $0x9  }
0xb5: {  	_ =	task.clear_ibuf [dreg:s8], $0x8FFFF;
	_ =	strace $0x90000046  }
0xb6: {  	s29 =	simm.s32 $0x9;
	_ =	strace $0x80000048  }
0xb7: {  	_ =	swait.ge [sflag:s29], $0x1  }
0xb8: {  	[sflag:s29] =	ssyncadd.s32 $0xFFFFFFFF  }
0xb9: {  	_ =	strace $0x90000048  }
0xba: {  	_ =	sfence  }
0xbb: {  	s30 =	sld [smem:$0x0];
	_ =	sdelay $0x2  }
0xbc: {  	s31 =	sshll.u32 s1, $0xD;
	s1 =	sshrl.u32 s1, $0x2  }
0xbd: {  	s3 =	sand.u32 $0x4000, s31;
	s1 =	sadd.s32 s1, s30  }
0xbe: {  	s0 =	sor.u32 s3, s0;
	s1 =	sshll.u32 s1, $0x11  }
0xbf: {  	s0 =	sor.u32 s1, s0  }
0xc0: {  	s0 =	sadd.s32 $0x8F2B, s0  }
0xc1: {  	[sflag:s0] =	ssyncadd.remote.s32 $0x1  }
0xc2: {  	_ =	sfence.sel $0xFFFF  }
0xc3: {  	[dreg:$0x0] =	wrdreg $0xFFFFFFFF;
	(pc) =	sbr.abs _section_cstart, $3  }
0xc4: {  	[dreg:$0x1] =	wrdreg $0xFFFFFFFF  }
0xc5: {  	_ =	task.clear_ibuf [dreg:s8], $0x2FFFF;
	_ =	strace $0x9FFFFFFF  }
0xc6: {  	(tm) =	ssettm $0x7FFFFFFF  }
0xc7: {  	_ =	shalt  }
tec
execute0_lowered:
.L_overlay_start_1:
0x0: {  	(tag) =	ssettag $0x1  }
0x1: {  	s0 =	rddreg [dreg:$0x0]  }
0x2: {  	s1 =	rddreg [dreg:$0x1]  }
0x3: {  	s3 =	rddreg [dreg:$0x3]  }
0x4: {  	s4 =	rddreg [dreg:$0x4];
	s2 =	srdreg.scid;
	s5 =	simm.s32 $0x0  }
0x5: {  	s6 =	stileid.u32;
	s28 =	simm.s32 $0x13D80;
	s29 =	simm.s32 $0x13E80  }
0x6: {  	s30 =	simm.s32 $0x13F80;
	s31 =	simm.s32 $0x14080;
	s8 =	smul.u32 $0x2700, s6  }
0x7: {  	s2 =	sand.u32 $0x1, s2;
	[smem:$0x7FF] =	sst s5;
	s11 =	smul.u32 $0x4F200, s6  }
0x8: {  	s9 =	sadd.s32 $0x3A00, s1;
	s21 =	sadd.s32 $0x17A00, s1;
	s13 =	smul.u32 $0x4E000, s6  }
0x9: {  	s22 =	sadd.s32 $0x18000, s1;
	p0 =	seq.s32 s6, $0x0;
	s20 =	smul.u32 $0xA00, s6  }
0xa: {  	p2 =	sne.s32 s6, $0x0;
	p5 =	seq.s32 s6, $0xF;
	s7 =	sshll.u32 s2, $0x4  }
0xb: {  	_ =	strace $0x80000047;
	s10 =	ssub.s32 $0x2, s2;
	[dreg:$0x6] =	wrdreg s21  }
0xc: {  	[dreg:$0x7] =	wrdreg s22;
	s16 =	smul.u32 $0xA000, s2;
	p1 =	seq.s32 s2, $0x1  }
0xd: {  	p3 =	sne.s32 s2, $0x0;
	s7 =	sor.u32 s6, s7;
	s8 =	sadd.s32 s8, s1  }
0xe: {  	s12 =	sshrl.u32 s10, $0x1;
	s24 =	sshrl.u32 s11, $0x2;
	s7 =	smul.u32 $0xA00, s7  }
0xf: {  	s10 =	ssub.s32 s10, s12;
	s19 =	sadd.s32 s16, s9;
	s21 =	sadd.s32 $0x18600, s8  }
0x10: {  	s22 =	sadd.s32 $0x3F800, s8;
	s8 =	simm.s32 $0x7;
	[dreg:$0x12] =	wrdreg s21  }
0x11: {  	s16 =	simm.s32 $0x14000;
	[dreg:$0x13] =	wrdreg s22;
	s23 =	sadd.s32 s9, s7  }
0x12: {  	s21 =	sadd.s32 s20, s19;
	s7 =	sadd.s32 s24, s3;
	[dreg:$0x8] =	wrdreg s23  }
0x13: {  	s19 =	simm.s32 $0x80;
	s24 =	sadd.s32 $0x124800, s3;
	[dreg:$0xb] =	wrdreg s7  }
0x14: {  	s20 =	simm.s32 $0x5;
	s25 =	sadd.s32 $0x20, s23;
	[dreg:$0x14] =	wrdreg s24  }
0x15: {  	s22 =	simm.s32 $0x18080;
	s26 =	sadd.s32 $0x40, s23;
	[dreg:$0x9] =	wrdreg s25  }
0x16: {  	s5 =	sadd.s32 $0x60, s23;
	s11 =	sadd.s32 $0x4000, s7;
	[dreg:$0xa] =	wrdreg s26  }
0x17: {  	s14 =	sadd.s32 $0x8000, s7;
	s15 =	sadd.s32 $0xC000, s7;
	[dreg:$0xc] =	wrdreg s5  }
0x18: {  	s17 =	sadd.s32 $0x10000, s7;
	s7 =	sshrl.u32 s13, $0x2;
	[dreg:$0xd] =	wrdreg s11  }
0x19: {  	s23 =	sor.u32 s2, s6;
	s24 =	simm.s32 $0x2;
	[dreg:$0xe] =	wrdreg s14  }
0x1a: {  	s2 =	simm.s32 $0x13D00;
	s13 =	simm.s32 $0x8;
	[dreg:$0xf] =	wrdreg s15  }
0x1b: {  	[dreg:$0x10] =	wrdreg s17;
	s5 =	simm.s32 @!p0 $0x0;
	s18 =	sadd.s32 s7, s3  }
0x1c: {  	p4 =	sne.s32 s23, $0x0;
	s25 =	sadd.s32 $0x64100, s1;
	s1 =	sadd.s32 $0x3CF00, s1  }
0x1d: {  	s26 =	smax.u32 s10, $0x1;
	s23 =	simm.s32 $0x13C80;
	s7 =	simm.s32 $0x6  }
.Ltmp0:
0x1e: {  	s10 =	simm.s32 $0x3;
	[dreg:$0x11] =	wrdreg s18;
	(pc) =	sbr.rel .LBB2_1-.Ltmp0, $4  }
0x1f: {  	s11 =	simm.s32 $0x13E00;
	s14 =	simm.s32 $0x4;
	[dreg:$0x15] =	wrdreg s25  }
0x20: {  	s15 =	simm.s32 $0x13F00;
	s17 =	simm.s32 $0x0;
	[dreg:$0x16] =	wrdreg s1  }
0x21: {  	s5 =	simm.s32 @p0 $0x1;
	[dreg:$0x17] =	wrdreg s26;
	s1 =	simm.s32 $0x9  }
0x22: {  	v0 =	vimm.f32 $0.0e+00;
	v1 =	vimm.f32 $1.000000000e+00;
	s18 =	simm.s32 $0x1C300;
	[smem:$0x7FD] =	sst s5;
	s5 =	stileid.u32  }
.LBB2_10:
0x23: {  	s6 =	sshll.u32 s5, $0x6;
	s12 =	rddreg [dreg:$0x11]  }
0x24: {  	s25 =	rddreg [dreg:$0x13];
	s6 =	sor.u32 $0x1C09, s6;
	s9 =	sshrl.u32 s12, $0x3  }
0x25: {  	[hbm:s25], [sflag:s6] =	dma.local [spmem:s9], $0x2700  }
0x26: {  	_ =	swait.ge [sflag:s1], $0x2700  }
0x27: {  	s26 =	sld [smem:$0x7FD];
	_ =	sdelay $0x1  }
0x28: {  	[sflag:s1] =	ssyncset.done $0x0  }
0x29: {  	[sflag:s1] =	ssyncadd.s32 $0xFFFFD900;
	p0 =	seq.s32 s26, $0x1  }
.LBB2_12:
0x2a: {  	s12 =	stileid.u32  }
0x2b: {  	s6 =	sshll.u32 @!p4 s12, $0x6  }
0x2c: {  	s9 =	sshrl.u32 @!p4 s4, $0x3;
	s5 =	rddreg [dreg:$0x6];
	s6 =	sor.u32 @!p4 $0x1C09, s6  }
0x2d: {  	[hbm:s5], [sflag:s6] =	dma.local @!p4 [spmem:s9], $0x500  }
0x2e: {  	s6 =	simm.s32 @!p4 $0x9  }
0x2f: {  	_ =	swait.ge @!p4 [sflag:s6], $0x500  }
0x30: {  	s9 =	sshll.u32 @p0 s12, $0x6;
	[sflag:s6] =	ssyncset.done @!p4 $0x0;
	s12 =	rddreg [dreg:$0x7]  }
0x31: {  	[sflag:s6] =	ssyncadd.s32 @!p4 $0xFFFFFB00;
	s6 =	sor.u32 @p0 $0x1C09, s9;
	s9 =	sshrl.u32 @p0 s4, $0x3  }
0x32: {  	[hbm:s12], [sflag:s6] =	dma.local @p0 [spmem:s9], $0x500  }
0x33: {  	s6 =	simm.s32 @p0 $0x9  }
0x34: {  	_ =	swait.ge @p0 [sflag:s6], $0x500  }
0x35: {  	s17 =	sadd.s32 $0x1, s17;
	s26 =	rddreg [dreg:$0x17]  }
0x36: {  	p6 =	sne.s32 s17, s26  }
.Ltmp1:
0x37: {  	_ = 	snop;
	(pc) =	sbr.rel @!p6 .LBB2_13-.Ltmp1, $3  }
0x38: {  	_ =	sdelay $0x1  }
0x39: {  	[sflag:s6] =	ssyncset.done @p0 $0x0  }
0x3a: {  	s5 =	stileid.u32;
	[sflag:s6] =	ssyncadd.s32 @p0 $0xFFFFFB00  }
.LBB2_1:
0x3b: {  	s6 =	simm.s32 $0x0;
	s9 =	rddreg [dreg:$0x8]  }
0x3c: {  	[tilespmem:s23], [sflag:$0x1] =	stream.linear.gather [hbm4b:s9+s6], $0x100, $0x38;
	[tilespmem:$0x1C380] =	vst v63  }
0x3d: {  	s12 =	rddreg [dreg:$0x9]  }
0x3e: {  	[tilespmem:s28], [sflag:$0x2] =	stream.linear.gather [hbm4b:s12+s6], $0x100, $0x38;
	[tilespmem:$0x1C380] =	vst v63  }
0x3f: {  	s25 =	rddreg [dreg:$0xa]  }
0x40: {  	[tilespmem:s29], [sflag:$0x3] =	stream.linear.gather [hbm4b:s25+s6], $0x100, $0x38;
	[tilespmem:$0x1C380] =	vst v63  }
0x41: {  	s26 =	rddreg [dreg:$0xc];
	s9 =	simm.s32 $0x0;
	s12 =	simm.s32 $0x200  }
0x42: {  	[tilespmem:s30], [sflag:$0x4] =	stream.linear.gather [hbm4b:s26+s6], $0x100, $0x38;
	[tilespmem:$0x1C380] =	vst v63  }
.LBB2_2:
0x43: {  	p0 =	sne.s32 s12, $0xFE00;
	[tilespmem:s9+$0x140F0] =	vst v0  }
0x44: {  	[tilespmem:s9+$0x14080] =	vst v0  }
0x45: {  	[tilespmem:s9+$0x14090] =	vst v0  }
.Ltmp2:
0x46: {  	[tilespmem:s9+$0x140A0] =	vst v0;
	(pc) =	sbr.rel @p0 .LBB2_2-.Ltmp2, $4  }
0x47: {  	[tilespmem:s9+$0x140B0] =	vst v0  }
0x48: {  	[tilespmem:s9+$0x140C0] =	vst v0  }
0x49: {  	[tilespmem:s9+$0x140D0] =	vst v0  }
0x4a: {  	[tilespmem:s9+$0x140E0] =	vst v0;
	s9 =	sshra.s32 s12, $0x2;
	s12 =	sadd.s32 $0x200, s12  }
0x4b: {  	[tilespmem:s9+$0x140F0] =	vst v0  }
0x4c: {  	[tilespmem:s9+$0x14080] =	vst v0  }
0x4d: {  	[tilespmem:s9+$0x14090] =	vst v0  }
0x4e: {  	[tilespmem:s9+$0x140A0] =	vst v0  }
0x4f: {  	[tilespmem:s9+$0x140B0] =	vst v0  }
0x50: {  	[tilespmem:s9+$0x140C0] =	vst v0  }
0x51: {  	[tilespmem:s9+$0x140D0] =	vst v0  }
0x52: {  	[tilespmem:s9+$0x140E0] =	vst v0;
	s6 =	rddreg [dreg:$0xb]  }
0x53: {  	[spmem:s6] =	stream.linear.scatter [tilespmem:s31], [sflag:$0x9], $0x4000, $0x38;
	[tilespmem:$0x1C380] =	vst v63  }
0x54: {  	_ =	swait.ge [sflag:s1], $0x4000  }
0x55: {  	[sflag:s1] =	ssyncset.done $0x0  }
0x56: {  	s26 =	rddreg [dreg:$0xd];
	[sflag:s1] =	ssyncadd.s32 $0xFFFFC000  }
0x57: {  	[spmem:s26] =	stream.linear.scatter [tilespmem:s31], [sflag:$0x9], $0x4000, $0x38;
	[tilespmem:$0x1C380] =	vst v63  }
0x58: {  	_ =	swait.ge [sflag:s1], $0x4000  }
0x59: {  	[sflag:s1] =	ssyncset.done $0x0  }
0x5a: {  	s9 =	rddreg [dreg:$0xe];
	[sflag:s1] =	ssyncadd.s32 $0xFFFFC000  }
0x5b: {  	[spmem:s9] =	stream.linear.scatter [tilespmem:s31], [sflag:$0x9], $0x4000, $0x38;
	[tilespmem:$0x1C380] =	vst v63  }
0x5c: {  	_ =	swait.ge [sflag:s1], $0x4000  }
0x5d: {  	[sflag:s1] =	ssyncset.done $0x0  }
0x5e: {  	s12 =	rddreg [dreg:$0xf];
	[sflag:s1] =	ssyncadd.s32 $0xFFFFC000  }
0x5f: {  	[spmem:s12] =	stream.linear.scatter [tilespmem:s31], [sflag:$0x9], $0x4000, $0x38;
	[tilespmem:$0x1C380] =	vst v63  }
0x60: {  	_ =	swait.ge [sflag:s1], $0x4000  }
0x61: {  	[sflag:s1] =	ssyncset.done $0x0  }
0x62: {  	s25 =	rddreg [dreg:$0x10];
	[sflag:s1] =	ssyncadd.s32 $0xFFFFC000  }
0x63: {  	[spmem:s25] =	stream.linear.scatter [tilespmem:s31], [sflag:$0x9], $0x3C80, $0x38;
	[tilespmem:$0x1C380] =	vst v63  }
0x64: {  	_ =	swait.ge [sflag:s1], $0x3C80  }
0x65: {  	[sflag:s1] =	ssyncset.done $0x0  }
0x66: {  	[sflag:s1] =	ssyncadd.s32 $0xFFFFC380  }
0x67: {  	[tilespmem:$0x1C300] =	vst v1  }
0x68: {  	[tilespmem:$0x1C310] =	vst v1  }
0x69: {  	[tilespmem:$0x1C320] =	vst v1  }
0x6a: {  	[tilespmem:$0x1C330] =	vst v1  }
0x6b: {  	[tilespmem:$0x1C340] =	vst v1  }
0x6c: {  	[tilespmem:$0x1C350] =	vst v1  }
0x6d: {  	[tilespmem:$0x1C360] =	vst v1  }
0x6e: {  	s9 =	sshrl.u32 @!p2 s4, $0x3;
	s12 =	simm.s32 @!p2 $0x1C09;
	[tilespmem:$0x1C370] =	vst v1;
	s6 =	rddreg [dreg:$0x2]  }
0x6f: {  	[spmem:s9], [sflag:s12] =	dma.local @!p2 [hbm:s6], $0x500  }
0x70: {  	s9 =	simm.s32 @!p2 $0x9  }
0x71: {  	_ =	swait.ge @!p2 [sflag:s9], $0x500  }
0x72: {  	[sflag:s9] =	ssyncset.done @!p2 $0x0  }
0x73: {  	[sflag:s9] =	ssyncadd.s32 @!p2 $0xFFFFFB00  }
0x74: {  	s26 =	simm.s32 $0x1;
	[bflag:$0x0] =	sbarrier.arrive $0xFFFF  }
0x75: {  	_ =	swait.ge [sflag:s26], $0x100  }
0x76: {  	[sflag:s26] =	ssyncset.done $0x0  }
0x77: {  	[sflag:s26] =	ssyncadd.s32 $0xFFFFFF00  }
0x78: {  	[tilespmem:s31], [sflag:$0x5] =	stream.indirect.gather [hbm4b:s0+s19], $0x80, s23, s19, $0xb8;
	[tilespmem:$0x1C380] =	vst v63  }
0x79: {  	_ =	swait.ge [sflag:s20], $0x4000  }
0x7a: {  	p0 =	por $0x1, $0x1;
	[sflag:s20] =	ssyncset.done $0x0  }
0x7b: {  	s9 =	simm.s32 @!p0 $0x8;
	[sflag:s20] =	ssyncadd.s32 $0xFFFFC000  }
0x7c: {  	_ =	swait.ge @!p0 [sflag:s9], $0x4000  }
0x7d: {  	s25 =	simm.s32 @!p0 $0x13F80;
	s12 =	sadd.s32 @!p0 $0x0, s21;
	[sflag:s9] =	ssyncset.done @!p0 $0x0  }
0x7e: {  	s12 =	sadd.s32 @!p0 $0x60, s12;
	[sflag:s9] =	ssyncadd.s32 @!p0 $0xFFFFC000;
	s9 =	simm.s32 @!p0 $0x0  }
0x7f: {  	[tilespmem:s25], [sflag:$0x4] =	stream.linear.gather @!p0 [hbm4b:s12+s9], $0x100, $0x38;
	[tilespmem:$0x1C380] =	vst v63  }
0x80: {  	_ =	swait.ge [sflag:s24], $0x100  }
0x81: {  	[sflag:s24] =	ssyncset.done $0x0  }
0x82: {  	[sflag:s24] =	ssyncadd.s32 $0xFFFFFF00  }
0x83: {  	[tilespmem:s22], [sflag:$0x6] =	stream.indirect.gather [hbm4b:s0+s19], $0x80, s28, s19, $0xb8;
	[tilespmem:$0x1C380] =	vst v63  }
0x84: {  	_ = 	snop  }
0x85: {  	[spmem:s3] =	stream.indirect.scatter.add.f32 [tilespmem:s31], [sflag:$0x7], $0x80, s2, s19, $0xb8;
	[tilespmem:$0x1C380] =	vst v63  }
0x86: {  	_ = 	snop  }
0x87: {  	[spmem:s4] =	stream.indirect.scatter.add.f32 [tilespmem:s18], [sflag:$0x9], $0x1, s2, s19, $0xb8;
	[tilespmem:$0x1C380] =	vst v63  }
0x88: {  	_ =	swait.ge [sflag:s1], $0x80  }
0x89: {  	[sflag:s1] =	ssyncset.done $0x0  }
0x8a: {  	[sflag:s1] =	ssyncadd.s32 $0xFFFFFF80  }
0x8b: {  	_ =	swait.ge [sflag:s7], $0x4000  }
0x8c: {  	[sflag:s7] =	ssyncset.done $0x0  }
0x8d: {  	[sflag:s7] =	ssyncadd.s32 $0xFFFFC000  }
0x8e: {  	p0 =	por $0x0, $0x0;
	_ =	swait.ge [sflag:s8], $0x4000  }
0x8f: {  	s9 =	sadd.s32 @!p0 $0x0, s21;
	s12 =	simm.s32 @!p0 $0x13C80;
	[sflag:s8] =	ssyncset.done $0x0  }
0x90: {  	s26 =	simm.s32 @!p0 $0x0;
	s25 =	sadd.s32 @!p0 $0x80, s9;
	[sflag:s8] =	ssyncadd.s32 $0xFFFFC000  }
0x91: {  	[tilespmem:s12], [sflag:$0x1] =	stream.linear.gather @!p0 [hbm4b:s25+s26], $0x100, $0x38;
	[tilespmem:$0x1C380] =	vst v63  }
0x92: {  	_ =	swait.ge [sflag:s10], $0x100  }
0x93: {  	[sflag:s10] =	ssyncset.done $0x0  }
0x94: {  	[sflag:s10] =	ssyncadd.s32 $0xFFFFFF00  }
0x95: {  	[tilespmem:s31], [sflag:$0x5] =	stream.indirect.gather [hbm4b:s0+s19], $0x80, s29, s19, $0xb8;
	[tilespmem:$0x1C380] =	vst v63  }
0x96: {  	_ = 	snop  }
0x97: {  	[spmem:s3] =	stream.indirect.scatter.add.f32 [tilespmem:s22], [sflag:$0x8], $0x80, s11, s19, $0xb8;
	[tilespmem:$0x1C380] =	vst v63  }
0x98: {  	_ = 	snop  }
0x99: {  	[spmem:s4] =	stream.indirect.scatter.add.f32 [tilespmem:s18], [sflag:$0x9], $0x1, s11, s19, $0xb8;
	[tilespmem:$0x1C380] =	vst v63  }
0x9a: {  	_ =	swait.ge [sflag:s1], $0x80  }
0x9b: {  	[sflag:s1] =	ssyncset.done $0x0  }
0x9c: {  	[sflag:s1] =	ssyncadd.s32 $0xFFFFFF80  }
0x9d: {  	_ =	swait.ge [sflag:s20], $0x4000  }
0x9e: {  	[sflag:s20] =	ssyncset.done $0x0  }
0x9f: {  	[sflag:s20] =	ssyncadd.s32 $0xFFFFC000  }
0xa0: {  	_ =	swait.ge [sflag:s13], $0x4000  }
0xa1: {  	[sflag:s13] =	ssyncset.done $0x0  }
0xa2: {  	s6 =	simm.s32 @!p0 $0x13D80;
	s25 =	sadd.s32 @!p0 $0xA0, s9;
	[sflag:s13] =	ssyncadd.s32 $0xFFFFC000  }
0xa3: {  	[tilespmem:s6], [sflag:$0x2] =	stream.linear.gather @!p0 [hbm4b:s25+s26], $0x100, $0x38;
	[tilespmem:$0x1C380] =	vst v63  }
0xa4: {  	_ =	swait.ge [sflag:s14], $0x100  }
0xa5: {  	[sflag:s14] =	ssyncset.done $0x0  }
0xa6: {  	[sflag:s14] =	ssyncadd.s32 $0xFFFFFF00  }
0xa7: {  	[tilespmem:s22], [sflag:$0x6] =	stream.indirect.gather [hbm4b:s0+s19], $0x80, s30, s19, $0xb8;
	[tilespmem:$0x1C380] =	vst v63  }
0xa8: {  	_ = 	snop  }
0xa9: {  	[spmem:s3] =	stream.indirect.scatter.add.f32 [tilespmem:s31], [sflag:$0x7], $0x80, s15, s19, $0xb8;
	[tilespmem:$0x1C380] =	vst v63  }
0xaa: {  	_ = 	snop  }
0xab: {  	[spmem:s4] =	stream.indirect.scatter.add.f32 [tilespmem:s18], [sflag:$0x9], $0x1, s15, s19, $0xb8;
	[tilespmem:$0x1C380] =	vst v63  }
0xac: {  	_ =	swait.ge [sflag:s1], $0x80  }
0xad: {  	[sflag:s1] =	ssyncset.done $0x0  }
0xae: {  	[sflag:s1] =	ssyncadd.s32 $0xFFFFFF80  }
0xaf: {  	_ =	swait.ge [sflag:s7], $0x4000  }
0xb0: {  	[sflag:s7] =	ssyncset.done $0x0  }
0xb1: {  	[sflag:s7] =	ssyncadd.s32 $0xFFFFC000  }
0xb2: {  	_ =	swait.ge [sflag:s8], $0x4000  }
0xb3: {  	[sflag:s8] =	ssyncset.done $0x0  }
0xb4: {  	s6 =	sadd.s32 @!p0 $0xC0, s9;
	s9 =	simm.s32 @!p0 $0x13E80;
	[sflag:s8] =	ssyncadd.s32 $0xFFFFC000  }
0xb5: {  	[tilespmem:s9], [sflag:$0x3] =	stream.linear.gather @!p0 [hbm4b:s6+s26], $0x100, $0x38;
	[tilespmem:$0x1C380] =	vst v63  }
0xb6: {  	s6 =	simm.s32 @!p0 $0x1  }
0xb7: {  	_ =	swait.ge @!p0 [sflag:s6], $0x100  }
0xb8: {  	[sflag:s6] =	ssyncset.done @!p0 $0x0  }
0xb9: {  	s9 =	simm.s32 @!p0 $0x14080;
	[sflag:s6] =	ssyncadd.s32 @!p0 $0xFFFFFF00;
	s6 =	simm.s32 @!p0 $0x80  }
0xba: {  	[tilespmem:s9], [sflag:$0x5] =	stream.indirect.gather @!p0 [hbm4b:s0+s6], $0x80, s12, s6, $0xb8;
	[tilespmem:$0x1C380] =	vst v63  }
0xbb: {  	_ = 	snop  }
0xbc: {  	[spmem:s3] =	stream.indirect.scatter.add.f32 [tilespmem:s22], [sflag:$0x8], $0x80, s16, s19, $0xb8;
	[tilespmem:$0x1C380] =	vst v63  }
0xbd: {  	_ = 	snop  }
0xbe: {  	[spmem:s4] =	stream.indirect.scatter.add.f32 [tilespmem:s18], [sflag:$0x9], $0x1, s16, s19, $0xb8;
	[tilespmem:$0x1C380] =	vst v63  }
0xbf: {  	_ =	swait.ge [sflag:s1], $0x80  }
0xc0: {  	s26 =	simm.s32 $0x80;
	[sflag:s1] =	ssyncset.done $0x0  }
.LBB2_4:
0xc1: {  	[sflag:s1] =	ssyncadd.s32 $0xFFFFFF80;
	s6 =	smov.u32 s26;
	s26 =	sadd.s32 $0x80, s26  }
0xc2: {  	p6 =	sne.s32 s26, $0xA00  }
0xc3: {  	_ =	swait.ge [sflag:s20], $0x4000  }
0xc4: {  	p0 =	seq.s32 s6, $0x0;
	[sflag:s20] =	ssyncset.done $0x0  }
0xc5: {  	s9 =	simm.s32 @!p0 $0x8;
	s12 =	sadd.s32 @!p0 s6, s21;
	[sflag:s20] =	ssyncadd.s32 $0xFFFFC000  }
0xc6: {  	s12 =	sadd.s32 @!p0 $0x60, s12;
	_ =	swait.ge @!p0 [sflag:s9], $0x4000  }
0xc7: {  	[sflag:s9] =	ssyncset.done @!p0 $0x0  }
0xc8: {  	s25 =	simm.s32 @!p0 $0x13F80;
	[sflag:s9] =	ssyncadd.s32 @!p0 $0xFFFFC000;
	s9 =	simm.s32 @!p0 $0x0  }
0xc9: {  	[tilespmem:s25], [sflag:$0x4] =	stream.linear.gather @!p0 [hbm4b:s12+s9], $0x100, $0x38;
	[tilespmem:$0x1C380] =	vst v63  }
0xca: {  	_ =	swait.ge [sflag:s24], $0x100  }
0xcb: {  	[sflag:s24] =	ssyncset.done $0x0  }
0xcc: {  	[sflag:s24] =	ssyncadd.s32 $0xFFFFFF00  }
0xcd: {  	[tilespmem:s22], [sflag:$0x6] =	stream.indirect.gather [hbm4b:s0+s19], $0x80, s28, s19, $0xb8;
	[tilespmem:$0x1C380] =	vst v63  }
0xce: {  	_ = 	snop  }
0xcf: {  	[spmem:s3] =	stream.indirect.scatter.add.f32 [tilespmem:s31], [sflag:$0x7], $0x80, s2, s19, $0xb8;
	[tilespmem:$0x1C380] =	vst v63  }
0xd0: {  	_ = 	snop  }
0xd1: {  	[spmem:s4] =	stream.indirect.scatter.add.f32 [tilespmem:s18], [sflag:$0x9], $0x1, s2, s19, $0xb8;
	[tilespmem:$0x1C380] =	vst v63  }
0xd2: {  	_ =	swait.ge [sflag:s1], $0x80  }
0xd3: {  	[sflag:s1] =	ssyncset.done $0x0  }
0xd4: {  	[sflag:s1] =	ssyncadd.s32 $0xFFFFFF80  }
0xd5: {  	_ =	swait.ge [sflag:s7], $0x4000  }
0xd6: {  	[sflag:s7] =	ssyncset.done $0x0  }
0xd7: {  	[sflag:s7] =	ssyncadd.s32 $0xFFFFC000  }
0xd8: {  	p0 =	seq.s32 s6, $0x980;
	_ =	swait.ge [sflag:s8], $0x4000  }
0xd9: {  	s6 =	sadd.s32 @!p0 s6, s21;
	s25 =	simm.s32 @!p0 $0x13C80;
	[sflag:s8] =	ssyncset.done $0x0  }
0xda: {  	s9 =	simm.s32 @!p0 $0x0;
	s12 =	sadd.s32 @!p0 $0x80, s6;
	[sflag:s8] =	ssyncadd.s32 $0xFFFFC000  }
0xdb: {  	[tilespmem:s25], [sflag:$0x1] =	stream.linear.gather @!p0 [hbm4b:s12+s9], $0x100, $0x38;
	[tilespmem:$0x1C380] =	vst v63  }
0xdc: {  	s23 =	sadd.s32 @!p0 $0xA0, s6;
	s12 =	sadd.s32 @!p0 $0xC0, s6;
	_ =	swait.ge [sflag:s10], $0x100  }
0xdd: {  	[sflag:s10] =	ssyncset.done $0x0  }
0xde: {  	[sflag:s10] =	ssyncadd.s32 $0xFFFFFF00  }
0xdf: {  	[tilespmem:s31], [sflag:$0x5] =	stream.indirect.gather [hbm4b:s0+s19], $0x80, s29, s19, $0xb8;
	[tilespmem:$0x1C380] =	vst v63  }
0xe0: {  	_ = 	snop  }
0xe1: {  	[spmem:s3] =	stream.indirect.scatter.add.f32 [tilespmem:s22], [sflag:$0x8], $0x80, s11, s19, $0xb8;
	[tilespmem:$0x1C380] =	vst v63  }
0xe2: {  	_ = 	snop  }
0xe3: {  	[spmem:s4] =	stream.indirect.scatter.add.f32 [tilespmem:s18], [sflag:$0x9], $0x1, s11, s19, $0xb8;
	[tilespmem:$0x1C380] =	vst v63  }
0xe4: {  	_ =	swait.ge [sflag:s1], $0x80  }
0xe5: {  	[sflag:s1] =	ssyncset.done $0x0  }
0xe6: {  	[sflag:s1] =	ssyncadd.s32 $0xFFFFFF80  }
0xe7: {  	_ =	swait.ge [sflag:s20], $0x4000  }
0xe8: {  	[sflag:s20] =	ssyncset.done $0x0  }
0xe9: {  	[sflag:s20] =	ssyncadd.s32 $0xFFFFC000  }
0xea: {  	_ =	swait.ge [sflag:s13], $0x4000  }
0xeb: {  	[sflag:s13] =	ssyncset.done $0x0  }
0xec: {  	s6 =	simm.s32 @!p0 $0x13D80;
	[sflag:s13] =	ssyncadd.s32 $0xFFFFC000  }
0xed: {  	[tilespmem:s6], [sflag:$0x2] =	stream.linear.gather @!p0 [hbm4b:s23+s9], $0x100, $0x38;
	[tilespmem:$0x1C380] =	vst v63  }
0xee: {  	_ =	swait.ge [sflag:s14], $0x100  }
0xef: {  	[sflag:s14] =	ssyncset.done $0x0  }
0xf0: {  	[sflag:s14] =	ssyncadd.s32 $0xFFFFFF00  }
0xf1: {  	[tilespmem:s22], [sflag:$0x6] =	stream.indirect.gather [hbm4b:s0+s19], $0x80, s30, s19, $0xb8;
	[tilespmem:$0x1C380] =	vst v63  }
0xf2: {  	_ = 	snop  }
0xf3: {  	[spmem:s3] =	stream.indirect.scatter.add.f32 [tilespmem:s31], [sflag:$0x7], $0x80, s15, s19, $0xb8;
	[tilespmem:$0x1C380] =	vst v63  }
0xf4: {  	_ = 	snop  }
0xf5: {  	[spmem:s4] =	stream.indirect.scatter.add.f32 [tilespmem:s18], [sflag:$0x9], $0x1, s15, s19, $0xb8;
	[tilespmem:$0x1C380] =	vst v63  }
0xf6: {  	_ =	swait.ge [sflag:s1], $0x80  }
0xf7: {  	[sflag:s1] =	ssyncset.done $0x0  }
0xf8: {  	[sflag:s1] =	ssyncadd.s32 $0xFFFFFF80  }
0xf9: {  	_ =	swait.ge [sflag:s7], $0x4000  }
0xfa: {  	[sflag:s7] =	ssyncset.done $0x0  }
0xfb: {  	[sflag:s7] =	ssyncadd.s32 $0xFFFFC000  }
0xfc: {  	_ =	swait.ge [sflag:s8], $0x4000  }
0xfd: {  	[sflag:s8] =	ssyncset.done $0x0  }
0xfe: {  	s6 =	simm.s32 @!p0 $0x13E80;
	s23 =	simm.s32 @!p0 $0x1;
	[sflag:s8] =	ssyncadd.s32 $0xFFFFC000  }
0xff: {  	[tilespmem:s6], [sflag:$0x3] =	stream.linear.gather @!p0 [hbm4b:s12+s9], $0x100, $0x38;
	[tilespmem:$0x1C380] =	vst v63  }
0x100: {  	_ =	swait.ge @!p0 [sflag:s23], $0x100  }
0x101: {  	[sflag:s23] =	ssyncset.done @!p0 $0x0  }
0x102: {  	s6 =	simm.s32 @!p0 $0x80;
	s9 =	simm.s32 @!p0 $0x14080;
	[sflag:s23] =	ssyncadd.s32 @!p0 $0xFFFFFF00  }
0x103: {  	[tilespmem:s9], [sflag:$0x5] =	stream.indirect.gather @!p0 [hbm4b:s0+s6], $0x80, s25, s6, $0xb8;
	[tilespmem:$0x1C380] =	vst v63  }
0x104: {  	_ = 	snop  }
0x105: {  	[spmem:s3] =	stream.indirect.scatter.add.f32 [tilespmem:s22], [sflag:$0x8], $0x80, s16, s19, $0xb8;
	[tilespmem:$0x1C380] =	vst v63  }
.Ltmp3:
0x106: {  	_ = 	snop;
	(pc) =	sbr.rel @p6 .LBB2_4-.Ltmp3, $4  }
0x107: {  	_ = 	snop  }
0x108: {  	[spmem:s4] =	stream.indirect.scatter.add.f32 [tilespmem:s18], [sflag:$0x9], $0x1, s16, s19, $0xb8;
	[tilespmem:$0x1C380] =	vst v63  }
0x109: {  	_ =	swait.ge [sflag:s1], $0x80  }
0x10a: {  	[sflag:s1] =	ssyncset.done $0x0  }
0x10b: {  	[sflag:s1] =	ssyncadd.s32 $0xFFFFFF80  }
.Ltmp4:
0x10c: {  	_ =	swait.ge [sflag:s13], $0x4000;
	(pc) =	sbr.rel @p3 .LBB2_8-.Ltmp4, $3  }
0x10d: {  	[sflag:s13] =	ssyncset.done $0x0  }
0x10e: {  	[sflag:s13] =	ssyncadd.s32 $0xFFFFC000  }
0x10f: {  	[bflag:$0x0] =	sbarrier.arrive $0xFFFF;
	_ =	sdelay $0x1  }
.Ltmp5:
0x110: {  	(pc) =	sbr.rel @!p5 .LBB2_7-.Ltmp5, $1  }
0x111: {  	_ =	sdelay $0x3  }
0x112: {  	s5 =	rddreg [dreg:$0x14]  }
0x113: {  	s26 =	rddreg [dreg:$0x16]  }
.Ltmp6:
0x114: {  	s9 =	simm.s32 $0x1FC9;
	s6 =	sshrl.u32 s5, $0x3;
	(pc) =	sbr.rel .LBB2_12-.Ltmp6, $4  }
0x115: {  	[hbm:s26], [sflag:s9] =	dma.local [spmem:s6], $0x2800  }
0x116: {  	_ =	swait.ge [sflag:s1], $0x2800  }
0x117: {  	[sflag:s1] =	ssyncset.done $0x0  }
0x118: {  	p0 =	por $0x0, $0x0;
	s23 =	simm.s32 $0x13C80;
	[sflag:s1] =	ssyncadd.s32 $0xFFFFD800  }
.LBB2_8:
.Ltmp7:
0x119: {  	(pc) =	sbr.rel @!p1 .LBB2_12-.Ltmp7, $2  }
0x11a: {  	_ =	sdelay $0x2  }
0x11b: {  	p0 =	por $0x0, $0x0;
	s23 =	simm.s32 $0x13C80  }
.Ltmp8:
0x11c: {  	(pc) =	sbr.rel @!p5 .LBB2_10-.Ltmp8, $1  }
0x11d: {  	_ =	sdelay $0x3  }
0x11e: {  	s5 =	rddreg [dreg:$0x14]  }
0x11f: {  	s26 =	rddreg [dreg:$0x15]  }
.Ltmp9:
0x120: {  	s9 =	simm.s32 $0x1FC9;
	s6 =	sshrl.u32 s5, $0x3;
	(pc) =	sbr.rel .LBB2_12-.Ltmp9, $4  }
0x121: {  	[hbm:s26], [sflag:s9] =	dma.local [spmem:s6], $0x2800  }
0x122: {  	_ =	swait.ge [sflag:s1], $0x2800  }
0x123: {  	[sflag:s1] =	ssyncset.done $0x0  }
0x124: {  	[sflag:s1] =	ssyncadd.s32 $0xFFFFD800  }
.LBB2_7:
0x125: {  	s6 =	sshll.u32 s5, $0x6;
	s9 =	rddreg [dreg:$0x11]  }
0x126: {  	s12 =	rddreg [dreg:$0x12];
	s6 =	sor.u32 $0x1C09, s6;
	s9 =	sshrl.u32 s9, $0x3  }
0x127: {  	[hbm:s12], [sflag:s6] =	dma.local [spmem:s9], $0x2700  }
.Ltmp10:
0x128: {  	_ = 	snop;
	(pc) =	sbr.rel @p1 .LBB2_10-.Ltmp10, $4  }
.Ltmp11:
0x129: {  	_ = 	snop;
	(pc) =	sbr.rel @!p1 .LBB2_12-.Ltmp11, $4  }
0x12a: {  	_ =	swait.ge [sflag:s1], $0x2700  }
0x12b: {  	[sflag:s1] =	ssyncset.done $0x0  }
0x12c: {  	p0 =	por $0x0, $0x0;
	s23 =	simm.s32 $0x13C80;
	[sflag:s1] =	ssyncadd.s32 $0xFFFFD900  }
0x12d: {  	_ = 	snop  }
.LBB2_13:
0x12e: {  	_ =	sfence.sel $0x180000  }
0x12f: {  	[bflag:$0x0] =	sbarrier.arrive $0xFFFF  }
0x130: {  	_ =	strace $0x90000047  }
0x131: {  	[bflag:$0x2] =	sbarrier.arrive $0xFFFF  }
0x132: {  	s0 =	rddreg [dreg:$0x5]  }
0x133: {  	s0 =	sadd.s32 @!p2 $0x100000, s0  }
0x134: {  	[sflag:s0] =	ssyncadd.tile.s32 @!p2 $0x1;
	_ =	shalt  }
.Lfunc_end2:
_tile_overlayer_lowered:
.L_overlay_start_2:
0x135: {  	(tag) =	ssettag $0x2  }
0x136: {  	s0 =	rddreg [dreg:$0x0];
	s2 =	stileid.u32  }
0x137: {  	s1 =	rddreg [dreg:$0x1];
	p0 =	sne.s32 s2, $0x0  }
0x138: {  	s3 =	rddreg [dreg:$0x2];
	[bflag:$0x3] =	sbarrier.arrive $0xFFFF;
	s2 =	simm.s32 @!p0 $0x1C09  }
0x139: {  	[timem:s3], [sflag:s2] =	dma.local @!p0 [hbm:s0], s1  }
0x13a: {  	s0 =	simm.s32 @!p0 $0x9  }
0x13b: {  	_ =	swait.ge @!p0 [sflag:s0], s1  }
0x13c: {  	s1 =	ssub.s32 @!p0 $0x0, s1;
	[sflag:s0] =	ssyncset.done @!p0 $0x0  }
0x13d: {  	[sflag:s0] =	ssyncadd.s32 @!p0 s1  }
0x13e: {  	[bflag:$0x3] =	sbarrier.arrive $0xFFFF  }
0x13f: {  	_ =	shalt  }

</sc_bundles>
